<compile_context>
chip_gen: v7x
topology: tpu7x:2x2x1
jax: 0.10.2.dev20260603
libtpu: 0.0.44.dev20260713+nightly
codegen_flags: <defaults>
</compile_context>

<pallas_src>
import functools

import jax
import jax.numpy as jnp
from jax.experimental import pallas as pl
from jax.experimental.pallas import tpu as pltpu

CONF_THRES = 0.25
IOU_THRES = 0.45
TOPK = 1000
PAD = 1024
MAX_DET = 300
ODET = 304
MAX_WH = 4096.0


def _score_body(p_ref, s_ref):
    p = p_ref[...]
    obj = jax.nn.sigmoid(p[:, 4:5])
    conf = obj * jax.nn.sigmoid(p[:, 5:85])
    s_ref[...] = jnp.max(conf, axis=1, keepdims=True)


def _scores(pred2d):
    n = pred2d.shape[0]
    blk = 4000
    return pl.pallas_call(
        _score_body,
        grid=(n // blk,),
        in_specs=[pl.BlockSpec((blk, 85), lambda i: (i, 0))],
        out_specs=pl.BlockSpec((blk, 1), lambda i: (i, 0)),
        out_shape=jax.ShapeDtypeStruct((n, 1), jnp.float32),
    )(pred2d)


def _nms_body(c_ref, o_ref, bmat, dblk, fmat):
    c = c_ref[0]

    xy = jax.nn.sigmoid(c[:, 0:2]) * 640.0
    wh = jax.nn.sigmoid(c[:, 2:4]) * 128.0
    x1y1 = xy - wh * 0.5
    x2y2 = xy + wh * 0.5
    conf = jax.nn.sigmoid(c[:, 4:5]) * jax.nn.sigmoid(c[:, 5:85])
    score = jnp.max(conf, axis=1, keepdims=True)
    ii = jax.lax.broadcasted_iota(jnp.int32, (PAD, 80), 1)
    cls = jnp.min(jnp.where(conf == score, ii, 127), axis=1, keepdims=True)
    clsf = cls.astype(jnp.float32)
    off = clsf * MAX_WH
    ox1 = x1y1[:, 0:1] + off
    oy1 = x1y1[:, 1:2] + off
    ox2 = x2y2[:, 0:1] + off
    oy2 = x2y2[:, 1:2] + off
    area = (ox2 - ox1) * (oy2 - oy1)

    g = jnp.concatenate([ox1, oy1, ox2, oy2, area, score,
                         jnp.zeros((PAD, 2), jnp.float32)], axis=1)
    eye8 = jnp.where(
        jax.lax.broadcasted_iota(jnp.int32, (8, 8), 0)
        == jax.lax.broadcasted_iota(jnp.int32, (8, 8), 1), 1.0, 0.0)
    gT = jax.lax.dot_general(eye8, g, (((1,), (1,)), ((), ())),
                             precision=jax.lax.Precision.HIGHEST,
                             preferred_element_type=jnp.float32)
    ox1T = gT[0:1, :]
    oy1T = gT[1:2, :]
    ox2T = gT[2:3, :]
    oy2T = gT[3:4, :]
    areaT = gT[4:5, :]
    scoreT = gT[5:6, :]

    for k in range(PAD // 128):
        s = slice(k * 128, (k + 1) * 128)
        ltx = jnp.maximum(ox1[s, :], ox1T)
        lty = jnp.maximum(oy1[s, :], oy1T)
        rbx = jnp.minimum(ox2[s, :], ox2T)
        rby = jnp.minimum(oy2[s, :], oy2T)
        w = jnp.clip(rbx - ltx, 0.0, None)
        h = jnp.clip(rby - lty, 0.0, None)
        inter = w * h
        iou = inter / (area[s, :] + areaT - inter + 1e-9)
        ri = jax.lax.broadcasted_iota(jnp.int32, (128, PAD), 0) + k * 128
        ci = jax.lax.broadcasted_iota(jnp.int32, (128, PAD), 1)
        blk = jnp.where((iou > IOU_THRES) & (ci > ri), 1.0, 0.0)
        bmat[s, :] = blk
        dblk[s, :] = blk[:, k * 128:(k + 1) * 128]

    lane = jax.lax.broadcasted_iota(jnp.int32, (1, PAD), 1)
    keep = jnp.where((scoreT > CONF_THRES) & (lane < TOPK), 1.0, 0.0)
    lane128 = jax.lax.broadcasted_iota(jnp.int32, (1, 128), 1)
    nblk = PAD // 128
    segs = []
    rest = keep
    for k in range(nblk):
        kb = k * 128
        kblk = rest[:, 0:128]

        def body(t, kb_):
            r8 = dblk[pl.ds(kb + t * 8, 8), :]
            for j in range(8):
                i = t * 8 + j
                keep_i = jnp.max(jnp.where(lane128 == i, kb_, 0.0))
                kb_ = kb_ * (1.0 - r8[j:j + 1, :] * keep_i)
            return kb_

        kblk = jax.lax.fori_loop(0, 16, body, kblk)
        segs.append(kblk)
        if k + 1 < nblk:
            kb8 = jnp.broadcast_to(kblk, (8, 128))
            supp = jax.lax.dot_general(
                kb8, bmat[kb:kb + 128, kb + 128:],
                (((1,), (0,)), ((), ())),
                precision=jax.lax.Precision.HIGHEST,
                preferred_element_type=jnp.float32)[0:1, :]
            rest = rest[:, 128:] * jnp.where(supp > 0.0, 0.0, 1.0)
    keep = jnp.concatenate(segs, axis=1)

    for k in range(PAD // 128):
        s = slice(k * 128, (k + 1) * 128)
        ri = jax.lax.broadcasted_iota(jnp.int32, (128, PAD), 0) + k * 128
        ci = jax.lax.broadcasted_iota(jnp.int32, (128, PAD), 1)
        bmat[s, :] = jnp.where(ri <= ci, 1.0, 0.0)
    keep8 = jnp.broadcast_to(keep, (8, PAD))
    ksum = jnp.dot(keep8, bmat[...], precision=jax.lax.Precision.HIGHEST,
                   preferred_element_type=jnp.float32)[0:1, :]

    fmat[:, 0:2] = x1y1
    fmat[:, 2:4] = x2y2
    fmat[:, 4:5] = score
    fmat[:, 5:6] = clsf
    fmat[:, 6:8] = jnp.zeros((PAD, 2), jnp.float32)
    oidx = (jax.lax.broadcasted_iota(jnp.int32, (ODET, PAD), 0) + 1
            ).astype(jnp.float32)
    sel = jnp.where((jnp.broadcast_to(ksum, (ODET, PAD)) == oidx)
                    & (jnp.broadcast_to(keep, (ODET, PAD)) > 0.0), 1.0, 0.0)
    o_ref[0] = jnp.dot(sel, fmat[...], precision=jax.lax.Precision.HIGHEST,
                       preferred_element_type=jnp.float32)


def _nms(cand):
    b = cand.shape[0]
    return pl.pallas_call(
        _nms_body,
        grid=(b,),
        in_specs=[
            pl.BlockSpec((1, PAD, 85), lambda i: (i, 0, 0)),
        ],
        out_specs=pl.BlockSpec((1, ODET, 8), lambda i: (i, 0, 0)),
        out_shape=jax.ShapeDtypeStruct((b, ODET, 8), jnp.float32),
        scratch_shapes=[
            pltpu.VMEM((PAD, PAD), jnp.float32),
            pltpu.VMEM((PAD, 128), jnp.float32),
            pltpu.VMEM((PAD, 8), jnp.float32),
        ],
    )(cand)


@jax.jit
def kernel(pred):
    b, n, f = pred.shape
    scores = _scores(pred.reshape(b * n, f)).reshape(b, n)
    _, idx = jax.lax.top_k(scores, TOPK)
    idx = jnp.pad(idx, ((0, 0), (0, PAD - TOPK)))
    cand = jnp.take_along_axis(pred, idx[:, :, None], axis=1)
    out = _nms(cand)
    return out[:, :MAX_DET, :6]

# --- scband reference (transcript-rebuilt; emitter-appended) ---
"""Pipeline reference for scband-auto-shape-2860448219382 (READ-ONLY COPY).

The authoritative reference and input builder live on the scoring server;
editing this copy changes nothing except your own understanding.
"""

import jax, jax.numpy as jnp
import numpy as np

CONF_THRES = 0.25
IOU_THRES = 0.45
TOPK = 1000
MAX_DET = 300
MAX_WH = 4096.0


def setup_inputs(seed: int = 0) -> dict:
    key = jax.random.key(seed)
    pred = jax.random.normal(key, (4, 20000, 85), dtype=jnp.float32)
    return {"pred": pred}


def _box_iou(a, b):
    area_a = (a[:, 2] - a[:, 0]) * (a[:, 3] - a[:, 1])
    area_b = (b[:, 2] - b[:, 0]) * (b[:, 3] - b[:, 1])
    lt = jnp.maximum(a[:, None, :2], b[None, :, :2])
    rb = jnp.minimum(a[:, None, 2:], b[None, :, 2:])
    wh = jnp.clip(rb - lt, 0.0, None)
    inter = wh[..., 0] * wh[..., 1]
    return inter / (area_a[:, None] + area_b[None, :] - inter + 1e-9)


def _nms_single(boxes, scores, cls_id):
    # boxes: [N,4] xyxy, scores: [N], cls_id: [N] int
    cand_scores, idx = jax.lax.top_k(scores, TOPK)
    cand_boxes = boxes[idx]
    cand_cls = cls_id[idx]
    # class-aware NMS: offset boxes by class id (yolov5 trick)
    off = cand_cls.astype(jnp.float32) * MAX_WH
    nms_boxes = jax.lax.stop_gradient(cand_boxes) + off[:, None]
    iou = _box_iou(nms_boxes, nms_boxes)
    valid = jax.lax.stop_gradient(cand_scores) > CONF_THRES
    ar = jnp.arange(TOPK)
    def body(i, keep):
        row = (iou[i] > IOU_THRES) & (ar > i) & keep[i]
        return keep & (~row)
    keep = jax.lax.fori_loop(0, TOPK, body, valid)
    masked = jnp.where(keep, cand_scores, -1.0)
    det_scores, didx = jax.lax.top_k(masked, MAX_DET)
    det_boxes = cand_boxes[didx]
    det_cls = cand_cls[didx].astype(jnp.float32)
    det_valid = (jax.lax.stop_gradient(det_scores) > 0.0).astype(jnp.float32)
    det = jnp.concatenate([det_boxes, det_scores[:, None], det_cls[:, None]], axis=1)
    return det * det_valid[:, None]


def reference(pred):
    # decode raw predictions like YOLO head: sigmoid activations, xywh -> xyxy
    xy = jax.nn.sigmoid(pred[..., :2]) * 640.0
    wh = jax.nn.sigmoid(pred[..., 2:4]) * 128.0
    obj = jax.nn.sigmoid(pred[..., 4])
    clsp = jax.nn.sigmoid(pred[..., 5:])
    cls_conf = obj[..., None] * clsp
    scores = jnp.max(cls_conf, axis=-1)
    cls_id = jnp.argmax(cls_conf, axis=-1)
    x1y1 = xy - wh * 0.5
    x2y2 = xy + wh * 0.5
    boxes = jnp.concatenate([x1y1, x2y2], axis=-1)
    # per-image confidence filter + greedy class-aware NMS + top MAX_DET
    return jax.vmap(_nms_single)(boxes, scores, cls_id)  # [B, 300, 6]

if __name__ == "__main__":
    import jax
    _d = setup_inputs()
    print(jax.jit(kernel)(*tuple(_d.values())))

</pallas_src>

<mosaic_0001>
module attributes {stable_mosaic.version = 14 : i64} {
  func.func @_score_body(%arg0: i32, %arg1: memref<4000x85xf32, #tpu.memory_space<vmem>>, %arg2: memref<4000x1xf32, #tpu.memory_space<vmem>>) attributes {dimension_semantics = [#tpu.dimension_semantics<arbitrary>], iteration_bounds = array<i64: 20>, scalar_prefetch = 0 : i64, scratch_operands = 0 : i64, tpu.core_type = #tpu.core_type<tc>, window_params = [{transform_indices = @transform_0, window_bounds = array<i64: 4000, 85>}, {transform_indices = @transform_1, window_bounds = array<i64: 4000, 1>}]} {
    %get3A = arith.constant 0 : index
    %get3A_0 = arith.constant 0 : index
    %get3A_1 = vector.load %arg1[%get3A, %get3A_0] : memref<4000x85xf32, #tpu.memory_space<vmem>>, vector<4000x85xf32>
    %slice3A = vector.extract_strided_slice %get3A_1 {offsets = [0, 4], sizes = [4000, 1], strides = [1, 1]} : vector<4000x85xf32> to vector<4000x1xf32>
    %logistic3A = arith.negf %slice3A : vector<4000x1xf32>
    %logistic3A_2 = math.exp %logistic3A : vector<4000x1xf32>
    %logistic3A_3 = arith.constant 1.000000e+00 : f32
    %logistic3A_4 = vector.broadcast %logistic3A_3 : f32 to vector<4000x1xf32>
    %logistic3A_5 = arith.addf %logistic3A_4, %logistic3A_2 : vector<4000x1xf32>
    %logistic3A_6 = arith.divf %logistic3A_4, %logistic3A_5 : vector<4000x1xf32>
    %slice3A_7 = vector.extract_strided_slice %get3A_1 {offsets = [0, 5], sizes = [4000, 80], strides = [1, 1]} : vector<4000x85xf32> to vector<4000x80xf32>
    %logistic3A_8 = arith.negf %slice3A_7 : vector<4000x80xf32>
    %logistic3A_9 = math.exp %logistic3A_8 : vector<4000x80xf32>
    %logistic3A_10 = arith.constant 1.000000e+00 : f32
    %logistic3A_11 = vector.broadcast %logistic3A_10 : f32 to vector<4000x80xf32>
    %logistic3A_12 = arith.addf %logistic3A_11, %logistic3A_9 : vector<4000x80xf32>
    %logistic3A_13 = arith.divf %logistic3A_11, %logistic3A_12 : vector<4000x80xf32>
    %mul3A = vector.broadcast %logistic3A_6 : vector<4000x1xf32> to vector<4000x80xf32>
    %mul3A_14 = arith.mulf %mul3A, %logistic3A_13 : vector<4000x80xf32>
    %reduce_max3A = arith.constant dense<0xFF800000> : vector<4000xf32>
    %reduce_max3A_15 = vector.multi_reduction <maximumf>, %mul3A_14, %reduce_max3A [1] : vector<4000x80xf32> to vector<4000xf32>
    %broadcast_in_dim3A = vector.shape_cast %reduce_max3A_15 : vector<4000xf32> to vector<4000x1xf32>
    %swap3A = arith.constant 0 : index
    %swap3A_16 = arith.constant 0 : index
    %swap3A_17 = vector.load %arg2[%swap3A, %swap3A_16] : memref<4000x1xf32, #tpu.memory_space<vmem>>, vector<4000x1xf32>
    tpu.vector_store %arg2[%swap3A, %swap3A_16], %broadcast_in_dim3A {strides = array<i32>} : memref<4000x1xf32, #tpu.memory_space<vmem>>, vector<4000x1xf32>,
    return
  }
  func.func @transform_0(%arg0: i32) -> (i32, i32) {
    %c0_i32 = arith.constant 0 : i32
    %c0_i32_0 = arith.constant 0 : i32
    return %arg0, %c0_i32 : i32, i32
  }
  func.func @transform_1(%arg0: i32) -> (i32, i32) {
    %c0_i32 = arith.constant 0 : i32
    %c0_i32_0 = arith.constant 0 : i32
    return %arg0, %c0_i32 : i32, i32
  }
}

module attributes {stable_mosaic.version = 14 : i64} {
  func.func @_nms_body(%arg0: i32, %arg1: memref<1x1024x85xf32, #tpu.memory_space<vmem>>, %arg2: memref<1x304x8xf32, #tpu.memory_space<vmem>>, %arg3: memref<1024x1024xf32, #tpu.memory_space<vmem>>, %arg4: memref<1024x128xf32, #tpu.memory_space<vmem>>, %arg5: memref<1024x8xf32, #tpu.memory_space<vmem>>) attributes {dimension_semantics = [#tpu.dimension_semantics<arbitrary>], iteration_bounds = array<i64: 4>, scalar_prefetch = 0 : i64, scratch_operands = 3 : i64, tpu.core_type = #tpu.core_type<tc>, window_params = [{transform_indices = @transform_0, window_bounds = array<i64: 1, 1024, 85>}, {transform_indices = @transform_1, window_bounds = array<i64: 1, 304, 8>}]} {
    %get3A = arith.constant 0 : index
    %get3A_0 = arith.constant 0 : index
    %get3A_1 = arith.constant 0 : index
    %get3A_2 = vector.load %arg1[%get3A, %get3A_0, %get3A_1] : memref<1x1024x85xf32, #tpu.memory_space<vmem>>, vector<1x1024x85xf32>
    %get3A_3 = vector.shape_cast %get3A_2 : vector<1x1024x85xf32> to vector<1024x85xf32>
    %slice3A = vector.extract_strided_slice %get3A_3 {offsets = [0, 0], sizes = [1024, 2], strides = [1, 1]} : vector<1024x85xf32> to vector<1024x2xf32>
    %logistic3A = arith.negf %slice3A : vector<1024x2xf32>
    %logistic3A_4 = math.exp %logistic3A : vector<1024x2xf32>
    %logistic3A_5 = arith.constant 1.000000e+00 : f32
    %logistic3A_6 = vector.broadcast %logistic3A_5 : f32 to vector<1024x2xf32>
    %logistic3A_7 = arith.addf %logistic3A_6, %logistic3A_4 : vector<1024x2xf32>
    %logistic3A_8 = arith.divf %logistic3A_6, %logistic3A_7 : vector<1024x2xf32>
    %mul3A = arith.constant 6.400000e+02 : f32
    %mul3A_9 = vector.broadcast %mul3A : f32 to vector<1024x2xf32>
    %mul3A_10 = arith.mulf %logistic3A_8, %mul3A_9 : vector<1024x2xf32>
    %slice3A_11 = vector.extract_strided_slice %get3A_3 {offsets = [0, 2], sizes = [1024, 2], strides = [1, 1]} : vector<1024x85xf32> to vector<1024x2xf32>
    %logistic3A_12 = arith.negf %slice3A_11 : vector<1024x2xf32>
    %logistic3A_13 = math.exp %logistic3A_12 : vector<1024x2xf32>
    %logistic3A_14 = arith.constant 1.000000e+00 : f32
    %logistic3A_15 = vector.broadcast %logistic3A_14 : f32 to vector<1024x2xf32>
    %logistic3A_16 = arith.addf %logistic3A_15, %logistic3A_13 : vector<1024x2xf32>
    %logistic3A_17 = arith.divf %logistic3A_15, %logistic3A_16 : vector<1024x2xf32>
    %mul3A_18 = arith.constant 1.280000e+02 : f32
    %mul3A_19 = vector.broadcast %mul3A_18 : f32 to vector<1024x2xf32>
    %mul3A_20 = arith.mulf %logistic3A_17, %mul3A_19 : vector<1024x2xf32>
    %mul3A_21 = arith.constant 5.000000e-01 : f32
    %mul3A_22 = vector.broadcast %mul3A_21 : f32 to vector<1024x2xf32>
    %mul3A_23 = arith.mulf %mul3A_20, %mul3A_22 : vector<1024x2xf32>
    %sub3A = arith.subf %mul3A_10, %mul3A_23 : vector<1024x2xf32>
    %mul3A_24 = arith.constant 5.000000e-01 : f32
    %mul3A_25 = vector.broadcast %mul3A_24 : f32 to vector<1024x2xf32>
    %mul3A_26 = arith.mulf %mul3A_20, %mul3A_25 : vector<1024x2xf32>
    %add3A = arith.addf %mul3A_10, %mul3A_26 : vector<1024x2xf32>
    %slice3A_27 = vector.extract_strided_slice %get3A_3 {offsets = [0, 4], sizes = [1024, 1], strides = [1, 1]} : vector<1024x85xf32> to vector<1024x1xf32>
    %logistic3A_28 = arith.negf %slice3A_27 : vector<1024x1xf32>
    %logistic3A_29 = math.exp %logistic3A_28 : vector<1024x1xf32>
    %logistic3A_30 = arith.constant 1.000000e+00 : f32
    %logistic3A_31 = vector.broadcast %logistic3A_30 : f32 to vector<1024x1xf32>
    %logistic3A_32 = arith.addf %logistic3A_31, %logistic3A_29 : vector<1024x1xf32>
    %logistic3A_33 = arith.divf %logistic3A_31, %logistic3A_32 : vector<1024x1xf32>
    %slice3A_34 = vector.extract_strided_slice %get3A_3 {offsets = [0, 5], sizes = [1024, 80], strides = [1, 1]} : vector<1024x85xf32> to vector<1024x80xf32>
    %logistic3A_35 = arith.negf %slice3A_34 : vector<1024x80xf32>
    %logistic3A_36 = math.exp %logistic3A_35 : vector<1024x80xf32>
    %logistic3A_37 = arith.constant 1.000000e+00 : f32
    %logistic3A_38 = vector.broadcast %logistic3A_37 : f32 to vector<1024x80xf32>
    %logistic3A_39 = arith.addf %logistic3A_38, %logistic3A_36 : vector<1024x80xf32>
    %logistic3A_40 = arith.divf %logistic3A_38, %logistic3A_39 : vector<1024x80xf32>
    %mul3A_41 = vector.broadcast %logistic3A_33 : vector<1024x1xf32> to vector<1024x80xf32>
    %mul3A_42 = arith.mulf %mul3A_41, %logistic3A_40 : vector<1024x80xf32>
    %reduce_max3A = arith.constant dense<0xFF800000> : vector<1024xf32>
    %reduce_max3A_43 = vector.multi_reduction <maximumf>, %mul3A_42, %reduce_max3A [1] : vector<1024x80xf32> to vector<1024xf32>
    %broadcast_in_dim3A = vector.shape_cast %reduce_max3A_43 : vector<1024xf32> to vector<1024x1xf32>
    %iota3A = tpu.iota {dimensions = array<i32: 1>} : vector<1024x80xi32>
    %eq3A = vector.broadcast %broadcast_in_dim3A : vector<1024x1xf32> to vector<1024x80xf32>
    %eq3A_44 = arith.cmpf oeq, %mul3A_42, %eq3A : vector<1024x80xf32>
    %jit3A = arith.constant 127 : i32
    %broadcast_in_dim3A_45 = vector.broadcast %jit3A : i32 to vector<1024x80xi32>
    %select_n3A = arith.select %eq3A_44, %iota3A, %broadcast_in_dim3A_45 : vector<1024x80xi1>, vector<1024x80xi32>
    %reduce_min3A = arith.constant dense<2147483647> : vector<1024xi32>
    %reduce_min3A_46 = vector.multi_reduction <minsi>, %select_n3A, %reduce_min3A [1] : vector<1024x80xi32> to vector<1024xi32>
    %broadcast_in_dim3A_47 = vector.shape_cast %reduce_min3A_46 : vector<1024xi32> to vector<1024x1xi32>
    %convert_element_type3A = arith.sitofp %broadcast_in_dim3A_47 : vector<1024x1xi32> to vector<1024x1xf32>
    %mul3A_48 = arith.constant 4.096000e+03 : f32
    %mul3A_49 = vector.broadcast %mul3A_48 : f32 to vector<1024x1xf32>
    %mul3A_50 = arith.mulf %convert_element_type3A, %mul3A_49 : vector<1024x1xf32>
    %slice3A_51 = vector.extract_strided_slice %sub3A {offsets = [0, 0], sizes = [1024, 1], strides = [1, 1]} : vector<1024x2xf32> to vector<1024x1xf32>
    %add3A_52 = arith.addf %slice3A_51, %mul3A_50 : vector<1024x1xf32>
    %slice3A_53 = vector.extract_strided_slice %sub3A {offsets = [0, 1], sizes = [1024, 1], strides = [1, 1]} : vector<1024x2xf32> to vector<1024x1xf32>
    %add3A_54 = arith.addf %slice3A_53, %mul3A_50 : vector<1024x1xf32>
    %slice3A_55 = vector.extract_strided_slice %add3A {offsets = [0, 0], sizes = [1024, 1], strides = [1, 1]} : vector<1024x2xf32> to vector<1024x1xf32>
    %add3A_56 = arith.addf %slice3A_55, %mul3A_50 : vector<1024x1xf32>
    %slice3A_57 = vector.extract_strided_slice %add3A {offsets = [0, 1], sizes = [1024, 1], strides = [1, 1]} : vector<1024x2xf32> to vector<1024x1xf32>
    %add3A_58 = arith.addf %slice3A_57, %mul3A_50 : vector<1024x1xf32>
    %sub3A_59 = arith.subf %add3A_56, %add3A_52 : vector<1024x1xf32>
    %sub3A_60 = arith.subf %add3A_58, %add3A_54 : vector<1024x1xf32>
    %mul3A_61 = arith.mulf %sub3A_59, %sub3A_60 : vector<1024x1xf32>
    %broadcast_in_dim3A_62 = arith.constant 0.000000e+00 : f32
    %broadcast_in_dim3A_63 = vector.broadcast %broadcast_in_dim3A_62 : f32 to vector<1024x2xf32>
    %concatenate3A = tpu.concatenate %add3A_52, %add3A_54, %add3A_56, %add3A_58, %mul3A_61, %broadcast_in_dim3A, %broadcast_in_dim3A_63 in 1 : vector<1024x1xf32>, vector<1024x1xf32>, vector<1024x1xf32>, vector<1024x1xf32>, vector<1024x1xf32>, vector<1024x1xf32>, vector<1024x2xf32> -> vector<1024x8xf32>
    %iota3A_64 = tpu.iota {dimensions = array<i32: 0>} : vector<8x8xi32>
    %iota3A_65 = tpu.iota {dimensions = array<i32: 1>} : vector<8x8xi32>
    %eq3A_66 = arith.cmpi eq, %iota3A_64, %iota3A_65 : vector<8x8xi32>
    %jit3A_67 = arith.constant 1.000000e+00 : f32
    %jit3A_68 = arith.constant 0.000000e+00 : f32
    %broadcast_in_dim3A_69 = vector.broadcast %jit3A_67 : f32 to vector<8x8xf32>
    %broadcast_in_dim3A_70 = vector.broadcast %jit3A_68 : f32 to vector<8x8xf32>
    %select_n3A_71 = arith.select %eq3A_66, %broadcast_in_dim3A_69, %broadcast_in_dim3A_70 : vector<8x8xi1>, vector<8x8xf32>
    %dot_general3A = arith.constant dense<0.000000e+00> : vector<8x1024xf32>
    %dot_general3A_72 = tpu.matmul %select_n3A_71, %concatenate3A, %dot_general3A {dimension_numbers = #tpu.dot_dimension_numbers<[1], [1], [0], [0], [0, 0, 1, 0], [], []>, precision = #tpu.contract_precision<fp32>, transpose_lhs_hint = false} : vector<8x8xf32>, vector<1024x8xf32>, vector<8x1024xf32> -> vector<8x1024xf32>
    %slice3A_73 = vector.extract_strided_slice %dot_general3A_72 {offsets = [0, 0], sizes = [1, 1024], strides = [1, 1]} : vector<8x1024xf32> to vector<1x1024xf32>
    %slice3A_74 = vector.extract_strided_slice %dot_general3A_72 {offsets = [1, 0], sizes = [1, 1024], strides = [1, 1]} : vector<8x1024xf32> to vector<1x1024xf32>
    %slice3A_75 = vector.extract_strided_slice %dot_general3A_72 {offsets = [2, 0], sizes = [1, 1024], strides = [1, 1]} : vector<8x1024xf32> to vector<1x1024xf32>
    %slice3A_76 = vector.extract_strided_slice %dot_general3A_72 {offsets = [3, 0], sizes = [1, 1024], strides = [1, 1]} : vector<8x1024xf32> to vector<1x1024xf32>
    %slice3A_77 = vector.extract_strided_slice %dot_general3A_72 {offsets = [4, 0], sizes = [1, 1024], strides = [1, 1]} : vector<8x1024xf32> to vector<1x1024xf32>
    %slice3A_78 = vector.extract_strided_slice %dot_general3A_72 {offsets = [5, 0], sizes = [1, 1024], strides = [1, 1]} : vector<8x1024xf32> to vector<1x1024xf32>
    %slice3A_79 = vector.extract_strided_slice %add3A_52 {offsets = [0, 0], sizes = [128, 1], strides = [1, 1]} : vector<1024x1xf32> to vector<128x1xf32>
    %max3A = vector.broadcast %slice3A_79 : vector<128x1xf32> to vector<128x1024xf32>
    %max3A_80 = vector.broadcast %slice3A_73 : vector<1x1024xf32> to vector<128x1024xf32>
    %max3A_81 = arith.maximumf %max3A, %max3A_80 : vector<128x1024xf32>
    %slice3A_82 = vector.extract_strided_slice %add3A_54 {offsets = [0, 0], sizes = [128, 1], strides = [1, 1]} : vector<1024x1xf32> to vector<128x1xf32>
    %max3A_83 = vector.broadcast %slice3A_82 : vector<128x1xf32> to vector<128x1024xf32>
    %max3A_84 = vector.broadcast %slice3A_74 : vector<1x1024xf32> to vector<128x1024xf32>
    %max3A_85 = arith.maximumf %max3A_83, %max3A_84 : vector<128x1024xf32>
    %slice3A_86 = vector.extract_strided_slice %add3A_56 {offsets = [0, 0], sizes = [128, 1], strides = [1, 1]} : vector<1024x1xf32> to vector<128x1xf32>
    %min3A = vector.broadcast %slice3A_86 : vector<128x1xf32> to vector<128x1024xf32>
    %min3A_87 = vector.broadcast %slice3A_75 : vector<1x1024xf32> to vector<128x1024xf32>
    %min3A_88 = arith.minimumf %min3A, %min3A_87 : vector<128x1024xf32>
    %slice3A_89 = vector.extract_strided_slice %add3A_58 {offsets = [0, 0], sizes = [128, 1], strides = [1, 1]} : vector<1024x1xf32> to vector<128x1xf32>
    %min3A_90 = vector.broadcast %slice3A_89 : vector<128x1xf32> to vector<128x1024xf32>
    %min3A_91 = vector.broadcast %slice3A_76 : vector<1x1024xf32> to vector<128x1024xf32>
    %min3A_92 = arith.minimumf %min3A_90, %min3A_91 : vector<128x1024xf32>
    %sub3A_93 = arith.subf %min3A_88, %max3A_81 : vector<128x1024xf32>
    %jit3A_94 = arith.constant 0.000000e+00 : f32
    %max3A_95 = vector.broadcast %jit3A_94 : f32 to vector<128x1024xf32>
    %max3A_96 = arith.maximumf %max3A_95, %sub3A_93 : vector<128x1024xf32>
    %sub3A_97 = arith.subf %min3A_92, %max3A_85 : vector<128x1024xf32>
    %jit3A_98 = arith.constant 0.000000e+00 : f32
    %max3A_99 = vector.broadcast %jit3A_98 : f32 to vector<128x1024xf32>
    %max3A_100 = arith.maximumf %max3A_99, %sub3A_97 : vector<128x1024xf32>
    %mul3A_101 = arith.mulf %max3A_96, %max3A_100 : vector<128x1024xf32>
    %slice3A_102 = vector.extract_strided_slice %mul3A_61 {offsets = [0, 0], sizes = [128, 1], strides = [1, 1]} : vector<1024x1xf32> to vector<128x1xf32>
    %add3A_103 = vector.broadcast %slice3A_102 : vector<128x1xf32> to vector<128x1024xf32>
    %add3A_104 = vector.broadcast %slice3A_77 : vector<1x1024xf32> to vector<128x1024xf32>
    %add3A_105 = arith.addf %add3A_103, %add3A_104 : vector<128x1024xf32>
    %sub3A_106 = arith.subf %add3A_105, %mul3A_101 : vector<128x1024xf32>
    %add3A_107 = arith.constant 9.99999971E-10 : f32
    %add3A_108 = vector.broadcast %add3A_107 : f32 to vector<128x1024xf32>
    %add3A_109 = arith.addf %sub3A_106, %add3A_108 : vector<128x1024xf32>
    %div3A = arith.divf %mul3A_101, %add3A_109 : vector<128x1024xf32>
    %iota3A_110 = tpu.iota {dimensions = array<i32: 0>} : vector<128x1024xi32>
    %add3A_111 = arith.constant 0 : i32
    %add3A_112 = vector.broadcast %add3A_111 : i32 to vector<128x1024xi32>
    %add3A_113 = arith.addi %iota3A_110, %add3A_112 : vector<128x1024xi32>
    %iota3A_114 = tpu.iota {dimensions = array<i32: 1>} : vector<128x1024xi32>
    %gt3A = arith.constant 4.500000e-01 : f32
    %gt3A_115 = vector.broadcast %gt3A : f32 to vector<128x1024xf32>
    %gt3A_116 = arith.cmpf ogt, %div3A, %gt3A_115 : vector<128x1024xf32>
    %gt3A_117 = arith.cmpi sgt, %iota3A_114, %add3A_113 : vector<128x1024xi32>
    %and3A = arith.andi %gt3A_116, %gt3A_117 : vector<128x1024xi1>
    %jit3A_118 = arith.constant 1.000000e+00 : f32
    %jit3A_119 = arith.constant 0.000000e+00 : f32
    %broadcast_in_dim3A_120 = vector.broadcast %jit3A_118 : f32 to vector<128x1024xf32>
    %broadcast_in_dim3A_121 = vector.broadcast %jit3A_119 : f32 to vector<128x1024xf32>
    %select_n3A_122 = arith.select %and3A, %broadcast_in_dim3A_120, %broadcast_in_dim3A_121 : vector<128x1024xi1>, vector<128x1024xf32>
    %swap3A = arith.constant 0 : index
    %swap3A_123 = arith.constant 0 : index
    %swap3A_124 = vector.load %arg3[%swap3A, %swap3A_123] : memref<1024x1024xf32, #tpu.memory_space<vmem>>, vector<128x1024xf32>
    tpu.vector_store %arg3[%swap3A, %swap3A_123], %select_n3A_122 {strides = array<i32>} : memref<1024x1024xf32, #tpu.memory_space<vmem>>, vector<128x1024xf32>,
    %slice3A_125 = vector.extract_strided_slice %select_n3A_122 {offsets = [0, 0], sizes = [128, 128], strides = [1, 1]} : vector<128x1024xf32> to vector<128x128xf32>
    %swap3A_126 = arith.constant 0 : index
    %swap3A_127 = arith.constant 0 : index
    %swap3A_128 = vector.load %arg4[%swap3A_126, %swap3A_127] : memref<1024x128xf32, #tpu.memory_space<vmem>>, vector<128x128xf32>
    tpu.vector_store %arg4[%swap3A_126, %swap3A_127], %slice3A_125 {strides = array<i32>} : memref<1024x128xf32, #tpu.memory_space<vmem>>, vector<128x128xf32>,
    %slice3A_129 = vector.extract_strided_slice %add3A_52 {offsets = [128, 0], sizes = [128, 1], strides = [1, 1]} : vector<1024x1xf32> to vector<128x1xf32>
    %max3A_130 = vector.broadcast %slice3A_129 : vector<128x1xf32> to vector<128x1024xf32>
    %max3A_131 = vector.broadcast %slice3A_73 : vector<1x1024xf32> to vector<128x1024xf32>
    %max3A_132 = arith.maximumf %max3A_130, %max3A_131 : vector<128x1024xf32>
    %slice3A_133 = vector.extract_strided_slice %add3A_54 {offsets = [128, 0], sizes = [128, 1], strides = [1, 1]} : vector<1024x1xf32> to vector<128x1xf32>
    %max3A_134 = vector.broadcast %slice3A_133 : vector<128x1xf32> to vector<128x1024xf32>
    %max3A_135 = vector.broadcast %slice3A_74 : vector<1x1024xf32> to vector<128x1024xf32>
    %max3A_136 = arith.maximumf %max3A_134, %max3A_135 : vector<128x1024xf32>
    %slice3A_137 = vector.extract_strided_slice %add3A_56 {offsets = [128, 0], sizes = [128, 1], strides = [1, 1]} : vector<1024x1xf32> to vector<128x1xf32>
    %min3A_138 = vector.broadcast %slice3A_137 : vector<128x1xf32> to vector<128x1024xf32>
    %min3A_139 = vector.broadcast %slice3A_75 : vector<1x1024xf32> to vector<128x1024xf32>
    %min3A_140 = arith.minimumf %min3A_138, %min3A_139 : vector<128x1024xf32>
    %slice3A_141 = vector.extract_strided_slice %add3A_58 {offsets = [128, 0], sizes = [128, 1], strides = [1, 1]} : vector<1024x1xf32> to vector<128x1xf32>
    %min3A_142 = vector.broadcast %slice3A_141 : vector<128x1xf32> to vector<128x1024xf32>
    %min3A_143 = vector.broadcast %slice3A_76 : vector<1x1024xf32> to vector<128x1024xf32>
    %min3A_144 = arith.minimumf %min3A_142, %min3A_143 : vector<128x1024xf32>
    %sub3A_145 = arith.subf %min3A_140, %max3A_132 : vector<128x1024xf32>
    %jit3A_146 = arith.constant 0.000000e+00 : f32
    %max3A_147 = vector.broadcast %jit3A_146 : f32 to vector<128x1024xf32>
    %max3A_148 = arith.maximumf %max3A_147, %sub3A_145 : vector<128x1024xf32>
    %sub3A_149 = arith.subf %min3A_144, %max3A_136 : vector<128x1024xf32>
    %jit3A_150 = arith.constant 0.000000e+00 : f32
    %max3A_151 = vector.broadcast %jit3A_150 : f32 to vector<128x1024xf32>
    %max3A_152 = arith.maximumf %max3A_151, %sub3A_149 : vector<128x1024xf32>
    %mul3A_153 = arith.mulf %max3A_148, %max3A_152 : vector<128x1024xf32>
    %slice3A_154 = vector.extract_strided_slice %mul3A_61 {offsets = [128, 0], sizes = [128, 1], strides = [1, 1]} : vector<1024x1xf32> to vector<128x1xf32>
    %add3A_155 = vector.broadcast %slice3A_154 : vector<128x1xf32> to vector<128x1024xf32>
    %add3A_156 = vector.broadcast %slice3A_77 : vector<1x1024xf32> to vector<128x1024xf32>
    %add3A_157 = arith.addf %add3A_155, %add3A_156 : vector<128x1024xf32>
    %sub3A_158 = arith.subf %add3A_157, %mul3A_153 : vector<128x1024xf32>
    %add3A_159 = arith.constant 9.99999971E-10 : f32
    %add3A_160 = vector.broadcast %add3A_159 : f32 to vector<128x1024xf32>
    %add3A_161 = arith.addf %sub3A_158, %add3A_160 : vector<128x1024xf32>
    %div3A_162 = arith.divf %mul3A_153, %add3A_161 : vector<128x1024xf32>
    %iota3A_163 = tpu.iota {dimensions = array<i32: 0>} : vector<128x1024xi32>
    %add3A_164 = arith.constant 128 : i32
    %add3A_165 = vector.broadcast %add3A_164 : i32 to vector<128x1024xi32>
    %add3A_166 = arith.addi %iota3A_163, %add3A_165 : vector<128x1024xi32>
    %iota3A_167 = tpu.iota {dimensions = array<i32: 1>} : vector<128x1024xi32>
    %gt3A_168 = arith.constant 4.500000e-01 : f32
    %gt3A_169 = vector.broadcast %gt3A_168 : f32 to vector<128x1024xf32>
    %gt3A_170 = arith.cmpf ogt, %div3A_162, %gt3A_169 : vector<128x1024xf32>
    %gt3A_171 = arith.cmpi sgt, %iota3A_167, %add3A_166 : vector<128x1024xi32>
    %and3A_172 = arith.andi %gt3A_170, %gt3A_171 : vector<128x1024xi1>
    %jit3A_173 = arith.constant 1.000000e+00 : f32
    %jit3A_174 = arith.constant 0.000000e+00 : f32
    %broadcast_in_dim3A_175 = vector.broadcast %jit3A_173 : f32 to vector<128x1024xf32>
    %broadcast_in_dim3A_176 = vector.broadcast %jit3A_174 : f32 to vector<128x1024xf32>
    %select_n3A_177 = arith.select %and3A_172, %broadcast_in_dim3A_175, %broadcast_in_dim3A_176 : vector<128x1024xi1>, vector<128x1024xf32>
    %swap3A_178 = arith.constant 128 : index
    %swap3A_179 = arith.constant 0 : index
    %swap3A_180 = vector.load %arg3[%swap3A_178, %swap3A_179] : memref<1024x1024xf32, #tpu.memory_space<vmem>>, vector<128x1024xf32>
    tpu.vector_store %arg3[%swap3A_178, %swap3A_179], %select_n3A_177 {strides = array<i32>} : memref<1024x1024xf32, #tpu.memory_space<vmem>>, vector<128x1024xf32>,
    %slice3A_181 = vector.extract_strided_slice %select_n3A_177 {offsets = [0, 128], sizes = [128, 128], strides = [1, 1]} : vector<128x1024xf32> to vector<128x128xf32>
    %swap3A_182 = arith.constant 128 : index
    %swap3A_183 = arith.constant 0 : index
    %swap3A_184 = vector.load %arg4[%swap3A_182, %swap3A_183] : memref<1024x128xf32, #tpu.memory_space<vmem>>, vector<128x128xf32>
    tpu.vector_store %arg4[%swap3A_182, %swap3A_183], %slice3A_181 {strides = array<i32>} : memref<1024x128xf32, #tpu.memory_space<vmem>>, vector<128x128xf32>,
    %slice3A_185 = vector.extract_strided_slice %add3A_52 {offsets = [256, 0], sizes = [128, 1], strides = [1, 1]} : vector<1024x1xf32> to vector<128x1xf32>
    %max3A_186 = vector.broadcast %slice3A_185 : vector<128x1xf32> to vector<128x1024xf32>
    %max3A_187 = vector.broadcast %slice3A_73 : vector<1x1024xf32> to vector<128x1024xf32>
    %max3A_188 = arith.maximumf %max3A_186, %max3A_187 : vector<128x1024xf32>
    %slice3A_189 = vector.extract_strided_slice %add3A_54 {offsets = [256, 0], sizes = [128, 1], strides = [1, 1]} : vector<1024x1xf32> to vector<128x1xf32>
    %max3A_190 = vector.broadcast %slice3A_189 : vector<128x1xf32> to vector<128x1024xf32>
    %max3A_191 = vector.broadcast %slice3A_74 : vector<1x1024xf32> to vector<128x1024xf32>
    %max3A_192 = arith.maximumf %max3A_190, %max3A_191 : vector<128x1024xf32>
    %slice3A_193 = vector.extract_strided_slice %add3A_56 {offsets = [256, 0], sizes = [128, 1], strides = [1, 1]} : vector<1024x1xf32> to vector<128x1xf32>
    %min3A_194 = vector.broadcast %slice3A_193 : vector<128x1xf32> to vector<128x1024xf32>
    %min3A_195 = vector.broadcast %slice3A_75 : vector<1x1024xf32> to vector<128x1024xf32>
    %min3A_196 = arith.minimumf %min3A_194, %min3A_195 : vector<128x1024xf32>
    %slice3A_197 = vector.extract_strided_slice %add3A_58 {offsets = [256, 0], sizes = [128, 1], strides = [1, 1]} : vector<1024x1xf32> to vector<128x1xf32>
    %min3A_198 = vector.broadcast %slice3A_197 : vector<128x1xf32> to vector<128x1024xf32>
    %min3A_199 = vector.broadcast %slice3A_76 : vector<1x1024xf32> to vector<128x1024xf32>
    %min3A_200 = arith.minimumf %min3A_198, %min3A_199 : vector<128x1024xf32>
    %sub3A_201 = arith.subf %min3A_196, %max3A_188 : vector<128x1024xf32>
    %jit3A_202 = arith.constant 0.000000e+00 : f32
    %max3A_203 = vector.broadcast %jit3A_202 : f32 to vector<128x1024xf32>
    %max3A_204 = arith.maximumf %max3A_203, %sub3A_201 : vector<128x1024xf32>
    %sub3A_205 = arith.subf %min3A_200, %max3A_192 : vector<128x1024xf32>
    %jit3A_206 = arith.constant 0.000000e+00 : f32
    %max3A_207 = vector.broadcast %jit3A_206 : f32 to vector<128x1024xf32>
    %max3A_208 = arith.maximumf %max3A_207, %sub3A_205 : vector<128x1024xf32>
    %mul3A_209 = arith.mulf %max3A_204, %max3A_208 : vector<128x1024xf32>
    %slice3A_210 = vector.extract_strided_slice %mul3A_61 {offsets = [256, 0], sizes = [128, 1], strides = [1, 1]} : vector<1024x1xf32> to vector<128x1xf32>
    %add3A_211 = vector.broadcast %slice3A_210 : vector<128x1xf32> to vector<128x1024xf32>
    %add3A_212 = vector.broadcast %slice3A_77 : vector<1x1024xf32> to vector<128x1024xf32>
    %add3A_213 = arith.addf %add3A_211, %add3A_212 : vector<128x1024xf32>
    %sub3A_214 = arith.subf %add3A_213, %mul3A_209 : vector<128x1024xf32>
    %add3A_215 = arith.constant 9.99999971E-10 : f32
    %add3A_216 = vector.broadcast %add3A_215 : f32 to vector<128x1024xf32>
    %add3A_217 = arith.addf %sub3A_214, %add3A_216 : vector<128x1024xf32>
    %div3A_218 = arith.divf %mul3A_209, %add3A_217 : vector<128x1024xf32>
    %iota3A_219 = tpu.iota {dimensions = array<i32: 0>} : vector<128x1024xi32>
    %add3A_220 = arith.constant 256 : i32
    %add3A_221 = vector.broadcast %add3A_220 : i32 to vector<128x1024xi32>
    %add3A_222 = arith.addi %iota3A_219, %add3A_221 : vector<128x1024xi32>
    %iota3A_223 = tpu.iota {dimensions = array<i32: 1>} : vector<128x1024xi32>
    %gt3A_224 = arith.constant 4.500000e-01 : f32
    %gt3A_225 = vector.broadcast %gt3A_224 : f32 to vector<128x1024xf32>
    %gt3A_226 = arith.cmpf ogt, %div3A_218, %gt3A_225 : vector<128x1024xf32>
    %gt3A_227 = arith.cmpi sgt, %iota3A_223, %add3A_222 : vector<128x1024xi32>
    %and3A_228 = arith.andi %gt3A_226, %gt3A_227 : vector<128x1024xi1>
    %jit3A_229 = arith.constant 1.000000e+00 : f32
    %jit3A_230 = arith.constant 0.000000e+00 : f32
    %broadcast_in_dim3A_231 = vector.broadcast %jit3A_229 : f32 to vector<128x1024xf32>
    %broadcast_in_dim3A_232 = vector.broadcast %jit3A_230 : f32 to vector<128x1024xf32>
    %select_n3A_233 = arith.select %and3A_228, %broadcast_in_dim3A_231, %broadcast_in_dim3A_232 : vector<128x1024xi1>, vector<128x1024xf32>
    %swap3A_234 = arith.constant 256 : index
    %swap3A_235 = arith.constant 0 : index
    %swap3A_236 = vector.load %arg3[%swap3A_234, %swap3A_235] : memref<1024x1024xf32, #tpu.memory_space<vmem>>, vector<128x1024xf32>
    tpu.vector_store %arg3[%swap3A_234, %swap3A_235], %select_n3A_233 {strides = array<i32>} : memref<1024x1024xf32, #tpu.memory_space<vmem>>, vector<128x1024xf32>,
    %slice3A_237 = vector.extract_strided_slice %select_n3A_233 {offsets = [0, 256], sizes = [128, 128], strides = [1, 1]} : vector<128x1024xf32> to vector<128x128xf32>
    %swap3A_238 = arith.constant 256 : index
    %swap3A_239 = arith.constant 0 : index
    %swap3A_240 = vector.load %arg4[%swap3A_238, %swap3A_239] : memref<1024x128xf32, #tpu.memory_space<vmem>>, vector<128x128xf32>
    tpu.vector_store %arg4[%swap3A_238, %swap3A_239], %slice3A_237 {strides = array<i32>} : memref<1024x128xf32, #tpu.memory_space<vmem>>, vector<128x128xf32>,
    %slice3A_241 = vector.extract_strided_slice %add3A_52 {offsets = [384, 0], sizes = [128, 1], strides = [1, 1]} : vector<1024x1xf32> to vector<128x1xf32>
    %max3A_242 = vector.broadcast %slice3A_241 : vector<128x1xf32> to vector<128x1024xf32>
    %max3A_243 = vector.broadcast %slice3A_73 : vector<1x1024xf32> to vector<128x1024xf32>
    %max3A_244 = arith.maximumf %max3A_242, %max3A_243 : vector<128x1024xf32>
    %slice3A_245 = vector.extract_strided_slice %add3A_54 {offsets = [384, 0], sizes = [128, 1], strides = [1, 1]} : vector<1024x1xf32> to vector<128x1xf32>
    %max3A_246 = vector.broadcast %slice3A_245 : vector<128x1xf32> to vector<128x1024xf32>
    %max3A_247 = vector.broadcast %slice3A_74 : vector<1x1024xf32> to vector<128x1024xf32>
    %max3A_248 = arith.maximumf %max3A_246, %max3A_247 : vector<128x1024xf32>
    %slice3A_249 = vector.extract_strided_slice %add3A_56 {offsets = [384, 0], sizes = [128, 1], strides = [1, 1]} : vector<1024x1xf32> to vector<128x1xf32>
    %min3A_250 = vector.broadcast %slice3A_249 : vector<128x1xf32> to vector<128x1024xf32>
    %min3A_251 = vector.broadcast %slice3A_75 : vector<1x1024xf32> to vector<128x1024xf32>
    %min3A_252 = arith.minimumf %min3A_250, %min3A_251 : vector<128x1024xf32>
    %slice3A_253 = vector.extract_strided_slice %add3A_58 {offsets = [384, 0], sizes = [128, 1], strides = [1, 1]} : vector<1024x1xf32> to vector<128x1xf32>
    %min3A_254 = vector.broadcast %slice3A_253 : vector<128x1xf32> to vector<128x1024xf32>
    %min3A_255 = vector.broadcast %slice3A_76 : vector<1x1024xf32> to vector<128x1024xf32>
    %min3A_256 = arith.minimumf %min3A_254, %min3A_255 : vector<128x1024xf32>
    %sub3A_257 = arith.subf %min3A_252, %max3A_244 : vector<128x1024xf32>
    %jit3A_258 = arith.constant 0.000000e+00 : f32
    %max3A_259 = vector.broadcast %jit3A_258 : f32 to vector<128x1024xf32>
    %max3A_260 = arith.maximumf %max3A_259, %sub3A_257 : vector<128x1024xf32>
    %sub3A_261 = arith.subf %min3A_256, %max3A_248 : vector<128x1024xf32>
    %jit3A_262 = arith.constant 0.000000e+00 : f32
    %max3A_263 = vector.broadcast %jit3A_262 : f32 to vector<128x1024xf32>
    %max3A_264 = arith.maximumf %max3A_263, %sub3A_261 : vector<128x1024xf32>
    %mul3A_265 = arith.mulf %max3A_260, %max3A_264 : vector<128x1024xf32>
    %slice3A_266 = vector.extract_strided_slice %mul3A_61 {offsets = [384, 0], sizes = [128, 1], strides = [1, 1]} : vector<1024x1xf32> to vector<128x1xf32>
    %add3A_267 = vector.broadcast %slice3A_266 : vector<128x1xf32> to vector<128x1024xf32>
    %add3A_268 = vector.broadcast %slice3A_77 : vector<1x1024xf32> to vector<128x1024xf32>
    %add3A_269 = arith.addf %add3A_267, %add3A_268 : vector<128x1024xf32>
    %sub3A_270 = arith.subf %add3A_269, %mul3A_265 : vector<128x1024xf32>
    %add3A_271 = arith.constant 9.99999971E-10 : f32
    %add3A_272 = vector.broadcast %add3A_271 : f32 to vector<128x1024xf32>
    %add3A_273 = arith.addf %sub3A_270, %add3A_272 : vector<128x1024xf32>
    %div3A_274 = arith.divf %mul3A_265, %add3A_273 : vector<128x1024xf32>
    %iota3A_275 = tpu.iota {dimensions = array<i32: 0>} : vector<128x1024xi32>
    %add3A_276 = arith.constant 384 : i32
    %add3A_277 = vector.broadcast %add3A_276 : i32 to vector<128x1024xi32>
    %add3A_278 = arith.addi %iota3A_275, %add3A_277 : vector<128x1024xi32>
    %iota3A_279 = tpu.iota {dimensions = array<i32: 1>} : vector<128x1024xi32>
    %gt3A_280 = arith.constant 4.500000e-01 : f32
    %gt3A_281 = vector.broadcast %gt3A_280 : f32 to vector<128x1024xf32>
    %gt3A_282 = arith.cmpf ogt, %div3A_274, %gt3A_281 : vector<128x1024xf32>
    %gt3A_283 = arith.cmpi sgt, %iota3A_279, %add3A_278 : vector<128x1024xi32>
    %and3A_284 = arith.andi %gt3A_282, %gt3A_283 : vector<128x1024xi1>
    %jit3A_285 = arith.constant 1.000000e+00 : f32
    %jit3A_286 = arith.constant 0.000000e+00 : f32
    %broadcast_in_dim3A_287 = vector.broadcast %jit3A_285 : f32 to vector<128x1024xf32>
    %broadcast_in_dim3A_288 = vector.broadcast %jit3A_286 : f32 to vector<128x1024xf32>
    %select_n3A_289 = arith.select %and3A_284, %broadcast_in_dim3A_287, %broadcast_in_dim3A_288 : vector<128x1024xi1>, vector<128x1024xf32>
    %swap3A_290 = arith.constant 384 : index
    %swap3A_291 = arith.constant 0 : index
    %swap3A_292 = vector.load %arg3[%swap3A_290, %swap3A_291] : memref<1024x1024xf32, #tpu.memory_space<vmem>>, vector<128x1024xf32>
    tpu.vector_store %arg3[%swap3A_290, %swap3A_291], %select_n3A_289 {strides = array<i32>} : memref<1024x1024xf32, #tpu.memory_space<vmem>>, vector<128x1024xf32>,
    %slice3A_293 = vector.extract_strided_slice %select_n3A_289 {offsets = [0, 384], sizes = [128, 128], strides = [1, 1]} : vector<128x1024xf32> to vector<128x128xf32>
    %swap3A_294 = arith.constant 384 : index
    %swap3A_295 = arith.constant 0 : index
    %swap3A_296 = vector.load %arg4[%swap3A_294, %swap3A_295] : memref<1024x128xf32, #tpu.memory_space<vmem>>, vector<128x128xf32>
    tpu.vector_store %arg4[%swap3A_294, %swap3A_295], %slice3A_293 {strides = array<i32>} : memref<1024x128xf32, #tpu.memory_space<vmem>>, vector<128x128xf32>,
    %slice3A_297 = vector.extract_strided_slice %add3A_52 {offsets = [512, 0], sizes = [128, 1], strides = [1, 1]} : vector<1024x1xf32> to vector<128x1xf32>
    %max3A_298 = vector.broadcast %slice3A_297 : vector<128x1xf32> to vector<128x1024xf32>
    %max3A_299 = vector.broadcast %slice3A_73 : vector<1x1024xf32> to vector<128x1024xf32>
    %max3A_300 = arith.maximumf %max3A_298, %max3A_299 : vector<128x1024xf32>
    %slice3A_301 = vector.extract_strided_slice %add3A_54 {offsets = [512, 0], sizes = [128, 1], strides = [1, 1]} : vector<1024x1xf32> to vector<128x1xf32>
    %max3A_302 = vector.broadcast %slice3A_301 : vector<128x1xf32> to vector<128x1024xf32>
    %max3A_303 = vector.broadcast %slice3A_74 : vector<1x1024xf32> to vector<128x1024xf32>
    %max3A_304 = arith.maximumf %max3A_302, %max3A_303 : vector<128x1024xf32>
    %slice3A_305 = vector.extract_strided_slice %add3A_56 {offsets = [512, 0], sizes = [128, 1], strides = [1, 1]} : vector<1024x1xf32> to vector<128x1xf32>
    %min3A_306 = vector.broadcast %slice3A_305 : vector<128x1xf32> to vector<128x1024xf32>
    %min3A_307 = vector.broadcast %slice3A_75 : vector<1x1024xf32> to vector<128x1024xf32>
    %min3A_308 = arith.minimumf %min3A_306, %min3A_307 : vector<128x1024xf32>
    %slice3A_309 = vector.extract_strided_slice %add3A_58 {offsets = [512, 0], sizes = [128, 1], strides = [1, 1]} : vector<1024x1xf32> to vector<128x1xf32>
    %min3A_310 = vector.broadcast %slice3A_309 : vector<128x1xf32> to vector<128x1024xf32>
    %min3A_311 = vector.broadcast %slice3A_76 : vector<1x1024xf32> to vector<128x1024xf32>
    %min3A_312 = arith.minimumf %min3A_310, %min3A_311 : vector<128x1024xf32>
    %sub3A_313 = arith.subf %min3A_308, %max3A_300 : vector<128x1024xf32>
    %jit3A_314 = arith.constant 0.000000e+00 : f32
    %max3A_315 = vector.broadcast %jit3A_314 : f32 to vector<128x1024xf32>
    %max3A_316 = arith.maximumf %max3A_315, %sub3A_313 : vector<128x1024xf32>
    %sub3A_317 = arith.subf %min3A_312, %max3A_304 : vector<128x1024xf32>
    %jit3A_318 = arith.constant 0.000000e+00 : f32
    %max3A_319 = vector.broadcast %jit3A_318 : f32 to vector<128x1024xf32>
    %max3A_320 = arith.maximumf %max3A_319, %sub3A_317 : vector<128x1024xf32>
    %mul3A_321 = arith.mulf %max3A_316, %max3A_320 : vector<128x1024xf32>
    %slice3A_322 = vector.extract_strided_slice %mul3A_61 {offsets = [512, 0], sizes = [128, 1], strides = [1, 1]} : vector<1024x1xf32> to vector<128x1xf32>
    %add3A_323 = vector.broadcast %slice3A_322 : vector<128x1xf32> to vector<128x1024xf32>
    %add3A_324 = vector.broadcast %slice3A_77 : vector<1x1024xf32> to vector<128x1024xf32>
    %add3A_325 = arith.addf %add3A_323, %add3A_324 : vector<128x1024xf32>
    %sub3A_326 = arith.subf %add3A_325, %mul3A_321 : vector<128x1024xf32>
    %add3A_327 = arith.constant 9.99999971E-10 : f32
    %add3A_328 = vector.broadcast %add3A_327 : f32 to vector<128x1024xf32>
    %add3A_329 = arith.addf %sub3A_326, %add3A_328 : vector<128x1024xf32>
    %div3A_330 = arith.divf %mul3A_321, %add3A_329 : vector<128x1024xf32>
    %iota3A_331 = tpu.iota {dimensions = array<i32: 0>} : vector<128x1024xi32>
    %add3A_332 = arith.constant 512 : i32
    %add3A_333 = vector.broadcast %add3A_332 : i32 to vector<128x1024xi32>
    %add3A_334 = arith.addi %iota3A_331, %add3A_333 : vector<128x1024xi32>
    %iota3A_335 = tpu.iota {dimensions = array<i32: 1>} : vector<128x1024xi32>
    %gt3A_336 = arith.constant 4.500000e-01 : f32
    %gt3A_337 = vector.broadcast %gt3A_336 : f32 to vector<128x1024xf32>
    %gt3A_338 = arith.cmpf ogt, %div3A_330, %gt3A_337 : vector<128x1024xf32>
    %gt3A_339 = arith.cmpi sgt, %iota3A_335, %add3A_334 : vector<128x1024xi32>
    %and3A_340 = arith.andi %gt3A_338, %gt3A_339 : vector<128x1024xi1>
    %jit3A_341 = arith.constant 1.000000e+00 : f32
    %jit3A_342 = arith.constant 0.000000e+00 : f32
    %broadcast_in_dim3A_343 = vector.broadcast %jit3A_341 : f32 to vector<128x1024xf32>
    %broadcast_in_dim3A_344 = vector.broadcast %jit3A_342 : f32 to vector<128x1024xf32>
    %select_n3A_345 = arith.select %and3A_340, %broadcast_in_dim3A_343, %broadcast_in_dim3A_344 : vector<128x1024xi1>, vector<128x1024xf32>
    %swap3A_346 = arith.constant 512 : index
    %swap3A_347 = arith.constant 0 : index
    %swap3A_348 = vector.load %arg3[%swap3A_346, %swap3A_347] : memref<1024x1024xf32, #tpu.memory_space<vmem>>, vector<128x1024xf32>
    tpu.vector_store %arg3[%swap3A_346, %swap3A_347], %select_n3A_345 {strides = array<i32>} : memref<1024x1024xf32, #tpu.memory_space<vmem>>, vector<128x1024xf32>,
    %slice3A_349 = vector.extract_strided_slice %select_n3A_345 {offsets = [0, 512], sizes = [128, 128], strides = [1, 1]} : vector<128x1024xf32> to vector<128x128xf32>
    %swap3A_350 = arith.constant 512 : index
    %swap3A_351 = arith.constant 0 : index
    %swap3A_352 = vector.load %arg4[%swap3A_350, %swap3A_351] : memref<1024x128xf32, #tpu.memory_space<vmem>>, vector<128x128xf32>
    tpu.vector_store %arg4[%swap3A_350, %swap3A_351], %slice3A_349 {strides = array<i32>} : memref<1024x128xf32, #tpu.memory_space<vmem>>, vector<128x128xf32>,
    %slice3A_353 = vector.extract_strided_slice %add3A_52 {offsets = [640, 0], sizes = [128, 1], strides = [1, 1]} : vector<1024x1xf32> to vector<128x1xf32>
    %max3A_354 = vector.broadcast %slice3A_353 : vector<128x1xf32> to vector<128x1024xf32>
    %max3A_355 = vector.broadcast %slice3A_73 : vector<1x1024xf32> to vector<128x1024xf32>
    %max3A_356 = arith.maximumf %max3A_354, %max3A_355 : vector<128x1024xf32>
    %slice3A_357 = vector.extract_strided_slice %add3A_54 {offsets = [640, 0], sizes = [128, 1], strides = [1, 1]} : vector<1024x1xf32> to vector<128x1xf32>
    %max3A_358 = vector.broadcast %slice3A_357 : vector<128x1xf32> to vector<128x1024xf32>
    %max3A_359 = vector.broadcast %slice3A_74 : vector<1x1024xf32> to vector<128x1024xf32>
    %max3A_360 = arith.maximumf %max3A_358, %max3A_359 : vector<128x1024xf32>
    %slice3A_361 = vector.extract_strided_slice %add3A_56 {offsets = [640, 0], sizes = [128, 1], strides = [1, 1]} : vector<1024x1xf32> to vector<128x1xf32>
    %min3A_362 = vector.broadcast %slice3A_361 : vector<128x1xf32> to vector<128x1024xf32>
    %min3A_363 = vector.broadcast %slice3A_75 : vector<1x1024xf32> to vector<128x1024xf32>
    %min3A_364 = arith.minimumf %min3A_362, %min3A_363 : vector<128x1024xf32>
    %slice3A_365 = vector.extract_strided_slice %add3A_58 {offsets = [640, 0], sizes = [128, 1], strides = [1, 1]} : vector<1024x1xf32> to vector<128x1xf32>
    %min3A_366 = vector.broadcast %slice3A_365 : vector<128x1xf32> to vector<128x1024xf32>
    %min3A_367 = vector.broadcast %slice3A_76 : vector<1x1024xf32> to vector<128x1024xf32>
    %min3A_368 = arith.minimumf %min3A_366, %min3A_367 : vector<128x1024xf32>
    %sub3A_369 = arith.subf %min3A_364, %max3A_356 : vector<128x1024xf32>
    %jit3A_370 = arith.constant 0.000000e+00 : f32
    %max3A_371 = vector.broadcast %jit3A_370 : f32 to vector<128x1024xf32>
    %max3A_372 = arith.maximumf %max3A_371, %sub3A_369 : vector<128x1024xf32>
    %sub3A_373 = arith.subf %min3A_368, %max3A_360 : vector<128x1024xf32>
    %jit3A_374 = arith.constant 0.000000e+00 : f32
    %max3A_375 = vector.broadcast %jit3A_374 : f32 to vector<128x1024xf32>
    %max3A_376 = arith.maximumf %max3A_375, %sub3A_373 : vector<128x1024xf32>
    %mul3A_377 = arith.mulf %max3A_372, %max3A_376 : vector<128x1024xf32>
    %slice3A_378 = vector.extract_strided_slice %mul3A_61 {offsets = [640, 0], sizes = [128, 1], strides = [1, 1]} : vector<1024x1xf32> to vector<128x1xf32>
    %add3A_379 = vector.broadcast %slice3A_378 : vector<128x1xf32> to vector<128x1024xf32>
    %add3A_380 = vector.broadcast %slice3A_77 : vector<1x1024xf32> to vector<128x1024xf32>
    %add3A_381 = arith.addf %add3A_379, %add3A_380 : vector<128x1024xf32>
    %sub3A_382 = arith.subf %add3A_381, %mul3A_377 : vector<128x1024xf32>
    %add3A_383 = arith.constant 9.99999971E-10 : f32
    %add3A_384 = vector.broadcast %add3A_383 : f32 to vector<128x1024xf32>
    %add3A_385 = arith.addf %sub3A_382, %add3A_384 : vector<128x1024xf32>
    %div3A_386 = arith.divf %mul3A_377, %add3A_385 : vector<128x1024xf32>
    %iota3A_387 = tpu.iota {dimensions = array<i32: 0>} : vector<128x1024xi32>
    %add3A_388 = arith.constant 640 : i32
    %add3A_389 = vector.broadcast %add3A_388 : i32 to vector<128x1024xi32>
    %add3A_390 = arith.addi %iota3A_387, %add3A_389 : vector<128x1024xi32>
    %iota3A_391 = tpu.iota {dimensions = array<i32: 1>} : vector<128x1024xi32>
    %gt3A_392 = arith.constant 4.500000e-01 : f32
    %gt3A_393 = vector.broadcast %gt3A_392 : f32 to vector<128x1024xf32>
    %gt3A_394 = arith.cmpf ogt, %div3A_386, %gt3A_393 : vector<128x1024xf32>
    %gt3A_395 = arith.cmpi sgt, %iota3A_391, %add3A_390 : vector<128x1024xi32>
    %and3A_396 = arith.andi %gt3A_394, %gt3A_395 : vector<128x1024xi1>
    %jit3A_397 = arith.constant 1.000000e+00 : f32
    %jit3A_398 = arith.constant 0.000000e+00 : f32
    %broadcast_in_dim3A_399 = vector.broadcast %jit3A_397 : f32 to vector<128x1024xf32>
    %broadcast_in_dim3A_400 = vector.broadcast %jit3A_398 : f32 to vector<128x1024xf32>
    %select_n3A_401 = arith.select %and3A_396, %broadcast_in_dim3A_399, %broadcast_in_dim3A_400 : vector<128x1024xi1>, vector<128x1024xf32>
    %swap3A_402 = arith.constant 640 : index
    %swap3A_403 = arith.constant 0 : index
    %swap3A_404 = vector.load %arg3[%swap3A_402, %swap3A_403] : memref<1024x1024xf32, #tpu.memory_space<vmem>>, vector<128x1024xf32>
    tpu.vector_store %arg3[%swap3A_402, %swap3A_403], %select_n3A_401 {strides = array<i32>} : memref<1024x1024xf32, #tpu.memory_space<vmem>>, vector<128x1024xf32>,
    %slice3A_405 = vector.extract_strided_slice %select_n3A_401 {offsets = [0, 640], sizes = [128, 128], strides = [1, 1]} : vector<128x1024xf32> to vector<128x128xf32>
    %swap3A_406 = arith.constant 640 : index
    %swap3A_407 = arith.constant 0 : index
    %swap3A_408 = vector.load %arg4[%swap3A_406, %swap3A_407] : memref<1024x128xf32, #tpu.memory_space<vmem>>, vector<128x128xf32>
    tpu.vector_store %arg4[%swap3A_406, %swap3A_407], %slice3A_405 {strides = array<i32>} : memref<1024x128xf32, #tpu.memory_space<vmem>>, vector<128x128xf32>,
    %slice3A_409 = vector.extract_strided_slice %add3A_52 {offsets = [768, 0], sizes = [128, 1], strides = [1, 1]} : vector<1024x1xf32> to vector<128x1xf32>
    %max3A_410 = vector.broadcast %slice3A_409 : vector<128x1xf32> to vector<128x1024xf32>
    %max3A_411 = vector.broadcast %slice3A_73 : vector<1x1024xf32> to vector<128x1024xf32>
    %max3A_412 = arith.maximumf %max3A_410, %max3A_411 : vector<128x1024xf32>
    %slice3A_413 = vector.extract_strided_slice %add3A_54 {offsets = [768, 0], sizes = [128, 1], strides = [1, 1]} : vector<1024x1xf32> to vector<128x1xf32>
    %max3A_414 = vector.broadcast %slice3A_413 : vector<128x1xf32> to vector<128x1024xf32>
    %max3A_415 = vector.broadcast %slice3A_74 : vector<1x1024xf32> to vector<128x1024xf32>
    %max3A_416 = arith.maximumf %max3A_414, %max3A_415 : vector<128x1024xf32>
    %slice3A_417 = vector.extract_strided_slice %add3A_56 {offsets = [768, 0], sizes = [128, 1], strides = [1, 1]} : vector<1024x1xf32> to vector<128x1xf32>
    %min3A_418 = vector.broadcast %slice3A_417 : vector<128x1xf32> to vector<128x1024xf32>
    %min3A_419 = vector.broadcast %slice3A_75 : vector<1x1024xf32> to vector<128x1024xf32>
    %min3A_420 = arith.minimumf %min3A_418, %min3A_419 : vector<128x1024xf32>
    %slice3A_421 = vector.extract_strided_slice %add3A_58 {offsets = [768, 0], sizes = [128, 1], strides = [1, 1]} : vector<1024x1xf32> to vector<128x1xf32>
    %min3A_422 = vector.broadcast %slice3A_421 : vector<128x1xf32> to vector<128x1024xf32>
    %min3A_423 = vector.broadcast %slice3A_76 : vector<1x1024xf32> to vector<128x1024xf32>
    %min3A_424 = arith.minimumf %min3A_422, %min3A_423 : vector<128x1024xf32>
    %sub3A_425 = arith.subf %min3A_420, %max3A_412 : vector<128x1024xf32>
    %jit3A_426 = arith.constant 0.000000e+00 : f32
    %max3A_427 = vector.broadcast %jit3A_426 : f32 to vector<128x1024xf32>
    %max3A_428 = arith.maximumf %max3A_427, %sub3A_425 : vector<128x1024xf32>
    %sub3A_429 = arith.subf %min3A_424, %max3A_416 : vector<128x1024xf32>
    %jit3A_430 = arith.constant 0.000000e+00 : f32
    %max3A_431 = vector.broadcast %jit3A_430 : f32 to vector<128x1024xf32>
    %max3A_432 = arith.maximumf %max3A_431, %sub3A_429 : vector<128x1024xf32>
    %mul3A_433 = arith.mulf %max3A_428, %max3A_432 : vector<128x1024xf32>
    %slice3A_434 = vector.extract_strided_slice %mul3A_61 {offsets = [768, 0], sizes = [128, 1], strides = [1, 1]} : vector<1024x1xf32> to vector<128x1xf32>
    %add3A_435 = vector.broadcast %slice3A_434 : vector<128x1xf32> to vector<128x1024xf32>
    %add3A_436 = vector.broadcast %slice3A_77 : vector<1x1024xf32> to vector<128x1024xf32>
    %add3A_437 = arith.addf %add3A_435, %add3A_436 : vector<128x1024xf32>
    %sub3A_438 = arith.subf %add3A_437, %mul3A_433 : vector<128x1024xf32>
    %add3A_439 = arith.constant 9.99999971E-10 : f32
    %add3A_440 = vector.broadcast %add3A_439 : f32 to vector<128x1024xf32>
    %add3A_441 = arith.addf %sub3A_438, %add3A_440 : vector<128x1024xf32>
    %div3A_442 = arith.divf %mul3A_433, %add3A_441 : vector<128x1024xf32>
    %iota3A_443 = tpu.iota {dimensions = array<i32: 0>} : vector<128x1024xi32>
    %add3A_444 = arith.constant 768 : i32
    %add3A_445 = vector.broadcast %add3A_444 : i32 to vector<128x1024xi32>
    %add3A_446 = arith.addi %iota3A_443, %add3A_445 : vector<128x1024xi32>
    %iota3A_447 = tpu.iota {dimensions = array<i32: 1>} : vector<128x1024xi32>
    %gt3A_448 = arith.constant 4.500000e-01 : f32
    %gt3A_449 = vector.broadcast %gt3A_448 : f32 to vector<128x1024xf32>
    %gt3A_450 = arith.cmpf ogt, %div3A_442, %gt3A_449 : vector<128x1024xf32>
    %gt3A_451 = arith.cmpi sgt, %iota3A_447, %add3A_446 : vector<128x1024xi32>
    %and3A_452 = arith.andi %gt3A_450, %gt3A_451 : vector<128x1024xi1>
    %jit3A_453 = arith.constant 1.000000e+00 : f32
    %jit3A_454 = arith.constant 0.000000e+00 : f32
    %broadcast_in_dim3A_455 = vector.broadcast %jit3A_453 : f32 to vector<128x1024xf32>
    %broadcast_in_dim3A_456 = vector.broadcast %jit3A_454 : f32 to vector<128x1024xf32>
    %select_n3A_457 = arith.select %and3A_452, %broadcast_in_dim3A_455, %broadcast_in_dim3A_456 : vector<128x1024xi1>, vector<128x1024xf32>
    %swap3A_458 = arith.constant 768 : index
    %swap3A_459 = arith.constant 0 : index
    %swap3A_460 = vector.load %arg3[%swap3A_458, %swap3A_459] : memref<1024x1024xf32, #tpu.memory_space<vmem>>, vector<128x1024xf32>
    tpu.vector_store %arg3[%swap3A_458, %swap3A_459], %select_n3A_457 {strides = array<i32>} : memref<1024x1024xf32, #tpu.memory_space<vmem>>, vector<128x1024xf32>,
    %slice3A_461 = vector.extract_strided_slice %select_n3A_457 {offsets = [0, 768], sizes = [128, 128], strides = [1, 1]} : vector<128x1024xf32> to vector<128x128xf32>
    %swap3A_462 = arith.constant 768 : index
    %swap3A_463 = arith.constant 0 : index
    %swap3A_464 = vector.load %arg4[%swap3A_462, %swap3A_463] : memref<1024x128xf32, #tpu.memory_space<vmem>>, vector<128x128xf32>
    tpu.vector_store %arg4[%swap3A_462, %swap3A_463], %slice3A_461 {strides = array<i32>} : memref<1024x128xf32, #tpu.memory_space<vmem>>, vector<128x128xf32>,
    %slice3A_465 = vector.extract_strided_slice %add3A_52 {offsets = [896, 0], sizes = [128, 1], strides = [1, 1]} : vector<1024x1xf32> to vector<128x1xf32>
    %max3A_466 = vector.broadcast %slice3A_465 : vector<128x1xf32> to vector<128x1024xf32>
    %max3A_467 = vector.broadcast %slice3A_73 : vector<1x1024xf32> to vector<128x1024xf32>
    %max3A_468 = arith.maximumf %max3A_466, %max3A_467 : vector<128x1024xf32>
    %slice3A_469 = vector.extract_strided_slice %add3A_54 {offsets = [896, 0], sizes = [128, 1], strides = [1, 1]} : vector<1024x1xf32> to vector<128x1xf32>
    %max3A_470 = vector.broadcast %slice3A_469 : vector<128x1xf32> to vector<128x1024xf32>
    %max3A_471 = vector.broadcast %slice3A_74 : vector<1x1024xf32> to vector<128x1024xf32>
    %max3A_472 = arith.maximumf %max3A_470, %max3A_471 : vector<128x1024xf32>
    %slice3A_473 = vector.extract_strided_slice %add3A_56 {offsets = [896, 0], sizes = [128, 1], strides = [1, 1]} : vector<1024x1xf32> to vector<128x1xf32>
    %min3A_474 = vector.broadcast %slice3A_473 : vector<128x1xf32> to vector<128x1024xf32>
    %min3A_475 = vector.broadcast %slice3A_75 : vector<1x1024xf32> to vector<128x1024xf32>
    %min3A_476 = arith.minimumf %min3A_474, %min3A_475 : vector<128x1024xf32>
    %slice3A_477 = vector.extract_strided_slice %add3A_58 {offsets = [896, 0], sizes = [128, 1], strides = [1, 1]} : vector<1024x1xf32> to vector<128x1xf32>
    %min3A_478 = vector.broadcast %slice3A_477 : vector<128x1xf32> to vector<128x1024xf32>
    %min3A_479 = vector.broadcast %slice3A_76 : vector<1x1024xf32> to vector<128x1024xf32>
    %min3A_480 = arith.minimumf %min3A_478, %min3A_479 : vector<128x1024xf32>
    %sub3A_481 = arith.subf %min3A_476, %max3A_468 : vector<128x1024xf32>
    %jit3A_482 = arith.constant 0.000000e+00 : f32
    %max3A_483 = vector.broadcast %jit3A_482 : f32 to vector<128x1024xf32>
    %max3A_484 = arith.maximumf %max3A_483, %sub3A_481 : vector<128x1024xf32>
    %sub3A_485 = arith.subf %min3A_480, %max3A_472 : vector<128x1024xf32>
    %jit3A_486 = arith.constant 0.000000e+00 : f32
    %max3A_487 = vector.broadcast %jit3A_486 : f32 to vector<128x1024xf32>
    %max3A_488 = arith.maximumf %max3A_487, %sub3A_485 : vector<128x1024xf32>
    %mul3A_489 = arith.mulf %max3A_484, %max3A_488 : vector<128x1024xf32>
    %slice3A_490 = vector.extract_strided_slice %mul3A_61 {offsets = [896, 0], sizes = [128, 1], strides = [1, 1]} : vector<1024x1xf32> to vector<128x1xf32>
    %add3A_491 = vector.broadcast %slice3A_490 : vector<128x1xf32> to vector<128x1024xf32>
    %add3A_492 = vector.broadcast %slice3A_77 : vector<1x1024xf32> to vector<128x1024xf32>
    %add3A_493 = arith.addf %add3A_491, %add3A_492 : vector<128x1024xf32>
    %sub3A_494 = arith.subf %add3A_493, %mul3A_489 : vector<128x1024xf32>
    %add3A_495 = arith.constant 9.99999971E-10 : f32
    %add3A_496 = vector.broadcast %add3A_495 : f32 to vector<128x1024xf32>
    %add3A_497 = arith.addf %sub3A_494, %add3A_496 : vector<128x1024xf32>
    %div3A_498 = arith.divf %mul3A_489, %add3A_497 : vector<128x1024xf32>
    %iota3A_499 = tpu.iota {dimensions = array<i32: 0>} : vector<128x1024xi32>
    %add3A_500 = arith.constant 896 : i32
    %add3A_501 = vector.broadcast %add3A_500 : i32 to vector<128x1024xi32>
    %add3A_502 = arith.addi %iota3A_499, %add3A_501 : vector<128x1024xi32>
    %iota3A_503 = tpu.iota {dimensions = array<i32: 1>} : vector<128x1024xi32>
    %gt3A_504 = arith.constant 4.500000e-01 : f32
    %gt3A_505 = vector.broadcast %gt3A_504 : f32 to vector<128x1024xf32>
    %gt3A_506 = arith.cmpf ogt, %div3A_498, %gt3A_505 : vector<128x1024xf32>
    %gt3A_507 = arith.cmpi sgt, %iota3A_503, %add3A_502 : vector<128x1024xi32>
    %and3A_508 = arith.andi %gt3A_506, %gt3A_507 : vector<128x1024xi1>
    %jit3A_509 = arith.constant 1.000000e+00 : f32
    %jit3A_510 = arith.constant 0.000000e+00 : f32
    %broadcast_in_dim3A_511 = vector.broadcast %jit3A_509 : f32 to vector<128x1024xf32>
    %broadcast_in_dim3A_512 = vector.broadcast %jit3A_510 : f32 to vector<128x1024xf32>
    %select_n3A_513 = arith.select %and3A_508, %broadcast_in_dim3A_511, %broadcast_in_dim3A_512 : vector<128x1024xi1>, vector<128x1024xf32>
    %swap3A_514 = arith.constant 896 : index
    %swap3A_515 = arith.constant 0 : index
    %swap3A_516 = vector.load %arg3[%swap3A_514, %swap3A_515] : memref<1024x1024xf32, #tpu.memory_space<vmem>>, vector<128x1024xf32>
    tpu.vector_store %arg3[%swap3A_514, %swap3A_515], %select_n3A_513 {strides = array<i32>} : memref<1024x1024xf32, #tpu.memory_space<vmem>>, vector<128x1024xf32>,
    %slice3A_517 = vector.extract_strided_slice %select_n3A_513 {offsets = [0, 896], sizes = [128, 128], strides = [1, 1]} : vector<128x1024xf32> to vector<128x128xf32>
    %swap3A_518 = arith.constant 896 : index
    %swap3A_519 = arith.constant 0 : index
    %swap3A_520 = vector.load %arg4[%swap3A_518, %swap3A_519] : memref<1024x128xf32, #tpu.memory_space<vmem>>, vector<128x128xf32>
    tpu.vector_store %arg4[%swap3A_518, %swap3A_519], %slice3A_517 {strides = array<i32>} : memref<1024x128xf32, #tpu.memory_space<vmem>>, vector<128x128xf32>,
    %iota3A_521 = tpu.iota {dimensions = array<i32: 1>} : vector<1x1024xi32>
    %gt3A_522 = arith.constant 2.500000e-01 : f32
    %gt3A_523 = vector.broadcast %gt3A_522 : f32 to vector<1x1024xf32>
    %gt3A_524 = arith.cmpf ogt, %slice3A_78, %gt3A_523 : vector<1x1024xf32>
    %lt3A = arith.constant 1000 : i32
    %lt3A_525 = vector.broadcast %lt3A : i32 to vector<1x1024xi32>
    %lt3A_526 = arith.cmpi slt, %iota3A_521, %lt3A_525 : vector<1x1024xi32>
    %and3A_527 = arith.andi %gt3A_524, %lt3A_526 : vector<1x1024xi1>
    %jit3A_528 = arith.constant 1.000000e+00 : f32
    %jit3A_529 = arith.constant 0.000000e+00 : f32
    %broadcast_in_dim3A_530 = vector.broadcast %jit3A_528 : f32 to vector<1x1024xf32>
    %broadcast_in_dim3A_531 = vector.broadcast %jit3A_529 : f32 to vector<1x1024xf32>
    %select_n3A_532 = arith.select %and3A_527, %broadcast_in_dim3A_530, %broadcast_in_dim3A_531 : vector<1x1024xi1>, vector<1x1024xf32>
    %iota3A_533 = tpu.iota {dimensions = array<i32: 1>} : vector<1x128xi32>
    %slice3A_534 = vector.extract_strided_slice %select_n3A_532 {offsets = [0, 0], sizes = [1, 128], strides = [1, 1]} : vector<1x1024xf32> to vector<1x128xf32>
    %scan3A = arith.constant 0 : i32
    %scan3A_535 = arith.constant 16 : i32
    %scan3A_536 = arith.addi %scan3A, %scan3A_535 : i32
    %scan3A_537 = arith.constant 1 : i32
    %scan3A_538 = scf.for %scan3A_881 = %scan3A to %scan3A_536 step %scan3A_537 iter_args(%scan3A_882 = %slice3A_534) -> (vector<1x128xf32>)  : i32 {
      %mul3A_883 = arith.constant 8 : i32
      %mul3A_884 = arith.muli %scan3A_881, %mul3A_883 : i32
      %add3A_885 = arith.constant 0 : i32
      %add3A_886 = arith.addi %add3A_885, %mul3A_884 : i32
      %get3A_887 = arith.index_cast %add3A_886 : i32 to index
      %get3A_888 = arith.constant 0 : index
      %get3A_889 = vector.load %arg4[%get3A_887, %get3A_888] : memref<1024x128xf32, #tpu.memory_space<vmem>>, vector<8x128xf32>
      %mul3A_890 = arith.constant 8 : i32
      %mul3A_891 = arith.muli %scan3A_881, %mul3A_890 : i32
      %add3A_892 = arith.constant 0 : i32
      %add3A_893 = arith.addi %mul3A_891, %add3A_892 : i32
      %eq3A_894 = vector.broadcast %add3A_893 : i32 to vector<1x128xi32>
      %eq3A_895 = arith.cmpi eq, %iota3A_533, %eq3A_894 : vector<1x128xi32>
      %jit3A_896 = arith.constant 0.000000e+00 : f32
      %broadcast_in_dim3A_897 = vector.broadcast %jit3A_896 : f32 to vector<1x128xf32>
      %select_n3A_898 = arith.select %eq3A_895, %scan3A_882, %broadcast_in_dim3A_897 : vector<1x128xi1>, vector<1x128xf32>
      %reduce_max3A_899 = vector.shape_cast %select_n3A_898 : vector<1x128xf32> to vector<1x1x128xf32>
      %reduce_max3A_900 = arith.constant dense<0xFF800000> : vector<1xf32>
      %reduce_max3A_901 = vector.multi_reduction <maximumf>, %reduce_max3A_899, %reduce_max3A_900 [1, 2] : vector<1x1x128xf32> to vector<1xf32>
      %reduce_max3A_902 = vector.shape_cast %reduce_max3A_901 : vector<1xf32> to vector<1x1x1xf32>
      %reduce_max3A_903 = vector.extract %reduce_max3A_902[0, 0, 0] : f32 from vector<1x1x1xf32>
      %slice3A_904 = vector.extract_strided_slice %get3A_889 {offsets = [0, 0], sizes = [1, 128], strides = [1, 1]} : vector<8x128xf32> to vector<1x128xf32>
      %mul3A_905 = vector.broadcast %reduce_max3A_903 : f32 to vector<1x128xf32>
      %mul3A_906 = arith.mulf %slice3A_904, %mul3A_905 : vector<1x128xf32>
      %sub3A_907 = arith.constant 1.000000e+00 : f32
      %sub3A_908 = vector.broadcast %sub3A_907 : f32 to vector<1x128xf32>
      %sub3A_909 = arith.subf %sub3A_908, %mul3A_906 : vector<1x128xf32>
      %mul3A_910 = arith.mulf %scan3A_882, %sub3A_909 : vector<1x128xf32>
      %mul3A_911 = arith.constant 8 : i32
      %mul3A_912 = arith.muli %scan3A_881, %mul3A_911 : i32
      %add3A_913 = arith.constant 1 : i32
      %add3A_914 = arith.addi %mul3A_912, %add3A_913 : i32
      %eq3A_915 = vector.broadcast %add3A_914 : i32 to vector<1x128xi32>
      %eq3A_916 = arith.cmpi eq, %iota3A_533, %eq3A_915 : vector<1x128xi32>
      %jit3A_917 = arith.constant 0.000000e+00 : f32
      %broadcast_in_dim3A_918 = vector.broadcast %jit3A_917 : f32 to vector<1x128xf32>
      %select_n3A_919 = arith.select %eq3A_916, %mul3A_910, %broadcast_in_dim3A_918 : vector<1x128xi1>, vector<1x128xf32>
      %reduce_max3A_920 = vector.shape_cast %select_n3A_919 : vector<1x128xf32> to vector<1x1x128xf32>
      %reduce_max3A_921 = arith.constant dense<0xFF800000> : vector<1xf32>
      %reduce_max3A_922 = vector.multi_reduction <maximumf>, %reduce_max3A_920, %reduce_max3A_921 [1, 2] : vector<1x1x128xf32> to vector<1xf32>
      %reduce_max3A_923 = vector.shape_cast %reduce_max3A_922 : vector<1xf32> to vector<1x1x1xf32>
      %reduce_max3A_924 = vector.extract %reduce_max3A_923[0, 0, 0] : f32 from vector<1x1x1xf32>
      %slice3A_925 = vector.extract_strided_slice %get3A_889 {offsets = [1, 0], sizes = [1, 128], strides = [1, 1]} : vector<8x128xf32> to vector<1x128xf32>
      %mul3A_926 = vector.broadcast %reduce_max3A_924 : f32 to vector<1x128xf32>
      %mul3A_927 = arith.mulf %slice3A_925, %mul3A_926 : vector<1x128xf32>
      %sub3A_928 = arith.constant 1.000000e+00 : f32
      %sub3A_929 = vector.broadcast %sub3A_928 : f32 to vector<1x128xf32>
      %sub3A_930 = arith.subf %sub3A_929, %mul3A_927 : vector<1x128xf32>
      %mul3A_931 = arith.mulf %mul3A_910, %sub3A_930 : vector<1x128xf32>
      %mul3A_932 = arith.constant 8 : i32
      %mul3A_933 = arith.muli %scan3A_881, %mul3A_932 : i32
      %add3A_934 = arith.constant 2 : i32
      %add3A_935 = arith.addi %mul3A_933, %add3A_934 : i32
      %eq3A_936 = vector.broadcast %add3A_935 : i32 to vector<1x128xi32>
      %eq3A_937 = arith.cmpi eq, %iota3A_533, %eq3A_936 : vector<1x128xi32>
      %jit3A_938 = arith.constant 0.000000e+00 : f32
      %broadcast_in_dim3A_939 = vector.broadcast %jit3A_938 : f32 to vector<1x128xf32>
      %select_n3A_940 = arith.select %eq3A_937, %mul3A_931, %broadcast_in_dim3A_939 : vector<1x128xi1>, vector<1x128xf32>
      %reduce_max3A_941 = vector.shape_cast %select_n3A_940 : vector<1x128xf32> to vector<1x1x128xf32>
      %reduce_max3A_942 = arith.constant dense<0xFF800000> : vector<1xf32>
      %reduce_max3A_943 = vector.multi_reduction <maximumf>, %reduce_max3A_941, %reduce_max3A_942 [1, 2] : vector<1x1x128xf32> to vector<1xf32>
      %reduce_max3A_944 = vector.shape_cast %reduce_max3A_943 : vector<1xf32> to vector<1x1x1xf32>
      %reduce_max3A_945 = vector.extract %reduce_max3A_944[0, 0, 0] : f32 from vector<1x1x1xf32>
      %slice3A_946 = vector.extract_strided_slice %get3A_889 {offsets = [2, 0], sizes = [1, 128], strides = [1, 1]} : vector<8x128xf32> to vector<1x128xf32>
      %mul3A_947 = vector.broadcast %reduce_max3A_945 : f32 to vector<1x128xf32>
      %mul3A_948 = arith.mulf %slice3A_946, %mul3A_947 : vector<1x128xf32>
      %sub3A_949 = arith.constant 1.000000e+00 : f32
      %sub3A_950 = vector.broadcast %sub3A_949 : f32 to vector<1x128xf32>
      %sub3A_951 = arith.subf %sub3A_950, %mul3A_948 : vector<1x128xf32>
      %mul3A_952 = arith.mulf %mul3A_931, %sub3A_951 : vector<1x128xf32>
      %mul3A_953 = arith.constant 8 : i32
      %mul3A_954 = arith.muli %scan3A_881, %mul3A_953 : i32
      %add3A_955 = arith.constant 3 : i32
      %add3A_956 = arith.addi %mul3A_954, %add3A_955 : i32
      %eq3A_957 = vector.broadcast %add3A_956 : i32 to vector<1x128xi32>
      %eq3A_958 = arith.cmpi eq, %iota3A_533, %eq3A_957 : vector<1x128xi32>
      %jit3A_959 = arith.constant 0.000000e+00 : f32
      %broadcast_in_dim3A_960 = vector.broadcast %jit3A_959 : f32 to vector<1x128xf32>
      %select_n3A_961 = arith.select %eq3A_958, %mul3A_952, %broadcast_in_dim3A_960 : vector<1x128xi1>, vector<1x128xf32>
      %reduce_max3A_962 = vector.shape_cast %select_n3A_961 : vector<1x128xf32> to vector<1x1x128xf32>
      %reduce_max3A_963 = arith.constant dense<0xFF800000> : vector<1xf32>
      %reduce_max3A_964 = vector.multi_reduction <maximumf>, %reduce_max3A_962, %reduce_max3A_963 [1, 2] : vector<1x1x128xf32> to vector<1xf32>
      %reduce_max3A_965 = vector.shape_cast %reduce_max3A_964 : vector<1xf32> to vector<1x1x1xf32>
      %reduce_max3A_966 = vector.extract %reduce_max3A_965[0, 0, 0] : f32 from vector<1x1x1xf32>
      %slice3A_967 = vector.extract_strided_slice %get3A_889 {offsets = [3, 0], sizes = [1, 128], strides = [1, 1]} : vector<8x128xf32> to vector<1x128xf32>
      %mul3A_968 = vector.broadcast %reduce_max3A_966 : f32 to vector<1x128xf32>
      %mul3A_969 = arith.mulf %slice3A_967, %mul3A_968 : vector<1x128xf32>
      %sub3A_970 = arith.constant 1.000000e+00 : f32
      %sub3A_971 = vector.broadcast %sub3A_970 : f32 to vector<1x128xf32>
      %sub3A_972 = arith.subf %sub3A_971, %mul3A_969 : vector<1x128xf32>
      %mul3A_973 = arith.mulf %mul3A_952, %sub3A_972 : vector<1x128xf32>
      %mul3A_974 = arith.constant 8 : i32
      %mul3A_975 = arith.muli %scan3A_881, %mul3A_974 : i32
      %add3A_976 = arith.constant 4 : i32
      %add3A_977 = arith.addi %mul3A_975, %add3A_976 : i32
      %eq3A_978 = vector.broadcast %add3A_977 : i32 to vector<1x128xi32>
      %eq3A_979 = arith.cmpi eq, %iota3A_533, %eq3A_978 : vector<1x128xi32>
      %jit3A_980 = arith.constant 0.000000e+00 : f32
      %broadcast_in_dim3A_981 = vector.broadcast %jit3A_980 : f32 to vector<1x128xf32>
      %select_n3A_982 = arith.select %eq3A_979, %mul3A_973, %broadcast_in_dim3A_981 : vector<1x128xi1>, vector<1x128xf32>
      %reduce_max3A_983 = vector.shape_cast %select_n3A_982 : vector<1x128xf32> to vector<1x1x128xf32>
      %reduce_max3A_984 = arith.constant dense<0xFF800000> : vector<1xf32>
      %reduce_max3A_985 = vector.multi_reduction <maximumf>, %reduce_max3A_983, %reduce_max3A_984 [1, 2] : vector<1x1x128xf32> to vector<1xf32>
      %reduce_max3A_986 = vector.shape_cast %reduce_max3A_985 : vector<1xf32> to vector<1x1x1xf32>
      %reduce_max3A_987 = vector.extract %reduce_max3A_986[0, 0, 0] : f32 from vector<1x1x1xf32>
      %slice3A_988 = vector.extract_strided_slice %get3A_889 {offsets = [4, 0], sizes = [1, 128], strides = [1, 1]} : vector<8x128xf32> to vector<1x128xf32>
      %mul3A_989 = vector.broadcast %reduce_max3A_987 : f32 to vector<1x128xf32>
      %mul3A_990 = arith.mulf %slice3A_988, %mul3A_989 : vector<1x128xf32>
      %sub3A_991 = arith.constant 1.000000e+00 : f32
      %sub3A_992 = vector.broadcast %sub3A_991 : f32 to vector<1x128xf32>
      %sub3A_993 = arith.subf %sub3A_992, %mul3A_990 : vector<1x128xf32>
      %mul3A_994 = arith.mulf %mul3A_973, %sub3A_993 : vector<1x128xf32>
      %mul3A_995 = arith.constant 8 : i32
      %mul3A_996 = arith.muli %scan3A_881, %mul3A_995 : i32
      %add3A_997 = arith.constant 5 : i32
      %add3A_998 = arith.addi %mul3A_996, %add3A_997 : i32
      %eq3A_999 = vector.broadcast %add3A_998 : i32 to vector<1x128xi32>
      %eq3A_1000 = arith.cmpi eq, %iota3A_533, %eq3A_999 : vector<1x128xi32>
      %jit3A_1001 = arith.constant 0.000000e+00 : f32
      %broadcast_in_dim3A_1002 = vector.broadcast %jit3A_1001 : f32 to vector<1x128xf32>
      %select_n3A_1003 = arith.select %eq3A_1000, %mul3A_994, %broadcast_in_dim3A_1002 : vector<1x128xi1>, vector<1x128xf32>
      %reduce_max3A_1004 = vector.shape_cast %select_n3A_1003 : vector<1x128xf32> to vector<1x1x128xf32>
      %reduce_max3A_1005 = arith.constant dense<0xFF800000> : vector<1xf32>
      %reduce_max3A_1006 = vector.multi_reduction <maximumf>, %reduce_max3A_1004, %reduce_max3A_1005 [1, 2] : vector<1x1x128xf32> to vector<1xf32>
      %reduce_max3A_1007 = vector.shape_cast %reduce_max3A_1006 : vector<1xf32> to vector<1x1x1xf32>
      %reduce_max3A_1008 = vector.extract %reduce_max3A_1007[0, 0, 0] : f32 from vector<1x1x1xf32>
      %slice3A_1009 = vector.extract_strided_slice %get3A_889 {offsets = [5, 0], sizes = [1, 128], strides = [1, 1]} : vector<8x128xf32> to vector<1x128xf32>
      %mul3A_1010 = vector.broadcast %reduce_max3A_1008 : f32 to vector<1x128xf32>
      %mul3A_1011 = arith.mulf %slice3A_1009, %mul3A_1010 : vector<1x128xf32>
      %sub3A_1012 = arith.constant 1.000000e+00 : f32
      %sub3A_1013 = vector.broadcast %sub3A_1012 : f32 to vector<1x128xf32>
      %sub3A_1014 = arith.subf %sub3A_1013, %mul3A_1011 : vector<1x128xf32>
      %mul3A_1015 = arith.mulf %mul3A_994, %sub3A_1014 : vector<1x128xf32>
      %mul3A_1016 = arith.constant 8 : i32
      %mul3A_1017 = arith.muli %scan3A_881, %mul3A_1016 : i32
      %add3A_1018 = arith.constant 6 : i32
      %add3A_1019 = arith.addi %mul3A_1017, %add3A_1018 : i32
      %eq3A_1020 = vector.broadcast %add3A_1019 : i32 to vector<1x128xi32>
      %eq3A_1021 = arith.cmpi eq, %iota3A_533, %eq3A_1020 : vector<1x128xi32>
      %jit3A_1022 = arith.constant 0.000000e+00 : f32
      %broadcast_in_dim3A_1023 = vector.broadcast %jit3A_1022 : f32 to vector<1x128xf32>
      %select_n3A_1024 = arith.select %eq3A_1021, %mul3A_1015, %broadcast_in_dim3A_1023 : vector<1x128xi1>, vector<1x128xf32>
      %reduce_max3A_1025 = vector.shape_cast %select_n3A_1024 : vector<1x128xf32> to vector<1x1x128xf32>
      %reduce_max3A_1026 = arith.constant dense<0xFF800000> : vector<1xf32>
      %reduce_max3A_1027 = vector.multi_reduction <maximumf>, %reduce_max3A_1025, %reduce_max3A_1026 [1, 2] : vector<1x1x128xf32> to vector<1xf32>
      %reduce_max3A_1028 = vector.shape_cast %reduce_max3A_1027 : vector<1xf32> to vector<1x1x1xf32>
      %reduce_max3A_1029 = vector.extract %reduce_max3A_1028[0, 0, 0] : f32 from vector<1x1x1xf32>
      %slice3A_1030 = vector.extract_strided_slice %get3A_889 {offsets = [6, 0], sizes = [1, 128], strides = [1, 1]} : vector<8x128xf32> to vector<1x128xf32>
      %mul3A_1031 = vector.broadcast %reduce_max3A_1029 : f32 to vector<1x128xf32>
      %mul3A_1032 = arith.mulf %slice3A_1030, %mul3A_1031 : vector<1x128xf32>
      %sub3A_1033 = arith.constant 1.000000e+00 : f32
      %sub3A_1034 = vector.broadcast %sub3A_1033 : f32 to vector<1x128xf32>
      %sub3A_1035 = arith.subf %sub3A_1034, %mul3A_1032 : vector<1x128xf32>
      %mul3A_1036 = arith.mulf %mul3A_1015, %sub3A_1035 : vector<1x128xf32>
      %mul3A_1037 = arith.constant 8 : i32
      %mul3A_1038 = arith.muli %scan3A_881, %mul3A_1037 : i32
      %add3A_1039 = arith.constant 7 : i32
      %add3A_1040 = arith.addi %mul3A_1038, %add3A_1039 : i32
      %eq3A_1041 = vector.broadcast %add3A_1040 : i32 to vector<1x128xi32>
      %eq3A_1042 = arith.cmpi eq, %iota3A_533, %eq3A_1041 : vector<1x128xi32>
      %jit3A_1043 = arith.constant 0.000000e+00 : f32
      %broadcast_in_dim3A_1044 = vector.broadcast %jit3A_1043 : f32 to vector<1x128xf32>
      %select_n3A_1045 = arith.select %eq3A_1042, %mul3A_1036, %broadcast_in_dim3A_1044 : vector<1x128xi1>, vector<1x128xf32>
      %reduce_max3A_1046 = vector.shape_cast %select_n3A_1045 : vector<1x128xf32> to vector<1x1x128xf32>
      %reduce_max3A_1047 = arith.constant dense<0xFF800000> : vector<1xf32>
      %reduce_max3A_1048 = vector.multi_reduction <maximumf>, %reduce_max3A_1046, %reduce_max3A_1047 [1, 2] : vector<1x1x128xf32> to vector<1xf32>
      %reduce_max3A_1049 = vector.shape_cast %reduce_max3A_1048 : vector<1xf32> to vector<1x1x1xf32>
      %reduce_max3A_1050 = vector.extract %reduce_max3A_1049[0, 0, 0] : f32 from vector<1x1x1xf32>
      %slice3A_1051 = vector.extract_strided_slice %get3A_889 {offsets = [7, 0], sizes = [1, 128], strides = [1, 1]} : vector<8x128xf32> to vector<1x128xf32>
      %mul3A_1052 = vector.broadcast %reduce_max3A_1050 : f32 to vector<1x128xf32>
      %mul3A_1053 = arith.mulf %slice3A_1051, %mul3A_1052 : vector<1x128xf32>
      %sub3A_1054 = arith.constant 1.000000e+00 : f32
      %sub3A_1055 = vector.broadcast %sub3A_1054 : f32 to vector<1x128xf32>
      %sub3A_1056 = arith.subf %sub3A_1055, %mul3A_1053 : vector<1x128xf32>
      %mul3A_1057 = arith.mulf %mul3A_1036, %sub3A_1056 : vector<1x128xf32>
      scf.yield %mul3A_1057 : vector<1x128xf32>
    }
    %scan3A_539 = arith.constant 16 : i32
    %broadcast_in_dim3A_540 = vector.shape_cast %scan3A_538 : vector<1x128xf32> to vector<1x128xf32>
    %broadcast_in_dim3A_541 = vector.broadcast %broadcast_in_dim3A_540 : vector<1x128xf32> to vector<8x128xf32>
    %get3A_542 = arith.constant 0 : index
    %get3A_543 = arith.constant 128 : index
    %get3A_544 = vector.load %arg3[%get3A_542, %get3A_543] : memref<1024x1024xf32, #tpu.memory_space<vmem>>, vector<128x896xf32>
    %dot_general3A_545 = arith.constant dense<0.000000e+00> : vector<8x896xf32>
    %dot_general3A_546 = tpu.matmul %broadcast_in_dim3A_541, %get3A_544, %dot_general3A_545 {dimension_numbers = #tpu.dot_dimension_numbers<[1], [0], [0], [1], [0, 0, 1, 1], [], []>, precision = #tpu.contract_precision<fp32>, transpose_lhs_hint = false} : vector<8x128xf32>, vector<128x896xf32>, vector<8x896xf32> -> vector<8x896xf32>
    %slice3A_547 = vector.extract_strided_slice %dot_general3A_546 {offsets = [0, 0], sizes = [1, 896], strides = [1, 1]} : vector<8x896xf32> to vector<1x896xf32>
    %slice3A_548 = vector.extract_strided_slice %select_n3A_532 {offsets = [0, 128], sizes = [1, 896], strides = [1, 1]} : vector<1x1024xf32> to vector<1x896xf32>
    %gt3A_549 = arith.constant 0.000000e+00 : f32
    %gt3A_550 = vector.broadcast %gt3A_549 : f32 to vector<1x896xf32>
    %gt3A_551 = arith.cmpf ogt, %slice3A_547, %gt3A_550 : vector<1x896xf32>
    %jit3A_552 = arith.constant 0.000000e+00 : f32
    %jit3A_553 = arith.constant 1.000000e+00 : f32
    %broadcast_in_dim3A_554 = vector.broadcast %jit3A_552 : f32 to vector<1x896xf32>
    %broadcast_in_dim3A_555 = vector.broadcast %jit3A_553 : f32 to vector<1x896xf32>
    %select_n3A_556 = arith.select %gt3A_551, %broadcast_in_dim3A_554, %broadcast_in_dim3A_555 : vector<1x896xi1>, vector<1x896xf32>
    %mul3A_557 = arith.mulf %slice3A_548, %select_n3A_556 : vector<1x896xf32>
    %slice3A_558 = vector.extract_strided_slice %mul3A_557 {offsets = [0, 0], sizes = [1, 128], strides = [1, 1]} : vector<1x896xf32> to vector<1x128xf32>
    %scan3A_559 = arith.constant 0 : i32
    %scan3A_560 = arith.constant 16 : i32
    %scan3A_561 = arith.addi %scan3A_559, %scan3A_560 : i32
    %scan3A_562 = arith.constant 1 : i32
    %scan3A_563 = scf.for %scan3A_881 = %scan3A_559 to %scan3A_561 step %scan3A_562 iter_args(%scan3A_882 = %slice3A_558) -> (vector<1x128xf32>)  : i32 {
      %mul3A_883 = arith.constant 8 : i32
      %mul3A_884 = arith.muli %scan3A_881, %mul3A_883 : i32
      %add3A_885 = arith.constant 128 : i32
      %add3A_886 = arith.addi %add3A_885, %mul3A_884 : i32
      %get3A_887 = arith.index_cast %add3A_886 : i32 to index
      %get3A_888 = arith.constant 0 : index
      %get3A_889 = vector.load %arg4[%get3A_887, %get3A_888] : memref<1024x128xf32, #tpu.memory_space<vmem>>, vector<8x128xf32>
      %mul3A_890 = arith.constant 8 : i32
      %mul3A_891 = arith.muli %scan3A_881, %mul3A_890 : i32
      %add3A_892 = arith.constant 0 : i32
      %add3A_893 = arith.addi %mul3A_891, %add3A_892 : i32
      %eq3A_894 = vector.broadcast %add3A_893 : i32 to vector<1x128xi32>
      %eq3A_895 = arith.cmpi eq, %iota3A_533, %eq3A_894 : vector<1x128xi32>
      %jit3A_896 = arith.constant 0.000000e+00 : f32
      %broadcast_in_dim3A_897 = vector.broadcast %jit3A_896 : f32 to vector<1x128xf32>
      %select_n3A_898 = arith.select %eq3A_895, %scan3A_882, %broadcast_in_dim3A_897 : vector<1x128xi1>, vector<1x128xf32>
      %reduce_max3A_899 = vector.shape_cast %select_n3A_898 : vector<1x128xf32> to vector<1x1x128xf32>
      %reduce_max3A_900 = arith.constant dense<0xFF800000> : vector<1xf32>
      %reduce_max3A_901 = vector.multi_reduction <maximumf>, %reduce_max3A_899, %reduce_max3A_900 [1, 2] : vector<1x1x128xf32> to vector<1xf32>
      %reduce_max3A_902 = vector.shape_cast %reduce_max3A_901 : vector<1xf32> to vector<1x1x1xf32>
      %reduce_max3A_903 = vector.extract %reduce_max3A_902[0, 0, 0] : f32 from vector<1x1x1xf32>
      %slice3A_904 = vector.extract_strided_slice %get3A_889 {offsets = [0, 0], sizes = [1, 128], strides = [1, 1]} : vector<8x128xf32> to vector<1x128xf32>
      %mul3A_905 = vector.broadcast %reduce_max3A_903 : f32 to vector<1x128xf32>
      %mul3A_906 = arith.mulf %slice3A_904, %mul3A_905 : vector<1x128xf32>
      %sub3A_907 = arith.constant 1.000000e+00 : f32
      %sub3A_908 = vector.broadcast %sub3A_907 : f32 to vector<1x128xf32>
      %sub3A_909 = arith.subf %sub3A_908, %mul3A_906 : vector<1x128xf32>
      %mul3A_910 = arith.mulf %scan3A_882, %sub3A_909 : vector<1x128xf32>
      %mul3A_911 = arith.constant 8 : i32
      %mul3A_912 = arith.muli %scan3A_881, %mul3A_911 : i32
      %add3A_913 = arith.constant 1 : i32
      %add3A_914 = arith.addi %mul3A_912, %add3A_913 : i32
      %eq3A_915 = vector.broadcast %add3A_914 : i32 to vector<1x128xi32>
      %eq3A_916 = arith.cmpi eq, %iota3A_533, %eq3A_915 : vector<1x128xi32>
      %jit3A_917 = arith.constant 0.000000e+00 : f32
      %broadcast_in_dim3A_918 = vector.broadcast %jit3A_917 : f32 to vector<1x128xf32>
      %select_n3A_919 = arith.select %eq3A_916, %mul3A_910, %broadcast_in_dim3A_918 : vector<1x128xi1>, vector<1x128xf32>
      %reduce_max3A_920 = vector.shape_cast %select_n3A_919 : vector<1x128xf32> to vector<1x1x128xf32>
      %reduce_max3A_921 = arith.constant dense<0xFF800000> : vector<1xf32>
      %reduce_max3A_922 = vector.multi_reduction <maximumf>, %reduce_max3A_920, %reduce_max3A_921 [1, 2] : vector<1x1x128xf32> to vector<1xf32>
      %reduce_max3A_923 = vector.shape_cast %reduce_max3A_922 : vector<1xf32> to vector<1x1x1xf32>
      %reduce_max3A_924 = vector.extract %reduce_max3A_923[0, 0, 0] : f32 from vector<1x1x1xf32>
      %slice3A_925 = vector.extract_strided_slice %get3A_889 {offsets = [1, 0], sizes = [1, 128], strides = [1, 1]} : vector<8x128xf32> to vector<1x128xf32>
      %mul3A_926 = vector.broadcast %reduce_max3A_924 : f32 to vector<1x128xf32>
      %mul3A_927 = arith.mulf %slice3A_925, %mul3A_926 : vector<1x128xf32>
      %sub3A_928 = arith.constant 1.000000e+00 : f32
      %sub3A_929 = vector.broadcast %sub3A_928 : f32 to vector<1x128xf32>
      %sub3A_930 = arith.subf %sub3A_929, %mul3A_927 : vector<1x128xf32>
      %mul3A_931 = arith.mulf %mul3A_910, %sub3A_930 : vector<1x128xf32>
      %mul3A_932 = arith.constant 8 : i32
      %mul3A_933 = arith.muli %scan3A_881, %mul3A_932 : i32
      %add3A_934 = arith.constant 2 : i32
      %add3A_935 = arith.addi %mul3A_933, %add3A_934 : i32
      %eq3A_936 = vector.broadcast %add3A_935 : i32 to vector<1x128xi32>
      %eq3A_937 = arith.cmpi eq, %iota3A_533, %eq3A_936 : vector<1x128xi32>
      %jit3A_938 = arith.constant 0.000000e+00 : f32
      %broadcast_in_dim3A_939 = vector.broadcast %jit3A_938 : f32 to vector<1x128xf32>
      %select_n3A_940 = arith.select %eq3A_937, %mul3A_931, %broadcast_in_dim3A_939 : vector<1x128xi1>, vector<1x128xf32>
      %reduce_max3A_941 = vector.shape_cast %select_n3A_940 : vector<1x128xf32> to vector<1x1x128xf32>
      %reduce_max3A_942 = arith.constant dense<0xFF800000> : vector<1xf32>
      %reduce_max3A_943 = vector.multi_reduction <maximumf>, %reduce_max3A_941, %reduce_max3A_942 [1, 2] : vector<1x1x128xf32> to vector<1xf32>
      %reduce_max3A_944 = vector.shape_cast %reduce_max3A_943 : vector<1xf32> to vector<1x1x1xf32>
      %reduce_max3A_945 = vector.extract %reduce_max3A_944[0, 0, 0] : f32 from vector<1x1x1xf32>
      %slice3A_946 = vector.extract_strided_slice %get3A_889 {offsets = [2, 0], sizes = [1, 128], strides = [1, 1]} : vector<8x128xf32> to vector<1x128xf32>
      %mul3A_947 = vector.broadcast %reduce_max3A_945 : f32 to vector<1x128xf32>
      %mul3A_948 = arith.mulf %slice3A_946, %mul3A_947 : vector<1x128xf32>
      %sub3A_949 = arith.constant 1.000000e+00 : f32
      %sub3A_950 = vector.broadcast %sub3A_949 : f32 to vector<1x128xf32>
      %sub3A_951 = arith.subf %sub3A_950, %mul3A_948 : vector<1x128xf32>
      %mul3A_952 = arith.mulf %mul3A_931, %sub3A_951 : vector<1x128xf32>
      %mul3A_953 = arith.constant 8 : i32
      %mul3A_954 = arith.muli %scan3A_881, %mul3A_953 : i32
      %add3A_955 = arith.constant 3 : i32
      %add3A_956 = arith.addi %mul3A_954, %add3A_955 : i32
      %eq3A_957 = vector.broadcast %add3A_956 : i32 to vector<1x128xi32>
      %eq3A_958 = arith.cmpi eq, %iota3A_533, %eq3A_957 : vector<1x128xi32>
      %jit3A_959 = arith.constant 0.000000e+00 : f32
      %broadcast_in_dim3A_960 = vector.broadcast %jit3A_959 : f32 to vector<1x128xf32>
      %select_n3A_961 = arith.select %eq3A_958, %mul3A_952, %broadcast_in_dim3A_960 : vector<1x128xi1>, vector<1x128xf32>
      %reduce_max3A_962 = vector.shape_cast %select_n3A_961 : vector<1x128xf32> to vector<1x1x128xf32>
      %reduce_max3A_963 = arith.constant dense<0xFF800000> : vector<1xf32>
      %reduce_max3A_964 = vector.multi_reduction <maximumf>, %reduce_max3A_962, %reduce_max3A_963 [1, 2] : vector<1x1x128xf32> to vector<1xf32>
      %reduce_max3A_965 = vector.shape_cast %reduce_max3A_964 : vector<1xf32> to vector<1x1x1xf32>
      %reduce_max3A_966 = vector.extract %reduce_max3A_965[0, 0, 0] : f32 from vector<1x1x1xf32>
      %slice3A_967 = vector.extract_strided_slice %get3A_889 {offsets = [3, 0], sizes = [1, 128], strides = [1, 1]} : vector<8x128xf32> to vector<1x128xf32>
      %mul3A_968 = vector.broadcast %reduce_max3A_966 : f32 to vector<1x128xf32>
      %mul3A_969 = arith.mulf %slice3A_967, %mul3A_968 : vector<1x128xf32>
      %sub3A_970 = arith.constant 1.000000e+00 : f32
      %sub3A_971 = vector.broadcast %sub3A_970 : f32 to vector<1x128xf32>
      %sub3A_972 = arith.subf %sub3A_971, %mul3A_969 : vector<1x128xf32>
      %mul3A_973 = arith.mulf %mul3A_952, %sub3A_972 : vector<1x128xf32>
      %mul3A_974 = arith.constant 8 : i32
      %mul3A_975 = arith.muli %scan3A_881, %mul3A_974 : i32
      %add3A_976 = arith.constant 4 : i32
      %add3A_977 = arith.addi %mul3A_975, %add3A_976 : i32
      %eq3A_978 = vector.broadcast %add3A_977 : i32 to vector<1x128xi32>
      %eq3A_979 = arith.cmpi eq, %iota3A_533, %eq3A_978 : vector<1x128xi32>
      %jit3A_980 = arith.constant 0.000000e+00 : f32
      %broadcast_in_dim3A_981 = vector.broadcast %jit3A_980 : f32 to vector<1x128xf32>
      %select_n3A_982 = arith.select %eq3A_979, %mul3A_973, %broadcast_in_dim3A_981 : vector<1x128xi1>, vector<1x128xf32>
      %reduce_max3A_983 = vector.shape_cast %select_n3A_982 : vector<1x128xf32> to vector<1x1x128xf32>
      %reduce_max3A_984 = arith.constant dense<0xFF800000> : vector<1xf32>
      %reduce_max3A_985 = vector.multi_reduction <maximumf>, %reduce_max3A_983, %reduce_max3A_984 [1, 2] : vector<1x1x128xf32> to vector<1xf32>
      %reduce_max3A_986 = vector.shape_cast %reduce_max3A_985 : vector<1xf32> to vector<1x1x1xf32>
      %reduce_max3A_987 = vector.extract %reduce_max3A_986[0, 0, 0] : f32 from vector<1x1x1xf32>
      %slice3A_988 = vector.extract_strided_slice %get3A_889 {offsets = [4, 0], sizes = [1, 128], strides = [1, 1]} : vector<8x128xf32> to vector<1x128xf32>
      %mul3A_989 = vector.broadcast %reduce_max3A_987 : f32 to vector<1x128xf32>
      %mul3A_990 = arith.mulf %slice3A_988, %mul3A_989 : vector<1x128xf32>
      %sub3A_991 = arith.constant 1.000000e+00 : f32
      %sub3A_992 = vector.broadcast %sub3A_991 : f32 to vector<1x128xf32>
      %sub3A_993 = arith.subf %sub3A_992, %mul3A_990 : vector<1x128xf32>
      %mul3A_994 = arith.mulf %mul3A_973, %sub3A_993 : vector<1x128xf32>
      %mul3A_995 = arith.constant 8 : i32
      %mul3A_996 = arith.muli %scan3A_881, %mul3A_995 : i32
      %add3A_997 = arith.constant 5 : i32
      %add3A_998 = arith.addi %mul3A_996, %add3A_997 : i32
      %eq3A_999 = vector.broadcast %add3A_998 : i32 to vector<1x128xi32>
      %eq3A_1000 = arith.cmpi eq, %iota3A_533, %eq3A_999 : vector<1x128xi32>
      %jit3A_1001 = arith.constant 0.000000e+00 : f32
      %broadcast_in_dim3A_1002 = vector.broadcast %jit3A_1001 : f32 to vector<1x128xf32>
      %select_n3A_1003 = arith.select %eq3A_1000, %mul3A_994, %broadcast_in_dim3A_1002 : vector<1x128xi1>, vector<1x128xf32>
      %reduce_max3A_1004 = vector.shape_cast %select_n3A_1003 : vector<1x128xf32> to vector<1x1x128xf32>
      %reduce_max3A_1005 = arith.constant dense<0xFF800000> : vector<1xf32>
      %reduce_max3A_1006 = vector.multi_reduction <maximumf>, %reduce_max3A_1004, %reduce_max3A_1005 [1, 2] : vector<1x1x128xf32> to vector<1xf32>
      %reduce_max3A_1007 = vector.shape_cast %reduce_max3A_1006 : vector<1xf32> to vector<1x1x1xf32>
      %reduce_max3A_1008 = vector.extract %reduce_max3A_1007[0, 0, 0] : f32 from vector<1x1x1xf32>
      %slice3A_1009 = vector.extract_strided_slice %get3A_889 {offsets = [5, 0], sizes = [1, 128], strides = [1, 1]} : vector<8x128xf32> to vector<1x128xf32>
      %mul3A_1010 = vector.broadcast %reduce_max3A_1008 : f32 to vector<1x128xf32>
      %mul3A_1011 = arith.mulf %slice3A_1009, %mul3A_1010 : vector<1x128xf32>
      %sub3A_1012 = arith.constant 1.000000e+00 : f32
      %sub3A_1013 = vector.broadcast %sub3A_1012 : f32 to vector<1x128xf32>
      %sub3A_1014 = arith.subf %sub3A_1013, %mul3A_1011 : vector<1x128xf32>
      %mul3A_1015 = arith.mulf %mul3A_994, %sub3A_1014 : vector<1x128xf32>
      %mul3A_1016 = arith.constant 8 : i32
      %mul3A_1017 = arith.muli %scan3A_881, %mul3A_1016 : i32
      %add3A_1018 = arith.constant 6 : i32
      %add3A_1019 = arith.addi %mul3A_1017, %add3A_1018 : i32
      %eq3A_1020 = vector.broadcast %add3A_1019 : i32 to vector<1x128xi32>
      %eq3A_1021 = arith.cmpi eq, %iota3A_533, %eq3A_1020 : vector<1x128xi32>
      %jit3A_1022 = arith.constant 0.000000e+00 : f32
      %broadcast_in_dim3A_1023 = vector.broadcast %jit3A_1022 : f32 to vector<1x128xf32>
      %select_n3A_1024 = arith.select %eq3A_1021, %mul3A_1015, %broadcast_in_dim3A_1023 : vector<1x128xi1>, vector<1x128xf32>
      %reduce_max3A_1025 = vector.shape_cast %select_n3A_1024 : vector<1x128xf32> to vector<1x1x128xf32>
      %reduce_max3A_1026 = arith.constant dense<0xFF800000> : vector<1xf32>
      %reduce_max3A_1027 = vector.multi_reduction <maximumf>, %reduce_max3A_1025, %reduce_max3A_1026 [1, 2] : vector<1x1x128xf32> to vector<1xf32>
      %reduce_max3A_1028 = vector.shape_cast %reduce_max3A_1027 : vector<1xf32> to vector<1x1x1xf32>
      %reduce_max3A_1029 = vector.extract %reduce_max3A_1028[0, 0, 0] : f32 from vector<1x1x1xf32>
      %slice3A_1030 = vector.extract_strided_slice %get3A_889 {offsets = [6, 0], sizes = [1, 128], strides = [1, 1]} : vector<8x128xf32> to vector<1x128xf32>
      %mul3A_1031 = vector.broadcast %reduce_max3A_1029 : f32 to vector<1x128xf32>
      %mul3A_1032 = arith.mulf %slice3A_1030, %mul3A_1031 : vector<1x128xf32>
      %sub3A_1033 = arith.constant 1.000000e+00 : f32
      %sub3A_1034 = vector.broadcast %sub3A_1033 : f32 to vector<1x128xf32>
      %sub3A_1035 = arith.subf %sub3A_1034, %mul3A_1032 : vector<1x128xf32>
      %mul3A_1036 = arith.mulf %mul3A_1015, %sub3A_1035 : vector<1x128xf32>
      %mul3A_1037 = arith.constant 8 : i32
      %mul3A_1038 = arith.muli %scan3A_881, %mul3A_1037 : i32
      %add3A_1039 = arith.constant 7 : i32
      %add3A_1040 = arith.addi %mul3A_1038, %add3A_1039 : i32
      %eq3A_1041 = vector.broadcast %add3A_1040 : i32 to vector<1x128xi32>
      %eq3A_1042 = arith.cmpi eq, %iota3A_533, %eq3A_1041 : vector<1x128xi32>
      %jit3A_1043 = arith.constant 0.000000e+00 : f32
      %broadcast_in_dim3A_1044 = vector.broadcast %jit3A_1043 : f32 to vector<1x128xf32>
      %select_n3A_1045 = arith.select %eq3A_1042, %mul3A_1036, %broadcast_in_dim3A_1044 : vector<1x128xi1>, vector<1x128xf32>
      %reduce_max3A_1046 = vector.shape_cast %select_n3A_1045 : vector<1x128xf32> to vector<1x1x128xf32>
      %reduce_max3A_1047 = arith.constant dense<0xFF800000> : vector<1xf32>
      %reduce_max3A_1048 = vector.multi_reduction <maximumf>, %reduce_max3A_1046, %reduce_max3A_1047 [1, 2] : vector<1x1x128xf32> to vector<1xf32>
      %reduce_max3A_1049 = vector.shape_cast %reduce_max3A_1048 : vector<1xf32> to vector<1x1x1xf32>
      %reduce_max3A_1050 = vector.extract %reduce_max3A_1049[0, 0, 0] : f32 from vector<1x1x1xf32>
      %slice3A_1051 = vector.extract_strided_slice %get3A_889 {offsets = [7, 0], sizes = [1, 128], strides = [1, 1]} : vector<8x128xf32> to vector<1x128xf32>
      %mul3A_1052 = vector.broadcast %reduce_max3A_1050 : f32 to vector<1x128xf32>
      %mul3A_1053 = arith.mulf %slice3A_1051, %mul3A_1052 : vector<1x128xf32>
      %sub3A_1054 = arith.constant 1.000000e+00 : f32
      %sub3A_1055 = vector.broadcast %sub3A_1054 : f32 to vector<1x128xf32>
      %sub3A_1056 = arith.subf %sub3A_1055, %mul3A_1053 : vector<1x128xf32>
      %mul3A_1057 = arith.mulf %mul3A_1036, %sub3A_1056 : vector<1x128xf32>
      scf.yield %mul3A_1057 : vector<1x128xf32>
    }
    %scan3A_564 = arith.constant 16 : i32
    %broadcast_in_dim3A_565 = vector.shape_cast %scan3A_563 : vector<1x128xf32> to vector<1x128xf32>
    %broadcast_in_dim3A_566 = vector.broadcast %broadcast_in_dim3A_565 : vector<1x128xf32> to vector<8x128xf32>
    %get3A_567 = arith.constant 128 : index
    %get3A_568 = arith.constant 256 : index
    %get3A_569 = vector.load %arg3[%get3A_567, %get3A_568] : memref<1024x1024xf32, #tpu.memory_space<vmem>>, vector<128x768xf32>
    %dot_general3A_570 = arith.constant dense<0.000000e+00> : vector<8x768xf32>
    %dot_general3A_571 = tpu.matmul %broadcast_in_dim3A_566, %get3A_569, %dot_general3A_570 {dimension_numbers = #tpu.dot_dimension_numbers<[1], [0], [0], [1], [0, 0, 1, 1], [], []>, precision = #tpu.contract_precision<fp32>, transpose_lhs_hint = false} : vector<8x128xf32>, vector<128x768xf32>, vector<8x768xf32> -> vector<8x768xf32>
    %slice3A_572 = vector.extract_strided_slice %dot_general3A_571 {offsets = [0, 0], sizes = [1, 768], strides = [1, 1]} : vector<8x768xf32> to vector<1x768xf32>
    %slice3A_573 = vector.extract_strided_slice %mul3A_557 {offsets = [0, 128], sizes = [1, 768], strides = [1, 1]} : vector<1x896xf32> to vector<1x768xf32>
    %gt3A_574 = arith.constant 0.000000e+00 : f32
    %gt3A_575 = vector.broadcast %gt3A_574 : f32 to vector<1x768xf32>
    %gt3A_576 = arith.cmpf ogt, %slice3A_572, %gt3A_575 : vector<1x768xf32>
    %jit3A_577 = arith.constant 0.000000e+00 : f32
    %jit3A_578 = arith.constant 1.000000e+00 : f32
    %broadcast_in_dim3A_579 = vector.broadcast %jit3A_577 : f32 to vector<1x768xf32>
    %broadcast_in_dim3A_580 = vector.broadcast %jit3A_578 : f32 to vector<1x768xf32>
    %select_n3A_581 = arith.select %gt3A_576, %broadcast_in_dim3A_579, %broadcast_in_dim3A_580 : vector<1x768xi1>, vector<1x768xf32>
    %mul3A_582 = arith.mulf %slice3A_573, %select_n3A_581 : vector<1x768xf32>
    %slice3A_583 = vector.extract_strided_slice %mul3A_582 {offsets = [0, 0], sizes = [1, 128], strides = [1, 1]} : vector<1x768xf32> to vector<1x128xf32>
    %scan3A_584 = arith.constant 0 : i32
    %scan3A_585 = arith.constant 16 : i32
    %scan3A_586 = arith.addi %scan3A_584, %scan3A_585 : i32
    %scan3A_587 = arith.constant 1 : i32
    %scan3A_588 = scf.for %scan3A_881 = %scan3A_584 to %scan3A_586 step %scan3A_587 iter_args(%scan3A_882 = %slice3A_583) -> (vector<1x128xf32>)  : i32 {
      %mul3A_883 = arith.constant 8 : i32
      %mul3A_884 = arith.muli %scan3A_881, %mul3A_883 : i32
      %add3A_885 = arith.constant 256 : i32
      %add3A_886 = arith.addi %add3A_885, %mul3A_884 : i32
      %get3A_887 = arith.index_cast %add3A_886 : i32 to index
      %get3A_888 = arith.constant 0 : index
      %get3A_889 = vector.load %arg4[%get3A_887, %get3A_888] : memref<1024x128xf32, #tpu.memory_space<vmem>>, vector<8x128xf32>
      %mul3A_890 = arith.constant 8 : i32
      %mul3A_891 = arith.muli %scan3A_881, %mul3A_890 : i32
      %add3A_892 = arith.constant 0 : i32
      %add3A_893 = arith.addi %mul3A_891, %add3A_892 : i32
      %eq3A_894 = vector.broadcast %add3A_893 : i32 to vector<1x128xi32>
      %eq3A_895 = arith.cmpi eq, %iota3A_533, %eq3A_894 : vector<1x128xi32>
      %jit3A_896 = arith.constant 0.000000e+00 : f32
      %broadcast_in_dim3A_897 = vector.broadcast %jit3A_896 : f32 to vector<1x128xf32>
      %select_n3A_898 = arith.select %eq3A_895, %scan3A_882, %broadcast_in_dim3A_897 : vector<1x128xi1>, vector<1x128xf32>
      %reduce_max3A_899 = vector.shape_cast %select_n3A_898 : vector<1x128xf32> to vector<1x1x128xf32>
      %reduce_max3A_900 = arith.constant dense<0xFF800000> : vector<1xf32>
      %reduce_max3A_901 = vector.multi_reduction <maximumf>, %reduce_max3A_899, %reduce_max3A_900 [1, 2] : vector<1x1x128xf32> to vector<1xf32>
      %reduce_max3A_902 = vector.shape_cast %reduce_max3A_901 : vector<1xf32> to vector<1x1x1xf32>
      %reduce_max3A_903 = vector.extract %reduce_max3A_902[0, 0, 0] : f32 from vector<1x1x1xf32>
      %slice3A_904 = vector.extract_strided_slice %get3A_889 {offsets = [0, 0], sizes = [1, 128], strides = [1, 1]} : vector<8x128xf32> to vector<1x128xf32>
      %mul3A_905 = vector.broadcast %reduce_max3A_903 : f32 to vector<1x128xf32>
      %mul3A_906 = arith.mulf %slice3A_904, %mul3A_905 : vector<1x128xf32>
      %sub3A_907 = arith.constant 1.000000e+00 : f32
      %sub3A_908 = vector.broadcast %sub3A_907 : f32 to vector<1x128xf32>
      %sub3A_909 = arith.subf %sub3A_908, %mul3A_906 : vector<1x128xf32>
      %mul3A_910 = arith.mulf %scan3A_882, %sub3A_909 : vector<1x128xf32>
      %mul3A_911 = arith.constant 8 : i32
      %mul3A_912 = arith.muli %scan3A_881, %mul3A_911 : i32
      %add3A_913 = arith.constant 1 : i32
      %add3A_914 = arith.addi %mul3A_912, %add3A_913 : i32
      %eq3A_915 = vector.broadcast %add3A_914 : i32 to vector<1x128xi32>
      %eq3A_916 = arith.cmpi eq, %iota3A_533, %eq3A_915 : vector<1x128xi32>
      %jit3A_917 = arith.constant 0.000000e+00 : f32
      %broadcast_in_dim3A_918 = vector.broadcast %jit3A_917 : f32 to vector<1x128xf32>
      %select_n3A_919 = arith.select %eq3A_916, %mul3A_910, %broadcast_in_dim3A_918 : vector<1x128xi1>, vector<1x128xf32>
      %reduce_max3A_920 = vector.shape_cast %select_n3A_919 : vector<1x128xf32> to vector<1x1x128xf32>
      %reduce_max3A_921 = arith.constant dense<0xFF800000> : vector<1xf32>
      %reduce_max3A_922 = vector.multi_reduction <maximumf>, %reduce_max3A_920, %reduce_max3A_921 [1, 2] : vector<1x1x128xf32> to vector<1xf32>
      %reduce_max3A_923 = vector.shape_cast %reduce_max3A_922 : vector<1xf32> to vector<1x1x1xf32>
      %reduce_max3A_924 = vector.extract %reduce_max3A_923[0, 0, 0] : f32 from vector<1x1x1xf32>
      %slice3A_925 = vector.extract_strided_slice %get3A_889 {offsets = [1, 0], sizes = [1, 128], strides = [1, 1]} : vector<8x128xf32> to vector<1x128xf32>
      %mul3A_926 = vector.broadcast %reduce_max3A_924 : f32 to vector<1x128xf32>
      %mul3A_927 = arith.mulf %slice3A_925, %mul3A_926 : vector<1x128xf32>
      %sub3A_928 = arith.constant 1.000000e+00 : f32
      %sub3A_929 = vector.broadcast %sub3A_928 : f32 to vector<1x128xf32>
      %sub3A_930 = arith.subf %sub3A_929, %mul3A_927 : vector<1x128xf32>
      %mul3A_931 = arith.mulf %mul3A_910, %sub3A_930 : vector<1x128xf32>
      %mul3A_932 = arith.constant 8 : i32
      %mul3A_933 = arith.muli %scan3A_881, %mul3A_932 : i32
      %add3A_934 = arith.constant 2 : i32
      %add3A_935 = arith.addi %mul3A_933, %add3A_934 : i32
      %eq3A_936 = vector.broadcast %add3A_935 : i32 to vector<1x128xi32>
      %eq3A_937 = arith.cmpi eq, %iota3A_533, %eq3A_936 : vector<1x128xi32>
      %jit3A_938 = arith.constant 0.000000e+00 : f32
      %broadcast_in_dim3A_939 = vector.broadcast %jit3A_938 : f32 to vector<1x128xf32>
      %select_n3A_940 = arith.select %eq3A_937, %mul3A_931, %broadcast_in_dim3A_939 : vector<1x128xi1>, vector<1x128xf32>
      %reduce_max3A_941 = vector.shape_cast %select_n3A_940 : vector<1x128xf32> to vector<1x1x128xf32>
      %reduce_max3A_942 = arith.constant dense<0xFF800000> : vector<1xf32>
      %reduce_max3A_943 = vector.multi_reduction <maximumf>, %reduce_max3A_941, %reduce_max3A_942 [1, 2] : vector<1x1x128xf32> to vector<1xf32>
      %reduce_max3A_944 = vector.shape_cast %reduce_max3A_943 : vector<1xf32> to vector<1x1x1xf32>
      %reduce_max3A_945 = vector.extract %reduce_max3A_944[0, 0, 0] : f32 from vector<1x1x1xf32>
      %slice3A_946 = vector.extract_strided_slice %get3A_889 {offsets = [2, 0], sizes = [1, 128], strides = [1, 1]} : vector<8x128xf32> to vector<1x128xf32>
      %mul3A_947 = vector.broadcast %reduce_max3A_945 : f32 to vector<1x128xf32>
      %mul3A_948 = arith.mulf %slice3A_946, %mul3A_947 : vector<1x128xf32>
      %sub3A_949 = arith.constant 1.000000e+00 : f32
      %sub3A_950 = vector.broadcast %sub3A_949 : f32 to vector<1x128xf32>
      %sub3A_951 = arith.subf %sub3A_950, %mul3A_948 : vector<1x128xf32>
      %mul3A_952 = arith.mulf %mul3A_931, %sub3A_951 : vector<1x128xf32>
      %mul3A_953 = arith.constant 8 : i32
      %mul3A_954 = arith.muli %scan3A_881, %mul3A_953 : i32
      %add3A_955 = arith.constant 3 : i32
      %add3A_956 = arith.addi %mul3A_954, %add3A_955 : i32
      %eq3A_957 = vector.broadcast %add3A_956 : i32 to vector<1x128xi32>
      %eq3A_958 = arith.cmpi eq, %iota3A_533, %eq3A_957 : vector<1x128xi32>
      %jit3A_959 = arith.constant 0.000000e+00 : f32
      %broadcast_in_dim3A_960 = vector.broadcast %jit3A_959 : f32 to vector<1x128xf32>
      %select_n3A_961 = arith.select %eq3A_958, %mul3A_952, %broadcast_in_dim3A_960 : vector<1x128xi1>, vector<1x128xf32>
      %reduce_max3A_962 = vector.shape_cast %select_n3A_961 : vector<1x128xf32> to vector<1x1x128xf32>
      %reduce_max3A_963 = arith.constant dense<0xFF800000> : vector<1xf32>
      %reduce_max3A_964 = vector.multi_reduction <maximumf>, %reduce_max3A_962, %reduce_max3A_963 [1, 2] : vector<1x1x128xf32> to vector<1xf32>
      %reduce_max3A_965 = vector.shape_cast %reduce_max3A_964 : vector<1xf32> to vector<1x1x1xf32>
      %reduce_max3A_966 = vector.extract %reduce_max3A_965[0, 0, 0] : f32 from vector<1x1x1xf32>
      %slice3A_967 = vector.extract_strided_slice %get3A_889 {offsets = [3, 0], sizes = [1, 128], strides = [1, 1]} : vector<8x128xf32> to vector<1x128xf32>
      %mul3A_968 = vector.broadcast %reduce_max3A_966 : f32 to vector<1x128xf32>
      %mul3A_969 = arith.mulf %slice3A_967, %mul3A_968 : vector<1x128xf32>
      %sub3A_970 = arith.constant 1.000000e+00 : f32
      %sub3A_971 = vector.broadcast %sub3A_970 : f32 to vector<1x128xf32>
      %sub3A_972 = arith.subf %sub3A_971, %mul3A_969 : vector<1x128xf32>
      %mul3A_973 = arith.mulf %mul3A_952, %sub3A_972 : vector<1x128xf32>
      %mul3A_974 = arith.constant 8 : i32
      %mul3A_975 = arith.muli %scan3A_881, %mul3A_974 : i32
      %add3A_976 = arith.constant 4 : i32
      %add3A_977 = arith.addi %mul3A_975, %add3A_976 : i32
      %eq3A_978 = vector.broadcast %add3A_977 : i32 to vector<1x128xi32>
      %eq3A_979 = arith.cmpi eq, %iota3A_533, %eq3A_978 : vector<1x128xi32>
      %jit3A_980 = arith.constant 0.000000e+00 : f32
      %broadcast_in_dim3A_981 = vector.broadcast %jit3A_980 : f32 to vector<1x128xf32>
      %select_n3A_982 = arith.select %eq3A_979, %mul3A_973, %broadcast_in_dim3A_981 : vector<1x128xi1>, vector<1x128xf32>
      %reduce_max3A_983 = vector.shape_cast %select_n3A_982 : vector<1x128xf32> to vector<1x1x128xf32>
      %reduce_max3A_984 = arith.constant dense<0xFF800000> : vector<1xf32>
      %reduce_max3A_985 = vector.multi_reduction <maximumf>, %reduce_max3A_983, %reduce_max3A_984 [1, 2] : vector<1x1x128xf32> to vector<1xf32>
      %reduce_max3A_986 = vector.shape_cast %reduce_max3A_985 : vector<1xf32> to vector<1x1x1xf32>
      %reduce_max3A_987 = vector.extract %reduce_max3A_986[0, 0, 0] : f32 from vector<1x1x1xf32>
      %slice3A_988 = vector.extract_strided_slice %get3A_889 {offsets = [4, 0], sizes = [1, 128], strides = [1, 1]} : vector<8x128xf32> to vector<1x128xf32>
      %mul3A_989 = vector.broadcast %reduce_max3A_987 : f32 to vector<1x128xf32>
      %mul3A_990 = arith.mulf %slice3A_988, %mul3A_989 : vector<1x128xf32>
      %sub3A_991 = arith.constant 1.000000e+00 : f32
      %sub3A_992 = vector.broadcast %sub3A_991 : f32 to vector<1x128xf32>
      %sub3A_993 = arith.subf %sub3A_992, %mul3A_990 : vector<1x128xf32>
      %mul3A_994 = arith.mulf %mul3A_973, %sub3A_993 : vector<1x128xf32>
      %mul3A_995 = arith.constant 8 : i32
      %mul3A_996 = arith.muli %scan3A_881, %mul3A_995 : i32
      %add3A_997 = arith.constant 5 : i32
      %add3A_998 = arith.addi %mul3A_996, %add3A_997 : i32
      %eq3A_999 = vector.broadcast %add3A_998 : i32 to vector<1x128xi32>
      %eq3A_1000 = arith.cmpi eq, %iota3A_533, %eq3A_999 : vector<1x128xi32>
      %jit3A_1001 = arith.constant 0.000000e+00 : f32
      %broadcast_in_dim3A_1002 = vector.broadcast %jit3A_1001 : f32 to vector<1x128xf32>
      %select_n3A_1003 = arith.select %eq3A_1000, %mul3A_994, %broadcast_in_dim3A_1002 : vector<1x128xi1>, vector<1x128xf32>
      %reduce_max3A_1004 = vector.shape_cast %select_n3A_1003 : vector<1x128xf32> to vector<1x1x128xf32>
      %reduce_max3A_1005 = arith.constant dense<0xFF800000> : vector<1xf32>
      %reduce_max3A_1006 = vector.multi_reduction <maximumf>, %reduce_max3A_1004, %reduce_max3A_1005 [1, 2] : vector<1x1x128xf32> to vector<1xf32>
      %reduce_max3A_1007 = vector.shape_cast %reduce_max3A_1006 : vector<1xf32> to vector<1x1x1xf32>
      %reduce_max3A_1008 = vector.extract %reduce_max3A_1007[0, 0, 0] : f32 from vector<1x1x1xf32>
      %slice3A_1009 = vector.extract_strided_slice %get3A_889 {offsets = [5, 0], sizes = [1, 128], strides = [1, 1]} : vector<8x128xf32> to vector<1x128xf32>
      %mul3A_1010 = vector.broadcast %reduce_max3A_1008 : f32 to vector<1x128xf32>
      %mul3A_1011 = arith.mulf %slice3A_1009, %mul3A_1010 : vector<1x128xf32>
      %sub3A_1012 = arith.constant 1.000000e+00 : f32
      %sub3A_1013 = vector.broadcast %sub3A_1012 : f32 to vector<1x128xf32>
      %sub3A_1014 = arith.subf %sub3A_1013, %mul3A_1011 : vector<1x128xf32>
      %mul3A_1015 = arith.mulf %mul3A_994, %sub3A_1014 : vector<1x128xf32>
      %mul3A_1016 = arith.constant 8 : i32
      %mul3A_1017 = arith.muli %scan3A_881, %mul3A_1016 : i32
      %add3A_1018 = arith.constant 6 : i32
      %add3A_1019 = arith.addi %mul3A_1017, %add3A_1018 : i32
      %eq3A_1020 = vector.broadcast %add3A_1019 : i32 to vector<1x128xi32>
      %eq3A_1021 = arith.cmpi eq, %iota3A_533, %eq3A_1020 : vector<1x128xi32>
      %jit3A_1022 = arith.constant 0.000000e+00 : f32
      %broadcast_in_dim3A_1023 = vector.broadcast %jit3A_1022 : f32 to vector<1x128xf32>
      %select_n3A_1024 = arith.select %eq3A_1021, %mul3A_1015, %broadcast_in_dim3A_1023 : vector<1x128xi1>, vector<1x128xf32>
      %reduce_max3A_1025 = vector.shape_cast %select_n3A_1024 : vector<1x128xf32> to vector<1x1x128xf32>
      %reduce_max3A_1026 = arith.constant dense<0xFF800000> : vector<1xf32>
      %reduce_max3A_1027 = vector.multi_reduction <maximumf>, %reduce_max3A_1025, %reduce_max3A_1026 [1, 2] : vector<1x1x128xf32> to vector<1xf32>
      %reduce_max3A_1028 = vector.shape_cast %reduce_max3A_1027 : vector<1xf32> to vector<1x1x1xf32>
      %reduce_max3A_1029 = vector.extract %reduce_max3A_1028[0, 0, 0] : f32 from vector<1x1x1xf32>
      %slice3A_1030 = vector.extract_strided_slice %get3A_889 {offsets = [6, 0], sizes = [1, 128], strides = [1, 1]} : vector<8x128xf32> to vector<1x128xf32>
      %mul3A_1031 = vector.broadcast %reduce_max3A_1029 : f32 to vector<1x128xf32>
      %mul3A_1032 = arith.mulf %slice3A_1030, %mul3A_1031 : vector<1x128xf32>
      %sub3A_1033 = arith.constant 1.000000e+00 : f32
      %sub3A_1034 = vector.broadcast %sub3A_1033 : f32 to vector<1x128xf32>
      %sub3A_1035 = arith.subf %sub3A_1034, %mul3A_1032 : vector<1x128xf32>
      %mul3A_1036 = arith.mulf %mul3A_1015, %sub3A_1035 : vector<1x128xf32>
      %mul3A_1037 = arith.constant 8 : i32
      %mul3A_1038 = arith.muli %scan3A_881, %mul3A_1037 : i32
      %add3A_1039 = arith.constant 7 : i32
      %add3A_1040 = arith.addi %mul3A_1038, %add3A_1039 : i32
      %eq3A_1041 = vector.broadcast %add3A_1040 : i32 to vector<1x128xi32>
      %eq3A_1042 = arith.cmpi eq, %iota3A_533, %eq3A_1041 : vector<1x128xi32>
      %jit3A_1043 = arith.constant 0.000000e+00 : f32
      %broadcast_in_dim3A_1044 = vector.broadcast %jit3A_1043 : f32 to vector<1x128xf32>
      %select_n3A_1045 = arith.select %eq3A_1042, %mul3A_1036, %broadcast_in_dim3A_1044 : vector<1x128xi1>, vector<1x128xf32>
      %reduce_max3A_1046 = vector.shape_cast %select_n3A_1045 : vector<1x128xf32> to vector<1x1x128xf32>
      %reduce_max3A_1047 = arith.constant dense<0xFF800000> : vector<1xf32>
      %reduce_max3A_1048 = vector.multi_reduction <maximumf>, %reduce_max3A_1046, %reduce_max3A_1047 [1, 2] : vector<1x1x128xf32> to vector<1xf32>
      %reduce_max3A_1049 = vector.shape_cast %reduce_max3A_1048 : vector<1xf32> to vector<1x1x1xf32>
      %reduce_max3A_1050 = vector.extract %reduce_max3A_1049[0, 0, 0] : f32 from vector<1x1x1xf32>
      %slice3A_1051 = vector.extract_strided_slice %get3A_889 {offsets = [7, 0], sizes = [1, 128], strides = [1, 1]} : vector<8x128xf32> to vector<1x128xf32>
      %mul3A_1052 = vector.broadcast %reduce_max3A_1050 : f32 to vector<1x128xf32>
      %mul3A_1053 = arith.mulf %slice3A_1051, %mul3A_1052 : vector<1x128xf32>
      %sub3A_1054 = arith.constant 1.000000e+00 : f32
      %sub3A_1055 = vector.broadcast %sub3A_1054 : f32 to vector<1x128xf32>
      %sub3A_1056 = arith.subf %sub3A_1055, %mul3A_1053 : vector<1x128xf32>
      %mul3A_1057 = arith.mulf %mul3A_1036, %sub3A_1056 : vector<1x128xf32>
      scf.yield %mul3A_1057 : vector<1x128xf32>
    }
    %scan3A_589 = arith.constant 16 : i32
    %broadcast_in_dim3A_590 = vector.shape_cast %scan3A_588 : vector<1x128xf32> to vector<1x128xf32>
    %broadcast_in_dim3A_591 = vector.broadcast %broadcast_in_dim3A_590 : vector<1x128xf32> to vector<8x128xf32>
    %get3A_592 = arith.constant 256 : index
    %get3A_593 = arith.constant 384 : index
    %get3A_594 = vector.load %arg3[%get3A_592, %get3A_593] : memref<1024x1024xf32, #tpu.memory_space<vmem>>, vector<128x640xf32>
    %dot_general3A_595 = arith.constant dense<0.000000e+00> : vector<8x640xf32>
    %dot_general3A_596 = tpu.matmul %broadcast_in_dim3A_591, %get3A_594, %dot_general3A_595 {dimension_numbers = #tpu.dot_dimension_numbers<[1], [0], [0], [1], [0, 0, 1, 1], [], []>, precision = #tpu.contract_precision<fp32>, transpose_lhs_hint = false} : vector<8x128xf32>, vector<128x640xf32>, vector<8x640xf32> -> vector<8x640xf32>
    %slice3A_597 = vector.extract_strided_slice %dot_general3A_596 {offsets = [0, 0], sizes = [1, 640], strides = [1, 1]} : vector<8x640xf32> to vector<1x640xf32>
    %slice3A_598 = vector.extract_strided_slice %mul3A_582 {offsets = [0, 128], sizes = [1, 640], strides = [1, 1]} : vector<1x768xf32> to vector<1x640xf32>
    %gt3A_599 = arith.constant 0.000000e+00 : f32
    %gt3A_600 = vector.broadcast %gt3A_599 : f32 to vector<1x640xf32>
    %gt3A_601 = arith.cmpf ogt, %slice3A_597, %gt3A_600 : vector<1x640xf32>
    %jit3A_602 = arith.constant 0.000000e+00 : f32
    %jit3A_603 = arith.constant 1.000000e+00 : f32
    %broadcast_in_dim3A_604 = vector.broadcast %jit3A_602 : f32 to vector<1x640xf32>
    %broadcast_in_dim3A_605 = vector.broadcast %jit3A_603 : f32 to vector<1x640xf32>
    %select_n3A_606 = arith.select %gt3A_601, %broadcast_in_dim3A_604, %broadcast_in_dim3A_605 : vector<1x640xi1>, vector<1x640xf32>
    %mul3A_607 = arith.mulf %slice3A_598, %select_n3A_606 : vector<1x640xf32>
    %slice3A_608 = vector.extract_strided_slice %mul3A_607 {offsets = [0, 0], sizes = [1, 128], strides = [1, 1]} : vector<1x640xf32> to vector<1x128xf32>
    %scan3A_609 = arith.constant 0 : i32
    %scan3A_610 = arith.constant 16 : i32
    %scan3A_611 = arith.addi %scan3A_609, %scan3A_610 : i32
    %scan3A_612 = arith.constant 1 : i32
    %scan3A_613 = scf.for %scan3A_881 = %scan3A_609 to %scan3A_611 step %scan3A_612 iter_args(%scan3A_882 = %slice3A_608) -> (vector<1x128xf32>)  : i32 {
      %mul3A_883 = arith.constant 8 : i32
      %mul3A_884 = arith.muli %scan3A_881, %mul3A_883 : i32
      %add3A_885 = arith.constant 384 : i32
      %add3A_886 = arith.addi %add3A_885, %mul3A_884 : i32
      %get3A_887 = arith.index_cast %add3A_886 : i32 to index
      %get3A_888 = arith.constant 0 : index
      %get3A_889 = vector.load %arg4[%get3A_887, %get3A_888] : memref<1024x128xf32, #tpu.memory_space<vmem>>, vector<8x128xf32>
      %mul3A_890 = arith.constant 8 : i32
      %mul3A_891 = arith.muli %scan3A_881, %mul3A_890 : i32
      %add3A_892 = arith.constant 0 : i32
      %add3A_893 = arith.addi %mul3A_891, %add3A_892 : i32
      %eq3A_894 = vector.broadcast %add3A_893 : i32 to vector<1x128xi32>
      %eq3A_895 = arith.cmpi eq, %iota3A_533, %eq3A_894 : vector<1x128xi32>
      %jit3A_896 = arith.constant 0.000000e+00 : f32
      %broadcast_in_dim3A_897 = vector.broadcast %jit3A_896 : f32 to vector<1x128xf32>
      %select_n3A_898 = arith.select %eq3A_895, %scan3A_882, %broadcast_in_dim3A_897 : vector<1x128xi1>, vector<1x128xf32>
      %reduce_max3A_899 = vector.shape_cast %select_n3A_898 : vector<1x128xf32> to vector<1x1x128xf32>
      %reduce_max3A_900 = arith.constant dense<0xFF800000> : vector<1xf32>
      %reduce_max3A_901 = vector.multi_reduction <maximumf>, %reduce_max3A_899, %reduce_max3A_900 [1, 2] : vector<1x1x128xf32> to vector<1xf32>
      %reduce_max3A_902 = vector.shape_cast %reduce_max3A_901 : vector<1xf32> to vector<1x1x1xf32>
      %reduce_max3A_903 = vector.extract %reduce_max3A_902[0, 0, 0] : f32 from vector<1x1x1xf32>
      %slice3A_904 = vector.extract_strided_slice %get3A_889 {offsets = [0, 0], sizes = [1, 128], strides = [1, 1]} : vector<8x128xf32> to vector<1x128xf32>
      %mul3A_905 = vector.broadcast %reduce_max3A_903 : f32 to vector<1x128xf32>
      %mul3A_906 = arith.mulf %slice3A_904, %mul3A_905 : vector<1x128xf32>
      %sub3A_907 = arith.constant 1.000000e+00 : f32
      %sub3A_908 = vector.broadcast %sub3A_907 : f32 to vector<1x128xf32>
      %sub3A_909 = arith.subf %sub3A_908, %mul3A_906 : vector<1x128xf32>
      %mul3A_910 = arith.mulf %scan3A_882, %sub3A_909 : vector<1x128xf32>
      %mul3A_911 = arith.constant 8 : i32
      %mul3A_912 = arith.muli %scan3A_881, %mul3A_911 : i32
      %add3A_913 = arith.constant 1 : i32
      %add3A_914 = arith.addi %mul3A_912, %add3A_913 : i32
      %eq3A_915 = vector.broadcast %add3A_914 : i32 to vector<1x128xi32>
      %eq3A_916 = arith.cmpi eq, %iota3A_533, %eq3A_915 : vector<1x128xi32>
      %jit3A_917 = arith.constant 0.000000e+00 : f32
      %broadcast_in_dim3A_918 = vector.broadcast %jit3A_917 : f32 to vector<1x128xf32>
      %select_n3A_919 = arith.select %eq3A_916, %mul3A_910, %broadcast_in_dim3A_918 : vector<1x128xi1>, vector<1x128xf32>
      %reduce_max3A_920 = vector.shape_cast %select_n3A_919 : vector<1x128xf32> to vector<1x1x128xf32>
      %reduce_max3A_921 = arith.constant dense<0xFF800000> : vector<1xf32>
      %reduce_max3A_922 = vector.multi_reduction <maximumf>, %reduce_max3A_920, %reduce_max3A_921 [1, 2] : vector<1x1x128xf32> to vector<1xf32>
      %reduce_max3A_923 = vector.shape_cast %reduce_max3A_922 : vector<1xf32> to vector<1x1x1xf32>
      %reduce_max3A_924 = vector.extract %reduce_max3A_923[0, 0, 0] : f32 from vector<1x1x1xf32>
      %slice3A_925 = vector.extract_strided_slice %get3A_889 {offsets = [1, 0], sizes = [1, 128], strides = [1, 1]} : vector<8x128xf32> to vector<1x128xf32>
      %mul3A_926 = vector.broadcast %reduce_max3A_924 : f32 to vector<1x128xf32>
      %mul3A_927 = arith.mulf %slice3A_925, %mul3A_926 : vector<1x128xf32>
      %sub3A_928 = arith.constant 1.000000e+00 : f32
      %sub3A_929 = vector.broadcast %sub3A_928 : f32 to vector<1x128xf32>
      %sub3A_930 = arith.subf %sub3A_929, %mul3A_927 : vector<1x128xf32>
      %mul3A_931 = arith.mulf %mul3A_910, %sub3A_930 : vector<1x128xf32>
      %mul3A_932 = arith.constant 8 : i32
      %mul3A_933 = arith.muli %scan3A_881, %mul3A_932 : i32
      %add3A_934 = arith.constant 2 : i32
      %add3A_935 = arith.addi %mul3A_933, %add3A_934 : i32
      %eq3A_936 = vector.broadcast %add3A_935 : i32 to vector<1x128xi32>
      %eq3A_937 = arith.cmpi eq, %iota3A_533, %eq3A_936 : vector<1x128xi32>
      %jit3A_938 = arith.constant 0.000000e+00 : f32
      %broadcast_in_dim3A_939 = vector.broadcast %jit3A_938 : f32 to vector<1x128xf32>
      %select_n3A_940 = arith.select %eq3A_937, %mul3A_931, %broadcast_in_dim3A_939 : vector<1x128xi1>, vector<1x128xf32>
      %reduce_max3A_941 = vector.shape_cast %select_n3A_940 : vector<1x128xf32> to vector<1x1x128xf32>
      %reduce_max3A_942 = arith.constant dense<0xFF800000> : vector<1xf32>
      %reduce_max3A_943 = vector.multi_reduction <maximumf>, %reduce_max3A_941, %reduce_max3A_942 [1, 2] : vector<1x1x128xf32> to vector<1xf32>
      %reduce_max3A_944 = vector.shape_cast %reduce_max3A_943 : vector<1xf32> to vector<1x1x1xf32>
      %reduce_max3A_945 = vector.extract %reduce_max3A_944[0, 0, 0] : f32 from vector<1x1x1xf32>
      %slice3A_946 = vector.extract_strided_slice %get3A_889 {offsets = [2, 0], sizes = [1, 128], strides = [1, 1]} : vector<8x128xf32> to vector<1x128xf32>
      %mul3A_947 = vector.broadcast %reduce_max3A_945 : f32 to vector<1x128xf32>
      %mul3A_948 = arith.mulf %slice3A_946, %mul3A_947 : vector<1x128xf32>
      %sub3A_949 = arith.constant 1.000000e+00 : f32
      %sub3A_950 = vector.broadcast %sub3A_949 : f32 to vector<1x128xf32>
      %sub3A_951 = arith.subf %sub3A_950, %mul3A_948 : vector<1x128xf32>
      %mul3A_952 = arith.mulf %mul3A_931, %sub3A_951 : vector<1x128xf32>
      %mul3A_953 = arith.constant 8 : i32
      %mul3A_954 = arith.muli %scan3A_881, %mul3A_953 : i32
      %add3A_955 = arith.constant 3 : i32
      %add3A_956 = arith.addi %mul3A_954, %add3A_955 : i32
      %eq3A_957 = vector.broadcast %add3A_956 : i32 to vector<1x128xi32>
      %eq3A_958 = arith.cmpi eq, %iota3A_533, %eq3A_957 : vector<1x128xi32>
      %jit3A_959 = arith.constant 0.000000e+00 : f32
      %broadcast_in_dim3A_960 = vector.broadcast %jit3A_959 : f32 to vector<1x128xf32>
      %select_n3A_961 = arith.select %eq3A_958, %mul3A_952, %broadcast_in_dim3A_960 : vector<1x128xi1>, vector<1x128xf32>
      %reduce_max3A_962 = vector.shape_cast %select_n3A_961 : vector<1x128xf32> to vector<1x1x128xf32>
      %reduce_max3A_963 = arith.constant dense<0xFF800000> : vector<1xf32>
      %reduce_max3A_964 = vector.multi_reduction <maximumf>, %reduce_max3A_962, %reduce_max3A_963 [1, 2] : vector<1x1x128xf32> to vector<1xf32>
      %reduce_max3A_965 = vector.shape_cast %reduce_max3A_964 : vector<1xf32> to vector<1x1x1xf32>
      %reduce_max3A_966 = vector.extract %reduce_max3A_965[0, 0, 0] : f32 from vector<1x1x1xf32>
      %slice3A_967 = vector.extract_strided_slice %get3A_889 {offsets = [3, 0], sizes = [1, 128], strides = [1, 1]} : vector<8x128xf32> to vector<1x128xf32>
      %mul3A_968 = vector.broadcast %reduce_max3A_966 : f32 to vector<1x128xf32>
      %mul3A_969 = arith.mulf %slice3A_967, %mul3A_968 : vector<1x128xf32>
      %sub3A_970 = arith.constant 1.000000e+00 : f32
      %sub3A_971 = vector.broadcast %sub3A_970 : f32 to vector<1x128xf32>
      %sub3A_972 = arith.subf %sub3A_971, %mul3A_969 : vector<1x128xf32>
      %mul3A_973 = arith.mulf %mul3A_952, %sub3A_972 : vector<1x128xf32>
      %mul3A_974 = arith.constant 8 : i32
      %mul3A_975 = arith.muli %scan3A_881, %mul3A_974 : i32
      %add3A_976 = arith.constant 4 : i32
      %add3A_977 = arith.addi %mul3A_975, %add3A_976 : i32
      %eq3A_978 = vector.broadcast %add3A_977 : i32 to vector<1x128xi32>
      %eq3A_979 = arith.cmpi eq, %iota3A_533, %eq3A_978 : vector<1x128xi32>
      %jit3A_980 = arith.constant 0.000000e+00 : f32
      %broadcast_in_dim3A_981 = vector.broadcast %jit3A_980 : f32 to vector<1x128xf32>
      %select_n3A_982 = arith.select %eq3A_979, %mul3A_973, %broadcast_in_dim3A_981 : vector<1x128xi1>, vector<1x128xf32>
      %reduce_max3A_983 = vector.shape_cast %select_n3A_982 : vector<1x128xf32> to vector<1x1x128xf32>
      %reduce_max3A_984 = arith.constant dense<0xFF800000> : vector<1xf32>
      %reduce_max3A_985 = vector.multi_reduction <maximumf>, %reduce_max3A_983, %reduce_max3A_984 [1, 2] : vector<1x1x128xf32> to vector<1xf32>
      %reduce_max3A_986 = vector.shape_cast %reduce_max3A_985 : vector<1xf32> to vector<1x1x1xf32>
      %reduce_max3A_987 = vector.extract %reduce_max3A_986[0, 0, 0] : f32 from vector<1x1x1xf32>
      %slice3A_988 = vector.extract_strided_slice %get3A_889 {offsets = [4, 0], sizes = [1, 128], strides = [1, 1]} : vector<8x128xf32> to vector<1x128xf32>
      %mul3A_989 = vector.broadcast %reduce_max3A_987 : f32 to vector<1x128xf32>
      %mul3A_990 = arith.mulf %slice3A_988, %mul3A_989 : vector<1x128xf32>
      %sub3A_991 = arith.constant 1.000000e+00 : f32
      %sub3A_992 = vector.broadcast %sub3A_991 : f32 to vector<1x128xf32>
      %sub3A_993 = arith.subf %sub3A_992, %mul3A_990 : vector<1x128xf32>
      %mul3A_994 = arith.mulf %mul3A_973, %sub3A_993 : vector<1x128xf32>
      %mul3A_995 = arith.constant 8 : i32
      %mul3A_996 = arith.muli %scan3A_881, %mul3A_995 : i32
      %add3A_997 = arith.constant 5 : i32
      %add3A_998 = arith.addi %mul3A_996, %add3A_997 : i32
      %eq3A_999 = vector.broadcast %add3A_998 : i32 to vector<1x128xi32>
      %eq3A_1000 = arith.cmpi eq, %iota3A_533, %eq3A_999 : vector<1x128xi32>
      %jit3A_1001 = arith.constant 0.000000e+00 : f32
      %broadcast_in_dim3A_1002 = vector.broadcast %jit3A_1001 : f32 to vector<1x128xf32>
      %select_n3A_1003 = arith.select %eq3A_1000, %mul3A_994, %broadcast_in_dim3A_1002 : vector<1x128xi1>, vector<1x128xf32>
      %reduce_max3A_1004 = vector.shape_cast %select_n3A_1003 : vector<1x128xf32> to vector<1x1x128xf32>
      %reduce_max3A_1005 = arith.constant dense<0xFF800000> : vector<1xf32>
      %reduce_max3A_1006 = vector.multi_reduction <maximumf>, %reduce_max3A_1004, %reduce_max3A_1005 [1, 2] : vector<1x1x128xf32> to vector<1xf32>
      %reduce_max3A_1007 = vector.shape_cast %reduce_max3A_1006 : vector<1xf32> to vector<1x1x1xf32>
      %reduce_max3A_1008 = vector.extract %reduce_max3A_1007[0, 0, 0] : f32 from vector<1x1x1xf32>
      %slice3A_1009 = vector.extract_strided_slice %get3A_889 {offsets = [5, 0], sizes = [1, 128], strides = [1, 1]} : vector<8x128xf32> to vector<1x128xf32>
      %mul3A_1010 = vector.broadcast %reduce_max3A_1008 : f32 to vector<1x128xf32>
      %mul3A_1011 = arith.mulf %slice3A_1009, %mul3A_1010 : vector<1x128xf32>
      %sub3A_1012 = arith.constant 1.000000e+00 : f32
      %sub3A_1013 = vector.broadcast %sub3A_1012 : f32 to vector<1x128xf32>
      %sub3A_1014 = arith.subf %sub3A_1013, %mul3A_1011 : vector<1x128xf32>
      %mul3A_1015 = arith.mulf %mul3A_994, %sub3A_1014 : vector<1x128xf32>
      %mul3A_1016 = arith.constant 8 : i32
      %mul3A_1017 = arith.muli %scan3A_881, %mul3A_1016 : i32
      %add3A_1018 = arith.constant 6 : i32
      %add3A_1019 = arith.addi %mul3A_1017, %add3A_1018 : i32
      %eq3A_1020 = vector.broadcast %add3A_1019 : i32 to vector<1x128xi32>
      %eq3A_1021 = arith.cmpi eq, %iota3A_533, %eq3A_1020 : vector<1x128xi32>
      %jit3A_1022 = arith.constant 0.000000e+00 : f32
      %broadcast_in_dim3A_1023 = vector.broadcast %jit3A_1022 : f32 to vector<1x128xf32>
      %select_n3A_1024 = arith.select %eq3A_1021, %mul3A_1015, %broadcast_in_dim3A_1023 : vector<1x128xi1>, vector<1x128xf32>
      %reduce_max3A_1025 = vector.shape_cast %select_n3A_1024 : vector<1x128xf32> to vector<1x1x128xf32>
      %reduce_max3A_1026 = arith.constant dense<0xFF800000> : vector<1xf32>
      %reduce_max3A_1027 = vector.multi_reduction <maximumf>, %reduce_max3A_1025, %reduce_max3A_1026 [1, 2] : vector<1x1x128xf32> to vector<1xf32>
      %reduce_max3A_1028 = vector.shape_cast %reduce_max3A_1027 : vector<1xf32> to vector<1x1x1xf32>
      %reduce_max3A_1029 = vector.extract %reduce_max3A_1028[0, 0, 0] : f32 from vector<1x1x1xf32>
      %slice3A_1030 = vector.extract_strided_slice %get3A_889 {offsets = [6, 0], sizes = [1, 128], strides = [1, 1]} : vector<8x128xf32> to vector<1x128xf32>
      %mul3A_1031 = vector.broadcast %reduce_max3A_1029 : f32 to vector<1x128xf32>
      %mul3A_1032 = arith.mulf %slice3A_1030, %mul3A_1031 : vector<1x128xf32>
      %sub3A_1033 = arith.constant 1.000000e+00 : f32
      %sub3A_1034 = vector.broadcast %sub3A_1033 : f32 to vector<1x128xf32>
      %sub3A_1035 = arith.subf %sub3A_1034, %mul3A_1032 : vector<1x128xf32>
      %mul3A_1036 = arith.mulf %mul3A_1015, %sub3A_1035 : vector<1x128xf32>
      %mul3A_1037 = arith.constant 8 : i32
      %mul3A_1038 = arith.muli %scan3A_881, %mul3A_1037 : i32
      %add3A_1039 = arith.constant 7 : i32
      %add3A_1040 = arith.addi %mul3A_1038, %add3A_1039 : i32
      %eq3A_1041 = vector.broadcast %add3A_1040 : i32 to vector<1x128xi32>
      %eq3A_1042 = arith.cmpi eq, %iota3A_533, %eq3A_1041 : vector<1x128xi32>
      %jit3A_1043 = arith.constant 0.000000e+00 : f32
      %broadcast_in_dim3A_1044 = vector.broadcast %jit3A_1043 : f32 to vector<1x128xf32>
      %select_n3A_1045 = arith.select %eq3A_1042, %mul3A_1036, %broadcast_in_dim3A_1044 : vector<1x128xi1>, vector<1x128xf32>
      %reduce_max3A_1046 = vector.shape_cast %select_n3A_1045 : vector<1x128xf32> to vector<1x1x128xf32>
      %reduce_max3A_1047 = arith.constant dense<0xFF800000> : vector<1xf32>
      %reduce_max3A_1048 = vector.multi_reduction <maximumf>, %reduce_max3A_1046, %reduce_max3A_1047 [1, 2] : vector<1x1x128xf32> to vector<1xf32>
      %reduce_max3A_1049 = vector.shape_cast %reduce_max3A_1048 : vector<1xf32> to vector<1x1x1xf32>
      %reduce_max3A_1050 = vector.extract %reduce_max3A_1049[0, 0, 0] : f32 from vector<1x1x1xf32>
      %slice3A_1051 = vector.extract_strided_slice %get3A_889 {offsets = [7, 0], sizes = [1, 128], strides = [1, 1]} : vector<8x128xf32> to vector<1x128xf32>
      %mul3A_1052 = vector.broadcast %reduce_max3A_1050 : f32 to vector<1x128xf32>
      %mul3A_1053 = arith.mulf %slice3A_1051, %mul3A_1052 : vector<1x128xf32>
      %sub3A_1054 = arith.constant 1.000000e+00 : f32
      %sub3A_1055 = vector.broadcast %sub3A_1054 : f32 to vector<1x128xf32>
      %sub3A_1056 = arith.subf %sub3A_1055, %mul3A_1053 : vector<1x128xf32>
      %mul3A_1057 = arith.mulf %mul3A_1036, %sub3A_1056 : vector<1x128xf32>
      scf.yield %mul3A_1057 : vector<1x128xf32>
    }
    %scan3A_614 = arith.constant 16 : i32
    %broadcast_in_dim3A_615 = vector.shape_cast %scan3A_613 : vector<1x128xf32> to vector<1x128xf32>
    %broadcast_in_dim3A_616 = vector.broadcast %broadcast_in_dim3A_615 : vector<1x128xf32> to vector<8x128xf32>
    %get3A_617 = arith.constant 384 : index
    %get3A_618 = arith.constant 512 : index
    %get3A_619 = vector.load %arg3[%get3A_617, %get3A_618] : memref<1024x1024xf32, #tpu.memory_space<vmem>>, vector<128x512xf32>
    %dot_general3A_620 = arith.constant dense<0.000000e+00> : vector<8x512xf32>
    %dot_general3A_621 = tpu.matmul %broadcast_in_dim3A_616, %get3A_619, %dot_general3A_620 {dimension_numbers = #tpu.dot_dimension_numbers<[1], [0], [0], [1], [0, 0, 1, 1], [], []>, precision = #tpu.contract_precision<fp32>, transpose_lhs_hint = false} : vector<8x128xf32>, vector<128x512xf32>, vector<8x512xf32> -> vector<8x512xf32>
    %slice3A_622 = vector.extract_strided_slice %dot_general3A_621 {offsets = [0, 0], sizes = [1, 512], strides = [1, 1]} : vector<8x512xf32> to vector<1x512xf32>
    %slice3A_623 = vector.extract_strided_slice %mul3A_607 {offsets = [0, 128], sizes = [1, 512], strides = [1, 1]} : vector<1x640xf32> to vector<1x512xf32>
    %gt3A_624 = arith.constant 0.000000e+00 : f32
    %gt3A_625 = vector.broadcast %gt3A_624 : f32 to vector<1x512xf32>
    %gt3A_626 = arith.cmpf ogt, %slice3A_622, %gt3A_625 : vector<1x512xf32>
    %jit3A_627 = arith.constant 0.000000e+00 : f32
    %jit3A_628 = arith.constant 1.000000e+00 : f32
    %broadcast_in_dim3A_629 = vector.broadcast %jit3A_627 : f32 to vector<1x512xf32>
    %broadcast_in_dim3A_630 = vector.broadcast %jit3A_628 : f32 to vector<1x512xf32>
    %select_n3A_631 = arith.select %gt3A_626, %broadcast_in_dim3A_629, %broadcast_in_dim3A_630 : vector<1x512xi1>, vector<1x512xf32>
    %mul3A_632 = arith.mulf %slice3A_623, %select_n3A_631 : vector<1x512xf32>
    %slice3A_633 = vector.extract_strided_slice %mul3A_632 {offsets = [0, 0], sizes = [1, 128], strides = [1, 1]} : vector<1x512xf32> to vector<1x128xf32>
    %scan3A_634 = arith.constant 0 : i32
    %scan3A_635 = arith.constant 16 : i32
    %scan3A_636 = arith.addi %scan3A_634, %scan3A_635 : i32
    %scan3A_637 = arith.constant 1 : i32
    %scan3A_638 = scf.for %scan3A_881 = %scan3A_634 to %scan3A_636 step %scan3A_637 iter_args(%scan3A_882 = %slice3A_633) -> (vector<1x128xf32>)  : i32 {
      %mul3A_883 = arith.constant 8 : i32
      %mul3A_884 = arith.muli %scan3A_881, %mul3A_883 : i32
      %add3A_885 = arith.constant 512 : i32
      %add3A_886 = arith.addi %add3A_885, %mul3A_884 : i32
      %get3A_887 = arith.index_cast %add3A_886 : i32 to index
      %get3A_888 = arith.constant 0 : index
      %get3A_889 = vector.load %arg4[%get3A_887, %get3A_888] : memref<1024x128xf32, #tpu.memory_space<vmem>>, vector<8x128xf32>
      %mul3A_890 = arith.constant 8 : i32
      %mul3A_891 = arith.muli %scan3A_881, %mul3A_890 : i32
      %add3A_892 = arith.constant 0 : i32
      %add3A_893 = arith.addi %mul3A_891, %add3A_892 : i32
      %eq3A_894 = vector.broadcast %add3A_893 : i32 to vector<1x128xi32>
      %eq3A_895 = arith.cmpi eq, %iota3A_533, %eq3A_894 : vector<1x128xi32>
      %jit3A_896 = arith.constant 0.000000e+00 : f32
      %broadcast_in_dim3A_897 = vector.broadcast %jit3A_896 : f32 to vector<1x128xf32>
      %select_n3A_898 = arith.select %eq3A_895, %scan3A_882, %broadcast_in_dim3A_897 : vector<1x128xi1>, vector<1x128xf32>
      %reduce_max3A_899 = vector.shape_cast %select_n3A_898 : vector<1x128xf32> to vector<1x1x128xf32>
      %reduce_max3A_900 = arith.constant dense<0xFF800000> : vector<1xf32>
      %reduce_max3A_901 = vector.multi_reduction <maximumf>, %reduce_max3A_899, %reduce_max3A_900 [1, 2] : vector<1x1x128xf32> to vector<1xf32>
      %reduce_max3A_902 = vector.shape_cast %reduce_max3A_901 : vector<1xf32> to vector<1x1x1xf32>
      %reduce_max3A_903 = vector.extract %reduce_max3A_902[0, 0, 0] : f32 from vector<1x1x1xf32>
      %slice3A_904 = vector.extract_strided_slice %get3A_889 {offsets = [0, 0], sizes = [1, 128], strides = [1, 1]} : vector<8x128xf32> to vector<1x128xf32>
      %mul3A_905 = vector.broadcast %reduce_max3A_903 : f32 to vector<1x128xf32>
      %mul3A_906 = arith.mulf %slice3A_904, %mul3A_905 : vector<1x128xf32>
      %sub3A_907 = arith.constant 1.000000e+00 : f32
      %sub3A_908 = vector.broadcast %sub3A_907 : f32 to vector<1x128xf32>
      %sub3A_909 = arith.subf %sub3A_908, %mul3A_906 : vector<1x128xf32>
      %mul3A_910 = arith.mulf %scan3A_882, %sub3A_909 : vector<1x128xf32>
      %mul3A_911 = arith.constant 8 : i32
      %mul3A_912 = arith.muli %scan3A_881, %mul3A_911 : i32
      %add3A_913 = arith.constant 1 : i32
      %add3A_914 = arith.addi %mul3A_912, %add3A_913 : i32
      %eq3A_915 = vector.broadcast %add3A_914 : i32 to vector<1x128xi32>
      %eq3A_916 = arith.cmpi eq, %iota3A_533, %eq3A_915 : vector<1x128xi32>
      %jit3A_917 = arith.constant 0.000000e+00 : f32
      %broadcast_in_dim3A_918 = vector.broadcast %jit3A_917 : f32 to vector<1x128xf32>
      %select_n3A_919 = arith.select %eq3A_916, %mul3A_910, %broadcast_in_dim3A_918 : vector<1x128xi1>, vector<1x128xf32>
      %reduce_max3A_920 = vector.shape_cast %select_n3A_919 : vector<1x128xf32> to vector<1x1x128xf32>
      %reduce_max3A_921 = arith.constant dense<0xFF800000> : vector<1xf32>
      %reduce_max3A_922 = vector.multi_reduction <maximumf>, %reduce_max3A_920, %reduce_max3A_921 [1, 2] : vector<1x1x128xf32> to vector<1xf32>
      %reduce_max3A_923 = vector.shape_cast %reduce_max3A_922 : vector<1xf32> to vector<1x1x1xf32>
      %reduce_max3A_924 = vector.extract %reduce_max3A_923[0, 0, 0] : f32 from vector<1x1x1xf32>
      %slice3A_925 = vector.extract_strided_slice %get3A_889 {offsets = [1, 0], sizes = [1, 128], strides = [1, 1]} : vector<8x128xf32> to vector<1x128xf32>
      %mul3A_926 = vector.broadcast %reduce_max3A_924 : f32 to vector<1x128xf32>
      %mul3A_927 = arith.mulf %slice3A_925, %mul3A_926 : vector<1x128xf32>
      %sub3A_928 = arith.constant 1.000000e+00 : f32
      %sub3A_929 = vector.broadcast %sub3A_928 : f32 to vector<1x128xf32>
      %sub3A_930 = arith.subf %sub3A_929, %mul3A_927 : vector<1x128xf32>
      %mul3A_931 = arith.mulf %mul3A_910, %sub3A_930 : vector<1x128xf32>
      %mul3A_932 = arith.constant 8 : i32
      %mul3A_933 = arith.muli %scan3A_881, %mul3A_932 : i32
      %add3A_934 = arith.constant 2 : i32
      %add3A_935 = arith.addi %mul3A_933, %add3A_934 : i32
      %eq3A_936 = vector.broadcast %add3A_935 : i32 to vector<1x128xi32>
      %eq3A_937 = arith.cmpi eq, %iota3A_533, %eq3A_936 : vector<1x128xi32>
      %jit3A_938 = arith.constant 0.000000e+00 : f32
      %broadcast_in_dim3A_939 = vector.broadcast %jit3A_938 : f32 to vector<1x128xf32>
      %select_n3A_940 = arith.select %eq3A_937, %mul3A_931, %broadcast_in_dim3A_939 : vector<1x128xi1>, vector<1x128xf32>
      %reduce_max3A_941 = vector.shape_cast %select_n3A_940 : vector<1x128xf32> to vector<1x1x128xf32>
      %reduce_max3A_942 = arith.constant dense<0xFF800000> : vector<1xf32>
      %reduce_max3A_943 = vector.multi_reduction <maximumf>, %reduce_max3A_941, %reduce_max3A_942 [1, 2] : vector<1x1x128xf32> to vector<1xf32>
      %reduce_max3A_944 = vector.shape_cast %reduce_max3A_943 : vector<1xf32> to vector<1x1x1xf32>
      %reduce_max3A_945 = vector.extract %reduce_max3A_944[0, 0, 0] : f32 from vector<1x1x1xf32>
      %slice3A_946 = vector.extract_strided_slice %get3A_889 {offsets = [2, 0], sizes = [1, 128], strides = [1, 1]} : vector<8x128xf32> to vector<1x128xf32>
      %mul3A_947 = vector.broadcast %reduce_max3A_945 : f32 to vector<1x128xf32>
      %mul3A_948 = arith.mulf %slice3A_946, %mul3A_947 : vector<1x128xf32>
      %sub3A_949 = arith.constant 1.000000e+00 : f32
      %sub3A_950 = vector.broadcast %sub3A_949 : f32 to vector<1x128xf32>
      %sub3A_951 = arith.subf %sub3A_950, %mul3A_948 : vector<1x128xf32>
      %mul3A_952 = arith.mulf %mul3A_931, %sub3A_951 : vector<1x128xf32>
      %mul3A_953 = arith.constant 8 : i32
      %mul3A_954 = arith.muli %scan3A_881, %mul3A_953 : i32
      %add3A_955 = arith.constant 3 : i32
      %add3A_956 = arith.addi %mul3A_954, %add3A_955 : i32
      %eq3A_957 = vector.broadcast %add3A_956 : i32 to vector<1x128xi32>
      %eq3A_958 = arith.cmpi eq, %iota3A_533, %eq3A_957 : vector<1x128xi32>
      %jit3A_959 = arith.constant 0.000000e+00 : f32
      %broadcast_in_dim3A_960 = vector.broadcast %jit3A_959 : f32 to vector<1x128xf32>
      %select_n3A_961 = arith.select %eq3A_958, %mul3A_952, %broadcast_in_dim3A_960 : vector<1x128xi1>, vector<1x128xf32>
      %reduce_max3A_962 = vector.shape_cast %select_n3A_961 : vector<1x128xf32> to vector<1x1x128xf32>
      %reduce_max3A_963 = arith.constant dense<0xFF800000> : vector<1xf32>
      %reduce_max3A_964 = vector.multi_reduction <maximumf>, %reduce_max3A_962, %reduce_max3A_963 [1, 2] : vector<1x1x128xf32> to vector<1xf32>
      %reduce_max3A_965 = vector.shape_cast %reduce_max3A_964 : vector<1xf32> to vector<1x1x1xf32>
      %reduce_max3A_966 = vector.extract %reduce_max3A_965[0, 0, 0] : f32 from vector<1x1x1xf32>
      %slice3A_967 = vector.extract_strided_slice %get3A_889 {offsets = [3, 0], sizes = [1, 128], strides = [1, 1]} : vector<8x128xf32> to vector<1x128xf32>
      %mul3A_968 = vector.broadcast %reduce_max3A_966 : f32 to vector<1x128xf32>
      %mul3A_969 = arith.mulf %slice3A_967, %mul3A_968 : vector<1x128xf32>
      %sub3A_970 = arith.constant 1.000000e+00 : f32
      %sub3A_971 = vector.broadcast %sub3A_970 : f32 to vector<1x128xf32>
      %sub3A_972 = arith.subf %sub3A_971, %mul3A_969 : vector<1x128xf32>
      %mul3A_973 = arith.mulf %mul3A_952, %sub3A_972 : vector<1x128xf32>
      %mul3A_974 = arith.constant 8 : i32
      %mul3A_975 = arith.muli %scan3A_881, %mul3A_974 : i32
      %add3A_976 = arith.constant 4 : i32
      %add3A_977 = arith.addi %mul3A_975, %add3A_976 : i32
      %eq3A_978 = vector.broadcast %add3A_977 : i32 to vector<1x128xi32>
      %eq3A_979 = arith.cmpi eq, %iota3A_533, %eq3A_978 : vector<1x128xi32>
      %jit3A_980 = arith.constant 0.000000e+00 : f32
      %broadcast_in_dim3A_981 = vector.broadcast %jit3A_980 : f32 to vector<1x128xf32>
      %select_n3A_982 = arith.select %eq3A_979, %mul3A_973, %broadcast_in_dim3A_981 : vector<1x128xi1>, vector<1x128xf32>
      %reduce_max3A_983 = vector.shape_cast %select_n3A_982 : vector<1x128xf32> to vector<1x1x128xf32>
      %reduce_max3A_984 = arith.constant dense<0xFF800000> : vector<1xf32>
      %reduce_max3A_985 = vector.multi_reduction <maximumf>, %reduce_max3A_983, %reduce_max3A_984 [1, 2] : vector<1x1x128xf32> to vector<1xf32>
      %reduce_max3A_986 = vector.shape_cast %reduce_max3A_985 : vector<1xf32> to vector<1x1x1xf32>
      %reduce_max3A_987 = vector.extract %reduce_max3A_986[0, 0, 0] : f32 from vector<1x1x1xf32>
      %slice3A_988 = vector.extract_strided_slice %get3A_889 {offsets = [4, 0], sizes = [1, 128], strides = [1, 1]} : vector<8x128xf32> to vector<1x128xf32>
      %mul3A_989 = vector.broadcast %reduce_max3A_987 : f32 to vector<1x128xf32>
      %mul3A_990 = arith.mulf %slice3A_988, %mul3A_989 : vector<1x128xf32>
      %sub3A_991 = arith.constant 1.000000e+00 : f32
      %sub3A_992 = vector.broadcast %sub3A_991 : f32 to vector<1x128xf32>
      %sub3A_993 = arith.subf %sub3A_992, %mul3A_990 : vector<1x128xf32>
      %mul3A_994 = arith.mulf %mul3A_973, %sub3A_993 : vector<1x128xf32>
      %mul3A_995 = arith.constant 8 : i32
      %mul3A_996 = arith.muli %scan3A_881, %mul3A_995 : i32
      %add3A_997 = arith.constant 5 : i32
      %add3A_998 = arith.addi %mul3A_996, %add3A_997 : i32
      %eq3A_999 = vector.broadcast %add3A_998 : i32 to vector<1x128xi32>
      %eq3A_1000 = arith.cmpi eq, %iota3A_533, %eq3A_999 : vector<1x128xi32>
      %jit3A_1001 = arith.constant 0.000000e+00 : f32
      %broadcast_in_dim3A_1002 = vector.broadcast %jit3A_1001 : f32 to vector<1x128xf32>
      %select_n3A_1003 = arith.select %eq3A_1000, %mul3A_994, %broadcast_in_dim3A_1002 : vector<1x128xi1>, vector<1x128xf32>
      %reduce_max3A_1004 = vector.shape_cast %select_n3A_1003 : vector<1x128xf32> to vector<1x1x128xf32>
      %reduce_max3A_1005 = arith.constant dense<0xFF800000> : vector<1xf32>
      %reduce_max3A_1006 = vector.multi_reduction <maximumf>, %reduce_max3A_1004, %reduce_max3A_1005 [1, 2] : vector<1x1x128xf32> to vector<1xf32>
      %reduce_max3A_1007 = vector.shape_cast %reduce_max3A_1006 : vector<1xf32> to vector<1x1x1xf32>
      %reduce_max3A_1008 = vector.extract %reduce_max3A_1007[0, 0, 0] : f32 from vector<1x1x1xf32>
      %slice3A_1009 = vector.extract_strided_slice %get3A_889 {offsets = [5, 0], sizes = [1, 128], strides = [1, 1]} : vector<8x128xf32> to vector<1x128xf32>
      %mul3A_1010 = vector.broadcast %reduce_max3A_1008 : f32 to vector<1x128xf32>
      %mul3A_1011 = arith.mulf %slice3A_1009, %mul3A_1010 : vector<1x128xf32>
      %sub3A_1012 = arith.constant 1.000000e+00 : f32
      %sub3A_1013 = vector.broadcast %sub3A_1012 : f32 to vector<1x128xf32>
      %sub3A_1014 = arith.subf %sub3A_1013, %mul3A_1011 : vector<1x128xf32>
      %mul3A_1015 = arith.mulf %mul3A_994, %sub3A_1014 : vector<1x128xf32>
      %mul3A_1016 = arith.constant 8 : i32
      %mul3A_1017 = arith.muli %scan3A_881, %mul3A_1016 : i32
      %add3A_1018 = arith.constant 6 : i32
      %add3A_1019 = arith.addi %mul3A_1017, %add3A_1018 : i32
      %eq3A_1020 = vector.broadcast %add3A_1019 : i32 to vector<1x128xi32>
      %eq3A_1021 = arith.cmpi eq, %iota3A_533, %eq3A_1020 : vector<1x128xi32>
      %jit3A_1022 = arith.constant 0.000000e+00 : f32
      %broadcast_in_dim3A_1023 = vector.broadcast %jit3A_1022 : f32 to vector<1x128xf32>
      %select_n3A_1024 = arith.select %eq3A_1021, %mul3A_1015, %broadcast_in_dim3A_1023 : vector<1x128xi1>, vector<1x128xf32>
      %reduce_max3A_1025 = vector.shape_cast %select_n3A_1024 : vector<1x128xf32> to vector<1x1x128xf32>
      %reduce_max3A_1026 = arith.constant dense<0xFF800000> : vector<1xf32>
      %reduce_max3A_1027 = vector.multi_reduction <maximumf>, %reduce_max3A_1025, %reduce_max3A_1026 [1, 2] : vector<1x1x128xf32> to vector<1xf32>
      %reduce_max3A_1028 = vector.shape_cast %reduce_max3A_1027 : vector<1xf32> to vector<1x1x1xf32>
      %reduce_max3A_1029 = vector.extract %reduce_max3A_1028[0, 0, 0] : f32 from vector<1x1x1xf32>
      %slice3A_1030 = vector.extract_strided_slice %get3A_889 {offsets = [6, 0], sizes = [1, 128], strides = [1, 1]} : vector<8x128xf32> to vector<1x128xf32>
      %mul3A_1031 = vector.broadcast %reduce_max3A_1029 : f32 to vector<1x128xf32>
      %mul3A_1032 = arith.mulf %slice3A_1030, %mul3A_1031 : vector<1x128xf32>
      %sub3A_1033 = arith.constant 1.000000e+00 : f32
      %sub3A_1034 = vector.broadcast %sub3A_1033 : f32 to vector<1x128xf32>
      %sub3A_1035 = arith.subf %sub3A_1034, %mul3A_1032 : vector<1x128xf32>
      %mul3A_1036 = arith.mulf %mul3A_1015, %sub3A_1035 : vector<1x128xf32>
      %mul3A_1037 = arith.constant 8 : i32
      %mul3A_1038 = arith.muli %scan3A_881, %mul3A_1037 : i32
      %add3A_1039 = arith.constant 7 : i32
      %add3A_1040 = arith.addi %mul3A_1038, %add3A_1039 : i32
      %eq3A_1041 = vector.broadcast %add3A_1040 : i32 to vector<1x128xi32>
      %eq3A_1042 = arith.cmpi eq, %iota3A_533, %eq3A_1041 : vector<1x128xi32>
      %jit3A_1043 = arith.constant 0.000000e+00 : f32
      %broadcast_in_dim3A_1044 = vector.broadcast %jit3A_1043 : f32 to vector<1x128xf32>
      %select_n3A_1045 = arith.select %eq3A_1042, %mul3A_1036, %broadcast_in_dim3A_1044 : vector<1x128xi1>, vector<1x128xf32>
      %reduce_max3A_1046 = vector.shape_cast %select_n3A_1045 : vector<1x128xf32> to vector<1x1x128xf32>
      %reduce_max3A_1047 = arith.constant dense<0xFF800000> : vector<1xf32>
      %reduce_max3A_1048 = vector.multi_reduction <maximumf>, %reduce_max3A_1046, %reduce_max3A_1047 [1, 2] : vector<1x1x128xf32> to vector<1xf32>
      %reduce_max3A_1049 = vector.shape_cast %reduce_max3A_1048 : vector<1xf32> to vector<1x1x1xf32>
      %reduce_max3A_1050 = vector.extract %reduce_max3A_1049[0, 0, 0] : f32 from vector<1x1x1xf32>
      %slice3A_1051 = vector.extract_strided_slice %get3A_889 {offsets = [7, 0], sizes = [1, 128], strides = [1, 1]} : vector<8x128xf32> to vector<1x128xf32>
      %mul3A_1052 = vector.broadcast %reduce_max3A_1050 : f32 to vector<1x128xf32>
      %mul3A_1053 = arith.mulf %slice3A_1051, %mul3A_1052 : vector<1x128xf32>
      %sub3A_1054 = arith.constant 1.000000e+00 : f32
      %sub3A_1055 = vector.broadcast %sub3A_1054 : f32 to vector<1x128xf32>
      %sub3A_1056 = arith.subf %sub3A_1055, %mul3A_1053 : vector<1x128xf32>
      %mul3A_1057 = arith.mulf %mul3A_1036, %sub3A_1056 : vector<1x128xf32>
      scf.yield %mul3A_1057 : vector<1x128xf32>
    }
    %scan3A_639 = arith.constant 16 : i32
    %broadcast_in_dim3A_640 = vector.shape_cast %scan3A_638 : vector<1x128xf32> to vector<1x128xf32>
    %broadcast_in_dim3A_641 = vector.broadcast %broadcast_in_dim3A_640 : vector<1x128xf32> to vector<8x128xf32>
    %get3A_642 = arith.constant 512 : index
    %get3A_643 = arith.constant 640 : index
    %get3A_644 = vector.load %arg3[%get3A_642, %get3A_643] : memref<1024x1024xf32, #tpu.memory_space<vmem>>, vector<128x384xf32>
    %dot_general3A_645 = arith.constant dense<0.000000e+00> : vector<8x384xf32>
    %dot_general3A_646 = tpu.matmul %broadcast_in_dim3A_641, %get3A_644, %dot_general3A_645 {dimension_numbers = #tpu.dot_dimension_numbers<[1], [0], [0], [1], [0, 0, 1, 1], [], []>, precision = #tpu.contract_precision<fp32>, transpose_lhs_hint = false} : vector<8x128xf32>, vector<128x384xf32>, vector<8x384xf32> -> vector<8x384xf32>
    %slice3A_647 = vector.extract_strided_slice %dot_general3A_646 {offsets = [0, 0], sizes = [1, 384], strides = [1, 1]} : vector<8x384xf32> to vector<1x384xf32>
    %slice3A_648 = vector.extract_strided_slice %mul3A_632 {offsets = [0, 128], sizes = [1, 384], strides = [1, 1]} : vector<1x512xf32> to vector<1x384xf32>
    %gt3A_649 = arith.constant 0.000000e+00 : f32
    %gt3A_650 = vector.broadcast %gt3A_649 : f32 to vector<1x384xf32>
    %gt3A_651 = arith.cmpf ogt, %slice3A_647, %gt3A_650 : vector<1x384xf32>
    %jit3A_652 = arith.constant 0.000000e+00 : f32
    %jit3A_653 = arith.constant 1.000000e+00 : f32
    %broadcast_in_dim3A_654 = vector.broadcast %jit3A_652 : f32 to vector<1x384xf32>
    %broadcast_in_dim3A_655 = vector.broadcast %jit3A_653 : f32 to vector<1x384xf32>
    %select_n3A_656 = arith.select %gt3A_651, %broadcast_in_dim3A_654, %broadcast_in_dim3A_655 : vector<1x384xi1>, vector<1x384xf32>
    %mul3A_657 = arith.mulf %slice3A_648, %select_n3A_656 : vector<1x384xf32>
    %slice3A_658 = vector.extract_strided_slice %mul3A_657 {offsets = [0, 0], sizes = [1, 128], strides = [1, 1]} : vector<1x384xf32> to vector<1x128xf32>
    %scan3A_659 = arith.constant 0 : i32
    %scan3A_660 = arith.constant 16 : i32
    %scan3A_661 = arith.addi %scan3A_659, %scan3A_660 : i32
    %scan3A_662 = arith.constant 1 : i32
    %scan3A_663 = scf.for %scan3A_881 = %scan3A_659 to %scan3A_661 step %scan3A_662 iter_args(%scan3A_882 = %slice3A_658) -> (vector<1x128xf32>)  : i32 {
      %mul3A_883 = arith.constant 8 : i32
      %mul3A_884 = arith.muli %scan3A_881, %mul3A_883 : i32
      %add3A_885 = arith.constant 640 : i32
      %add3A_886 = arith.addi %add3A_885, %mul3A_884 : i32
      %get3A_887 = arith.index_cast %add3A_886 : i32 to index
      %get3A_888 = arith.constant 0 : index
      %get3A_889 = vector.load %arg4[%get3A_887, %get3A_888] : memref<1024x128xf32, #tpu.memory_space<vmem>>, vector<8x128xf32>
      %mul3A_890 = arith.constant 8 : i32
      %mul3A_891 = arith.muli %scan3A_881, %mul3A_890 : i32
      %add3A_892 = arith.constant 0 : i32
      %add3A_893 = arith.addi %mul3A_891, %add3A_892 : i32
      %eq3A_894 = vector.broadcast %add3A_893 : i32 to vector<1x128xi32>
      %eq3A_895 = arith.cmpi eq, %iota3A_533, %eq3A_894 : vector<1x128xi32>
      %jit3A_896 = arith.constant 0.000000e+00 : f32
      %broadcast_in_dim3A_897 = vector.broadcast %jit3A_896 : f32 to vector<1x128xf32>
      %select_n3A_898 = arith.select %eq3A_895, %scan3A_882, %broadcast_in_dim3A_897 : vector<1x128xi1>, vector<1x128xf32>
      %reduce_max3A_899 = vector.shape_cast %select_n3A_898 : vector<1x128xf32> to vector<1x1x128xf32>
      %reduce_max3A_900 = arith.constant dense<0xFF800000> : vector<1xf32>
      %reduce_max3A_901 = vector.multi_reduction <maximumf>, %reduce_max3A_899, %reduce_max3A_900 [1, 2] : vector<1x1x128xf32> to vector<1xf32>
      %reduce_max3A_902 = vector.shape_cast %reduce_max3A_901 : vector<1xf32> to vector<1x1x1xf32>
      %reduce_max3A_903 = vector.extract %reduce_max3A_902[0, 0, 0] : f32 from vector<1x1x1xf32>
      %slice3A_904 = vector.extract_strided_slice %get3A_889 {offsets = [0, 0], sizes = [1, 128], strides = [1, 1]} : vector<8x128xf32> to vector<1x128xf32>
      %mul3A_905 = vector.broadcast %reduce_max3A_903 : f32 to vector<1x128xf32>
      %mul3A_906 = arith.mulf %slice3A_904, %mul3A_905 : vector<1x128xf32>
      %sub3A_907 = arith.constant 1.000000e+00 : f32
      %sub3A_908 = vector.broadcast %sub3A_907 : f32 to vector<1x128xf32>
      %sub3A_909 = arith.subf %sub3A_908, %mul3A_906 : vector<1x128xf32>
      %mul3A_910 = arith.mulf %scan3A_882, %sub3A_909 : vector<1x128xf32>
      %mul3A_911 = arith.constant 8 : i32
      %mul3A_912 = arith.muli %scan3A_881, %mul3A_911 : i32
      %add3A_913 = arith.constant 1 : i32
      %add3A_914 = arith.addi %mul3A_912, %add3A_913 : i32
      %eq3A_915 = vector.broadcast %add3A_914 : i32 to vector<1x128xi32>
      %eq3A_916 = arith.cmpi eq, %iota3A_533, %eq3A_915 : vector<1x128xi32>
      %jit3A_917 = arith.constant 0.000000e+00 : f32
      %broadcast_in_dim3A_918 = vector.broadcast %jit3A_917 : f32 to vector<1x128xf32>
      %select_n3A_919 = arith.select %eq3A_916, %mul3A_910, %broadcast_in_dim3A_918 : vector<1x128xi1>, vector<1x128xf32>
      %reduce_max3A_920 = vector.shape_cast %select_n3A_919 : vector<1x128xf32> to vector<1x1x128xf32>
      %reduce_max3A_921 = arith.constant dense<0xFF800000> : vector<1xf32>
      %reduce_max3A_922 = vector.multi_reduction <maximumf>, %reduce_max3A_920, %reduce_max3A_921 [1, 2] : vector<1x1x128xf32> to vector<1xf32>
      %reduce_max3A_923 = vector.shape_cast %reduce_max3A_922 : vector<1xf32> to vector<1x1x1xf32>
      %reduce_max3A_924 = vector.extract %reduce_max3A_923[0, 0, 0] : f32 from vector<1x1x1xf32>
      %slice3A_925 = vector.extract_strided_slice %get3A_889 {offsets = [1, 0], sizes = [1, 128], strides = [1, 1]} : vector<8x128xf32> to vector<1x128xf32>
      %mul3A_926 = vector.broadcast %reduce_max3A_924 : f32 to vector<1x128xf32>
      %mul3A_927 = arith.mulf %slice3A_925, %mul3A_926 : vector<1x128xf32>
      %sub3A_928 = arith.constant 1.000000e+00 : f32
      %sub3A_929 = vector.broadcast %sub3A_928 : f32 to vector<1x128xf32>
      %sub3A_930 = arith.subf %sub3A_929, %mul3A_927 : vector<1x128xf32>
      %mul3A_931 = arith.mulf %mul3A_910, %sub3A_930 : vector<1x128xf32>
      %mul3A_932 = arith.constant 8 : i32
      %mul3A_933 = arith.muli %scan3A_881, %mul3A_932 : i32
      %add3A_934 = arith.constant 2 : i32
      %add3A_935 = arith.addi %mul3A_933, %add3A_934 : i32
      %eq3A_936 = vector.broadcast %add3A_935 : i32 to vector<1x128xi32>
      %eq3A_937 = arith.cmpi eq, %iota3A_533, %eq3A_936 : vector<1x128xi32>
      %jit3A_938 = arith.constant 0.000000e+00 : f32
      %broadcast_in_dim3A_939 = vector.broadcast %jit3A_938 : f32 to vector<1x128xf32>
      %select_n3A_940 = arith.select %eq3A_937, %mul3A_931, %broadcast_in_dim3A_939 : vector<1x128xi1>, vector<1x128xf32>
      %reduce_max3A_941 = vector.shape_cast %select_n3A_940 : vector<1x128xf32> to vector<1x1x128xf32>
      %reduce_max3A_942 = arith.constant dense<0xFF800000> : vector<1xf32>
      %reduce_max3A_943 = vector.multi_reduction <maximumf>, %reduce_max3A_941, %reduce_max3A_942 [1, 2] : vector<1x1x128xf32> to vector<1xf32>
      %reduce_max3A_944 = vector.shape_cast %reduce_max3A_943 : vector<1xf32> to vector<1x1x1xf32>
      %reduce_max3A_945 = vector.extract %reduce_max3A_944[0, 0, 0] : f32 from vector<1x1x1xf32>
      %slice3A_946 = vector.extract_strided_slice %get3A_889 {offsets = [2, 0], sizes = [1, 128], strides = [1, 1]} : vector<8x128xf32> to vector<1x128xf32>
      %mul3A_947 = vector.broadcast %reduce_max3A_945 : f32 to vector<1x128xf32>
      %mul3A_948 = arith.mulf %slice3A_946, %mul3A_947 : vector<1x128xf32>
      %sub3A_949 = arith.constant 1.000000e+00 : f32
      %sub3A_950 = vector.broadcast %sub3A_949 : f32 to vector<1x128xf32>
      %sub3A_951 = arith.subf %sub3A_950, %mul3A_948 : vector<1x128xf32>
      %mul3A_952 = arith.mulf %mul3A_931, %sub3A_951 : vector<1x128xf32>
      %mul3A_953 = arith.constant 8 : i32
      %mul3A_954 = arith.muli %scan3A_881, %mul3A_953 : i32
      %add3A_955 = arith.constant 3 : i32
      %add3A_956 = arith.addi %mul3A_954, %add3A_955 : i32
      %eq3A_957 = vector.broadcast %add3A_956 : i32 to vector<1x128xi32>
      %eq3A_958 = arith.cmpi eq, %iota3A_533, %eq3A_957 : vector<1x128xi32>
      %jit3A_959 = arith.constant 0.000000e+00 : f32
      %broadcast_in_dim3A_960 = vector.broadcast %jit3A_959 : f32 to vector<1x128xf32>
      %select_n3A_961 = arith.select %eq3A_958, %mul3A_952, %broadcast_in_dim3A_960 : vector<1x128xi1>, vector<1x128xf32>
      %reduce_max3A_962 = vector.shape_cast %select_n3A_961 : vector<1x128xf32> to vector<1x1x128xf32>
      %reduce_max3A_963 = arith.constant dense<0xFF800000> : vector<1xf32>
      %reduce_max3A_964 = vector.multi_reduction <maximumf>, %reduce_max3A_962, %reduce_max3A_963 [1, 2] : vector<1x1x128xf32> to vector<1xf32>
      %reduce_max3A_965 = vector.shape_cast %reduce_max3A_964 : vector<1xf32> to vector<1x1x1xf32>
      %reduce_max3A_966 = vector.extract %reduce_max3A_965[0, 0, 0] : f32 from vector<1x1x1xf32>
      %slice3A_967 = vector.extract_strided_slice %get3A_889 {offsets = [3, 0], sizes = [1, 128], strides = [1, 1]} : vector<8x128xf32> to vector<1x128xf32>
      %mul3A_968 = vector.broadcast %reduce_max3A_966 : f32 to vector<1x128xf32>
      %mul3A_969 = arith.mulf %slice3A_967, %mul3A_968 : vector<1x128xf32>
      %sub3A_970 = arith.constant 1.000000e+00 : f32
      %sub3A_971 = vector.broadcast %sub3A_970 : f32 to vector<1x128xf32>
      %sub3A_972 = arith.subf %sub3A_971, %mul3A_969 : vector<1x128xf32>
      %mul3A_973 = arith.mulf %mul3A_952, %sub3A_972 : vector<1x128xf32>
      %mul3A_974 = arith.constant 8 : i32
      %mul3A_975 = arith.muli %scan3A_881, %mul3A_974 : i32
      %add3A_976 = arith.constant 4 : i32
      %add3A_977 = arith.addi %mul3A_975, %add3A_976 : i32
      %eq3A_978 = vector.broadcast %add3A_977 : i32 to vector<1x128xi32>
      %eq3A_979 = arith.cmpi eq, %iota3A_533, %eq3A_978 : vector<1x128xi32>
      %jit3A_980 = arith.constant 0.000000e+00 : f32
      %broadcast_in_dim3A_981 = vector.broadcast %jit3A_980 : f32 to vector<1x128xf32>
      %select_n3A_982 = arith.select %eq3A_979, %mul3A_973, %broadcast_in_dim3A_981 : vector<1x128xi1>, vector<1x128xf32>
      %reduce_max3A_983 = vector.shape_cast %select_n3A_982 : vector<1x128xf32> to vector<1x1x128xf32>
      %reduce_max3A_984 = arith.constant dense<0xFF800000> : vector<1xf32>
      %reduce_max3A_985 = vector.multi_reduction <maximumf>, %reduce_max3A_983, %reduce_max3A_984 [1, 2] : vector<1x1x128xf32> to vector<1xf32>
      %reduce_max3A_986 = vector.shape_cast %reduce_max3A_985 : vector<1xf32> to vector<1x1x1xf32>
      %reduce_max3A_987 = vector.extract %reduce_max3A_986[0, 0, 0] : f32 from vector<1x1x1xf32>
      %slice3A_988 = vector.extract_strided_slice %get3A_889 {offsets = [4, 0], sizes = [1, 128], strides = [1, 1]} : vector<8x128xf32> to vector<1x128xf32>
      %mul3A_989 = vector.broadcast %reduce_max3A_987 : f32 to vector<1x128xf32>
      %mul3A_990 = arith.mulf %slice3A_988, %mul3A_989 : vector<1x128xf32>
      %sub3A_991 = arith.constant 1.000000e+00 : f32
      %sub3A_992 = vector.broadcast %sub3A_991 : f32 to vector<1x128xf32>
      %sub3A_993 = arith.subf %sub3A_992, %mul3A_990 : vector<1x128xf32>
      %mul3A_994 = arith.mulf %mul3A_973, %sub3A_993 : vector<1x128xf32>
      %mul3A_995 = arith.constant 8 : i32
      %mul3A_996 = arith.muli %scan3A_881, %mul3A_995 : i32
      %add3A_997 = arith.constant 5 : i32
      %add3A_998 = arith.addi %mul3A_996, %add3A_997 : i32
      %eq3A_999 = vector.broadcast %add3A_998 : i32 to vector<1x128xi32>
      %eq3A_1000 = arith.cmpi eq, %iota3A_533, %eq3A_999 : vector<1x128xi32>
      %jit3A_1001 = arith.constant 0.000000e+00 : f32
      %broadcast_in_dim3A_1002 = vector.broadcast %jit3A_1001 : f32 to vector<1x128xf32>
      %select_n3A_1003 = arith.select %eq3A_1000, %mul3A_994, %broadcast_in_dim3A_1002 : vector<1x128xi1>, vector<1x128xf32>
      %reduce_max3A_1004 = vector.shape_cast %select_n3A_1003 : vector<1x128xf32> to vector<1x1x128xf32>
      %reduce_max3A_1005 = arith.constant dense<0xFF800000> : vector<1xf32>
      %reduce_max3A_1006 = vector.multi_reduction <maximumf>, %reduce_max3A_1004, %reduce_max3A_1005 [1, 2] : vector<1x1x128xf32> to vector<1xf32>
      %reduce_max3A_1007 = vector.shape_cast %reduce_max3A_1006 : vector<1xf32> to vector<1x1x1xf32>
      %reduce_max3A_1008 = vector.extract %reduce_max3A_1007[0, 0, 0] : f32 from vector<1x1x1xf32>
      %slice3A_1009 = vector.extract_strided_slice %get3A_889 {offsets = [5, 0], sizes = [1, 128], strides = [1, 1]} : vector<8x128xf32> to vector<1x128xf32>
      %mul3A_1010 = vector.broadcast %reduce_max3A_1008 : f32 to vector<1x128xf32>
      %mul3A_1011 = arith.mulf %slice3A_1009, %mul3A_1010 : vector<1x128xf32>
      %sub3A_1012 = arith.constant 1.000000e+00 : f32
      %sub3A_1013 = vector.broadcast %sub3A_1012 : f32 to vector<1x128xf32>
      %sub3A_1014 = arith.subf %sub3A_1013, %mul3A_1011 : vector<1x128xf32>
      %mul3A_1015 = arith.mulf %mul3A_994, %sub3A_1014 : vector<1x128xf32>
      %mul3A_1016 = arith.constant 8 : i32
      %mul3A_1017 = arith.muli %scan3A_881, %mul3A_1016 : i32
      %add3A_1018 = arith.constant 6 : i32
      %add3A_1019 = arith.addi %mul3A_1017, %add3A_1018 : i32
      %eq3A_1020 = vector.broadcast %add3A_1019 : i32 to vector<1x128xi32>
      %eq3A_1021 = arith.cmpi eq, %iota3A_533, %eq3A_1020 : vector<1x128xi32>
      %jit3A_1022 = arith.constant 0.000000e+00 : f32
      %broadcast_in_dim3A_1023 = vector.broadcast %jit3A_1022 : f32 to vector<1x128xf32>
      %select_n3A_1024 = arith.select %eq3A_1021, %mul3A_1015, %broadcast_in_dim3A_1023 : vector<1x128xi1>, vector<1x128xf32>
      %reduce_max3A_1025 = vector.shape_cast %select_n3A_1024 : vector<1x128xf32> to vector<1x1x128xf32>
      %reduce_max3A_1026 = arith.constant dense<0xFF800000> : vector<1xf32>
      %reduce_max3A_1027 = vector.multi_reduction <maximumf>, %reduce_max3A_1025, %reduce_max3A_1026 [1, 2] : vector<1x1x128xf32> to vector<1xf32>
      %reduce_max3A_1028 = vector.shape_cast %reduce_max3A_1027 : vector<1xf32> to vector<1x1x1xf32>
      %reduce_max3A_1029 = vector.extract %reduce_max3A_1028[0, 0, 0] : f32 from vector<1x1x1xf32>
      %slice3A_1030 = vector.extract_strided_slice %get3A_889 {offsets = [6, 0], sizes = [1, 128], strides = [1, 1]} : vector<8x128xf32> to vector<1x128xf32>
      %mul3A_1031 = vector.broadcast %reduce_max3A_1029 : f32 to vector<1x128xf32>
      %mul3A_1032 = arith.mulf %slice3A_1030, %mul3A_1031 : vector<1x128xf32>
      %sub3A_1033 = arith.constant 1.000000e+00 : f32
      %sub3A_1034 = vector.broadcast %sub3A_1033 : f32 to vector<1x128xf32>
      %sub3A_1035 = arith.subf %sub3A_1034, %mul3A_1032 : vector<1x128xf32>
      %mul3A_1036 = arith.mulf %mul3A_1015, %sub3A_1035 : vector<1x128xf32>
      %mul3A_1037 = arith.constant 8 : i32
      %mul3A_1038 = arith.muli %scan3A_881, %mul3A_1037 : i32
      %add3A_1039 = arith.constant 7 : i32
      %add3A_1040 = arith.addi %mul3A_1038, %add3A_1039 : i32
      %eq3A_1041 = vector.broadcast %add3A_1040 : i32 to vector<1x128xi32>
      %eq3A_1042 = arith.cmpi eq, %iota3A_533, %eq3A_1041 : vector<1x128xi32>
      %jit3A_1043 = arith.constant 0.000000e+00 : f32
      %broadcast_in_dim3A_1044 = vector.broadcast %jit3A_1043 : f32 to vector<1x128xf32>
      %select_n3A_1045 = arith.select %eq3A_1042, %mul3A_1036, %broadcast_in_dim3A_1044 : vector<1x128xi1>, vector<1x128xf32>
      %reduce_max3A_1046 = vector.shape_cast %select_n3A_1045 : vector<1x128xf32> to vector<1x1x128xf32>
      %reduce_max3A_1047 = arith.constant dense<0xFF800000> : vector<1xf32>
      %reduce_max3A_1048 = vector.multi_reduction <maximumf>, %reduce_max3A_1046, %reduce_max3A_1047 [1, 2] : vector<1x1x128xf32> to vector<1xf32>
      %reduce_max3A_1049 = vector.shape_cast %reduce_max3A_1048 : vector<1xf32> to vector<1x1x1xf32>
      %reduce_max3A_1050 = vector.extract %reduce_max3A_1049[0, 0, 0] : f32 from vector<1x1x1xf32>
      %slice3A_1051 = vector.extract_strided_slice %get3A_889 {offsets = [7, 0], sizes = [1, 128], strides = [1, 1]} : vector<8x128xf32> to vector<1x128xf32>
      %mul3A_1052 = vector.broadcast %reduce_max3A_1050 : f32 to vector<1x128xf32>
      %mul3A_1053 = arith.mulf %slice3A_1051, %mul3A_1052 : vector<1x128xf32>
      %sub3A_1054 = arith.constant 1.000000e+00 : f32
      %sub3A_1055 = vector.broadcast %sub3A_1054 : f32 to vector<1x128xf32>
      %sub3A_1056 = arith.subf %sub3A_1055, %mul3A_1053 : vector<1x128xf32>
      %mul3A_1057 = arith.mulf %mul3A_1036, %sub3A_1056 : vector<1x128xf32>
      scf.yield %mul3A_1057 : vector<1x128xf32>
    }
    %scan3A_664 = arith.constant 16 : i32
    %broadcast_in_dim3A_665 = vector.shape_cast %scan3A_663 : vector<1x128xf32> to vector<1x128xf32>
    %broadcast_in_dim3A_666 = vector.broadcast %broadcast_in_dim3A_665 : vector<1x128xf32> to vector<8x128xf32>
    %get3A_667 = arith.constant 640 : index
    %get3A_668 = arith.constant 768 : index
    %get3A_669 = vector.load %arg3[%get3A_667, %get3A_668] : memref<1024x1024xf32, #tpu.memory_space<vmem>>, vector<128x256xf32>
    %dot_general3A_670 = arith.constant dense<0.000000e+00> : vector<8x256xf32>
    %dot_general3A_671 = tpu.matmul %broadcast_in_dim3A_666, %get3A_669, %dot_general3A_670 {dimension_numbers = #tpu.dot_dimension_numbers<[1], [0], [0], [1], [0, 0, 1, 1], [], []>, precision = #tpu.contract_precision<fp32>, transpose_lhs_hint = false} : vector<8x128xf32>, vector<128x256xf32>, vector<8x256xf32> -> vector<8x256xf32>
    %slice3A_672 = vector.extract_strided_slice %dot_general3A_671 {offsets = [0, 0], sizes = [1, 256], strides = [1, 1]} : vector<8x256xf32> to vector<1x256xf32>
    %slice3A_673 = vector.extract_strided_slice %mul3A_657 {offsets = [0, 128], sizes = [1, 256], strides = [1, 1]} : vector<1x384xf32> to vector<1x256xf32>
    %gt3A_674 = arith.constant 0.000000e+00 : f32
    %gt3A_675 = vector.broadcast %gt3A_674 : f32 to vector<1x256xf32>
    %gt3A_676 = arith.cmpf ogt, %slice3A_672, %gt3A_675 : vector<1x256xf32>
    %jit3A_677 = arith.constant 0.000000e+00 : f32
    %jit3A_678 = arith.constant 1.000000e+00 : f32
    %broadcast_in_dim3A_679 = vector.broadcast %jit3A_677 : f32 to vector<1x256xf32>
    %broadcast_in_dim3A_680 = vector.broadcast %jit3A_678 : f32 to vector<1x256xf32>
    %select_n3A_681 = arith.select %gt3A_676, %broadcast_in_dim3A_679, %broadcast_in_dim3A_680 : vector<1x256xi1>, vector<1x256xf32>
    %mul3A_682 = arith.mulf %slice3A_673, %select_n3A_681 : vector<1x256xf32>
    %slice3A_683 = vector.extract_strided_slice %mul3A_682 {offsets = [0, 0], sizes = [1, 128], strides = [1, 1]} : vector<1x256xf32> to vector<1x128xf32>
    %scan3A_684 = arith.constant 0 : i32
    %scan3A_685 = arith.constant 16 : i32
    %scan3A_686 = arith.addi %scan3A_684, %scan3A_685 : i32
    %scan3A_687 = arith.constant 1 : i32
    %scan3A_688 = scf.for %scan3A_881 = %scan3A_684 to %scan3A_686 step %scan3A_687 iter_args(%scan3A_882 = %slice3A_683) -> (vector<1x128xf32>)  : i32 {
      %mul3A_883 = arith.constant 8 : i32
      %mul3A_884 = arith.muli %scan3A_881, %mul3A_883 : i32
      %add3A_885 = arith.constant 768 : i32
      %add3A_886 = arith.addi %add3A_885, %mul3A_884 : i32
      %get3A_887 = arith.index_cast %add3A_886 : i32 to index
      %get3A_888 = arith.constant 0 : index
      %get3A_889 = vector.load %arg4[%get3A_887, %get3A_888] : memref<1024x128xf32, #tpu.memory_space<vmem>>, vector<8x128xf32>
      %mul3A_890 = arith.constant 8 : i32
      %mul3A_891 = arith.muli %scan3A_881, %mul3A_890 : i32
      %add3A_892 = arith.constant 0 : i32
      %add3A_893 = arith.addi %mul3A_891, %add3A_892 : i32
      %eq3A_894 = vector.broadcast %add3A_893 : i32 to vector<1x128xi32>
      %eq3A_895 = arith.cmpi eq, %iota3A_533, %eq3A_894 : vector<1x128xi32>
      %jit3A_896 = arith.constant 0.000000e+00 : f32
      %broadcast_in_dim3A_897 = vector.broadcast %jit3A_896 : f32 to vector<1x128xf32>
      %select_n3A_898 = arith.select %eq3A_895, %scan3A_882, %broadcast_in_dim3A_897 : vector<1x128xi1>, vector<1x128xf32>
      %reduce_max3A_899 = vector.shape_cast %select_n3A_898 : vector<1x128xf32> to vector<1x1x128xf32>
      %reduce_max3A_900 = arith.constant dense<0xFF800000> : vector<1xf32>
      %reduce_max3A_901 = vector.multi_reduction <maximumf>, %reduce_max3A_899, %reduce_max3A_900 [1, 2] : vector<1x1x128xf32> to vector<1xf32>
      %reduce_max3A_902 = vector.shape_cast %reduce_max3A_901 : vector<1xf32> to vector<1x1x1xf32>
      %reduce_max3A_903 = vector.extract %reduce_max3A_902[0, 0, 0] : f32 from vector<1x1x1xf32>
      %slice3A_904 = vector.extract_strided_slice %get3A_889 {offsets = [0, 0], sizes = [1, 128], strides = [1, 1]} : vector<8x128xf32> to vector<1x128xf32>
      %mul3A_905 = vector.broadcast %reduce_max3A_903 : f32 to vector<1x128xf32>
      %mul3A_906 = arith.mulf %slice3A_904, %mul3A_905 : vector<1x128xf32>
      %sub3A_907 = arith.constant 1.000000e+00 : f32
      %sub3A_908 = vector.broadcast %sub3A_907 : f32 to vector<1x128xf32>
      %sub3A_909 = arith.subf %sub3A_908, %mul3A_906 : vector<1x128xf32>
      %mul3A_910 = arith.mulf %scan3A_882, %sub3A_909 : vector<1x128xf32>
      %mul3A_911 = arith.constant 8 : i32
      %mul3A_912 = arith.muli %scan3A_881, %mul3A_911 : i32
      %add3A_913 = arith.constant 1 : i32
      %add3A_914 = arith.addi %mul3A_912, %add3A_913 : i32
      %eq3A_915 = vector.broadcast %add3A_914 : i32 to vector<1x128xi32>
      %eq3A_916 = arith.cmpi eq, %iota3A_533, %eq3A_915 : vector<1x128xi32>
      %jit3A_917 = arith.constant 0.000000e+00 : f32
      %broadcast_in_dim3A_918 = vector.broadcast %jit3A_917 : f32 to vector<1x128xf32>
      %select_n3A_919 = arith.select %eq3A_916, %mul3A_910, %broadcast_in_dim3A_918 : vector<1x128xi1>, vector<1x128xf32>
      %reduce_max3A_920 = vector.shape_cast %select_n3A_919 : vector<1x128xf32> to vector<1x1x128xf32>
      %reduce_max3A_921 = arith.constant dense<0xFF800000> : vector<1xf32>
      %reduce_max3A_922 = vector.multi_reduction <maximumf>, %reduce_max3A_920, %reduce_max3A_921 [1, 2] : vector<1x1x128xf32> to vector<1xf32>
      %reduce_max3A_923 = vector.shape_cast %reduce_max3A_922 : vector<1xf32> to vector<1x1x1xf32>
      %reduce_max3A_924 = vector.extract %reduce_max3A_923[0, 0, 0] : f32 from vector<1x1x1xf32>
      %slice3A_925 = vector.extract_strided_slice %get3A_889 {offsets = [1, 0], sizes = [1, 128], strides = [1, 1]} : vector<8x128xf32> to vector<1x128xf32>
      %mul3A_926 = vector.broadcast %reduce_max3A_924 : f32 to vector<1x128xf32>
      %mul3A_927 = arith.mulf %slice3A_925, %mul3A_926 : vector<1x128xf32>
      %sub3A_928 = arith.constant 1.000000e+00 : f32
      %sub3A_929 = vector.broadcast %sub3A_928 : f32 to vector<1x128xf32>
      %sub3A_930 = arith.subf %sub3A_929, %mul3A_927 : vector<1x128xf32>
      %mul3A_931 = arith.mulf %mul3A_910, %sub3A_930 : vector<1x128xf32>
      %mul3A_932 = arith.constant 8 : i32
      %mul3A_933 = arith.muli %scan3A_881, %mul3A_932 : i32
      %add3A_934 = arith.constant 2 : i32
      %add3A_935 = arith.addi %mul3A_933, %add3A_934 : i32
      %eq3A_936 = vector.broadcast %add3A_935 : i32 to vector<1x128xi32>
      %eq3A_937 = arith.cmpi eq, %iota3A_533, %eq3A_936 : vector<1x128xi32>
      %jit3A_938 = arith.constant 0.000000e+00 : f32
      %broadcast_in_dim3A_939 = vector.broadcast %jit3A_938 : f32 to vector<1x128xf32>
      %select_n3A_940 = arith.select %eq3A_937, %mul3A_931, %broadcast_in_dim3A_939 : vector<1x128xi1>, vector<1x128xf32>
      %reduce_max3A_941 = vector.shape_cast %select_n3A_940 : vector<1x128xf32> to vector<1x1x128xf32>
      %reduce_max3A_942 = arith.constant dense<0xFF800000> : vector<1xf32>
      %reduce_max3A_943 = vector.multi_reduction <maximumf>, %reduce_max3A_941, %reduce_max3A_942 [1, 2] : vector<1x1x128xf32> to vector<1xf32>
      %reduce_max3A_944 = vector.shape_cast %reduce_max3A_943 : vector<1xf32> to vector<1x1x1xf32>
      %reduce_max3A_945 = vector.extract %reduce_max3A_944[0, 0, 0] : f32 from vector<1x1x1xf32>
      %slice3A_946 = vector.extract_strided_slice %get3A_889 {offsets = [2, 0], sizes = [1, 128], strides = [1, 1]} : vector<8x128xf32> to vector<1x128xf32>
      %mul3A_947 = vector.broadcast %reduce_max3A_945 : f32 to vector<1x128xf32>
      %mul3A_948 = arith.mulf %slice3A_946, %mul3A_947 : vector<1x128xf32>
      %sub3A_949 = arith.constant 1.000000e+00 : f32
      %sub3A_950 = vector.broadcast %sub3A_949 : f32 to vector<1x128xf32>
      %sub3A_951 = arith.subf %sub3A_950, %mul3A_948 : vector<1x128xf32>
      %mul3A_952 = arith.mulf %mul3A_931, %sub3A_951 : vector<1x128xf32>
      %mul3A_953 = arith.constant 8 : i32
      %mul3A_954 = arith.muli %scan3A_881, %mul3A_953 : i32
      %add3A_955 = arith.constant 3 : i32
      %add3A_956 = arith.addi %mul3A_954, %add3A_955 : i32
      %eq3A_957 = vector.broadcast %add3A_956 : i32 to vector<1x128xi32>
      %eq3A_958 = arith.cmpi eq, %iota3A_533, %eq3A_957 : vector<1x128xi32>
      %jit3A_959 = arith.constant 0.000000e+00 : f32
      %broadcast_in_dim3A_960 = vector.broadcast %jit3A_959 : f32 to vector<1x128xf32>
      %select_n3A_961 = arith.select %eq3A_958, %mul3A_952, %broadcast_in_dim3A_960 : vector<1x128xi1>, vector<1x128xf32>
      %reduce_max3A_962 = vector.shape_cast %select_n3A_961 : vector<1x128xf32> to vector<1x1x128xf32>
      %reduce_max3A_963 = arith.constant dense<0xFF800000> : vector<1xf32>
      %reduce_max3A_964 = vector.multi_reduction <maximumf>, %reduce_max3A_962, %reduce_max3A_963 [1, 2] : vector<1x1x128xf32> to vector<1xf32>
      %reduce_max3A_965 = vector.shape_cast %reduce_max3A_964 : vector<1xf32> to vector<1x1x1xf32>
      %reduce_max3A_966 = vector.extract %reduce_max3A_965[0, 0, 0] : f32 from vector<1x1x1xf32>
      %slice3A_967 = vector.extract_strided_slice %get3A_889 {offsets = [3, 0], sizes = [1, 128], strides = [1, 1]} : vector<8x128xf32> to vector<1x128xf32>
      %mul3A_968 = vector.broadcast %reduce_max3A_966 : f32 to vector<1x128xf32>
      %mul3A_969 = arith.mulf %slice3A_967, %mul3A_968 : vector<1x128xf32>
      %sub3A_970 = arith.constant 1.000000e+00 : f32
      %sub3A_971 = vector.broadcast %sub3A_970 : f32 to vector<1x128xf32>
      %sub3A_972 = arith.subf %sub3A_971, %mul3A_969 : vector<1x128xf32>
      %mul3A_973 = arith.mulf %mul3A_952, %sub3A_972 : vector<1x128xf32>
      %mul3A_974 = arith.constant 8 : i32
      %mul3A_975 = arith.muli %scan3A_881, %mul3A_974 : i32
      %add3A_976 = arith.constant 4 : i32
      %add3A_977 = arith.addi %mul3A_975, %add3A_976 : i32
      %eq3A_978 = vector.broadcast %add3A_977 : i32 to vector<1x128xi32>
      %eq3A_979 = arith.cmpi eq, %iota3A_533, %eq3A_978 : vector<1x128xi32>
      %jit3A_980 = arith.constant 0.000000e+00 : f32
      %broadcast_in_dim3A_981 = vector.broadcast %jit3A_980 : f32 to vector<1x128xf32>
      %select_n3A_982 = arith.select %eq3A_979, %mul3A_973, %broadcast_in_dim3A_981 : vector<1x128xi1>, vector<1x128xf32>
      %reduce_max3A_983 = vector.shape_cast %select_n3A_982 : vector<1x128xf32> to vector<1x1x128xf32>
      %reduce_max3A_984 = arith.constant dense<0xFF800000> : vector<1xf32>
      %reduce_max3A_985 = vector.multi_reduction <maximumf>, %reduce_max3A_983, %reduce_max3A_984 [1, 2] : vector<1x1x128xf32> to vector<1xf32>
      %reduce_max3A_986 = vector.shape_cast %reduce_max3A_985 : vector<1xf32> to vector<1x1x1xf32>
      %reduce_max3A_987 = vector.extract %reduce_max3A_986[0, 0, 0] : f32 from vector<1x1x1xf32>
      %slice3A_988 = vector.extract_strided_slice %get3A_889 {offsets = [4, 0], sizes = [1, 128], strides = [1, 1]} : vector<8x128xf32> to vector<1x128xf32>
      %mul3A_989 = vector.broadcast %reduce_max3A_987 : f32 to vector<1x128xf32>
      %mul3A_990 = arith.mulf %slice3A_988, %mul3A_989 : vector<1x128xf32>
      %sub3A_991 = arith.constant 1.000000e+00 : f32
      %sub3A_992 = vector.broadcast %sub3A_991 : f32 to vector<1x128xf32>
      %sub3A_993 = arith.subf %sub3A_992, %mul3A_990 : vector<1x128xf32>
      %mul3A_994 = arith.mulf %mul3A_973, %sub3A_993 : vector<1x128xf32>
      %mul3A_995 = arith.constant 8 : i32
      %mul3A_996 = arith.muli %scan3A_881, %mul3A_995 : i32
      %add3A_997 = arith.constant 5 : i32
      %add3A_998 = arith.addi %mul3A_996, %add3A_997 : i32
      %eq3A_999 = vector.broadcast %add3A_998 : i32 to vector<1x128xi32>
      %eq3A_1000 = arith.cmpi eq, %iota3A_533, %eq3A_999 : vector<1x128xi32>
      %jit3A_1001 = arith.constant 0.000000e+00 : f32
      %broadcast_in_dim3A_1002 = vector.broadcast %jit3A_1001 : f32 to vector<1x128xf32>
      %select_n3A_1003 = arith.select %eq3A_1000, %mul3A_994, %broadcast_in_dim3A_1002 : vector<1x128xi1>, vector<1x128xf32>
      %reduce_max3A_1004 = vector.shape_cast %select_n3A_1003 : vector<1x128xf32> to vector<1x1x128xf32>
      %reduce_max3A_1005 = arith.constant dense<0xFF800000> : vector<1xf32>
      %reduce_max3A_1006 = vector.multi_reduction <maximumf>, %reduce_max3A_1004, %reduce_max3A_1005 [1, 2] : vector<1x1x128xf32> to vector<1xf32>
      %reduce_max3A_1007 = vector.shape_cast %reduce_max3A_1006 : vector<1xf32> to vector<1x1x1xf32>
      %reduce_max3A_1008 = vector.extract %reduce_max3A_1007[0, 0, 0] : f32 from vector<1x1x1xf32>
      %slice3A_1009 = vector.extract_strided_slice %get3A_889 {offsets = [5, 0], sizes = [1, 128], strides = [1, 1]} : vector<8x128xf32> to vector<1x128xf32>
      %mul3A_1010 = vector.broadcast %reduce_max3A_1008 : f32 to vector<1x128xf32>
      %mul3A_1011 = arith.mulf %slice3A_1009, %mul3A_1010 : vector<1x128xf32>
      %sub3A_1012 = arith.constant 1.000000e+00 : f32
      %sub3A_1013 = vector.broadcast %sub3A_1012 : f32 to vector<1x128xf32>
      %sub3A_1014 = arith.subf %sub3A_1013, %mul3A_1011 : vector<1x128xf32>
      %mul3A_1015 = arith.mulf %mul3A_994, %sub3A_1014 : vector<1x128xf32>
      %mul3A_1016 = arith.constant 8 : i32
      %mul3A_1017 = arith.muli %scan3A_881, %mul3A_1016 : i32
      %add3A_1018 = arith.constant 6 : i32
      %add3A_1019 = arith.addi %mul3A_1017, %add3A_1018 : i32
      %eq3A_1020 = vector.broadcast %add3A_1019 : i32 to vector<1x128xi32>
      %eq3A_1021 = arith.cmpi eq, %iota3A_533, %eq3A_1020 : vector<1x128xi32>
      %jit3A_1022 = arith.constant 0.000000e+00 : f32
      %broadcast_in_dim3A_1023 = vector.broadcast %jit3A_1022 : f32 to vector<1x128xf32>
      %select_n3A_1024 = arith.select %eq3A_1021, %mul3A_1015, %broadcast_in_dim3A_1023 : vector<1x128xi1>, vector<1x128xf32>
      %reduce_max3A_1025 = vector.shape_cast %select_n3A_1024 : vector<1x128xf32> to vector<1x1x128xf32>
      %reduce_max3A_1026 = arith.constant dense<0xFF800000> : vector<1xf32>
      %reduce_max3A_1027 = vector.multi_reduction <maximumf>, %reduce_max3A_1025, %reduce_max3A_1026 [1, 2] : vector<1x1x128xf32> to vector<1xf32>
      %reduce_max3A_1028 = vector.shape_cast %reduce_max3A_1027 : vector<1xf32> to vector<1x1x1xf32>
      %reduce_max3A_1029 = vector.extract %reduce_max3A_1028[0, 0, 0] : f32 from vector<1x1x1xf32>
      %slice3A_1030 = vector.extract_strided_slice %get3A_889 {offsets = [6, 0], sizes = [1, 128], strides = [1, 1]} : vector<8x128xf32> to vector<1x128xf32>
      %mul3A_1031 = vector.broadcast %reduce_max3A_1029 : f32 to vector<1x128xf32>
      %mul3A_1032 = arith.mulf %slice3A_1030, %mul3A_1031 : vector<1x128xf32>
      %sub3A_1033 = arith.constant 1.000000e+00 : f32
      %sub3A_1034 = vector.broadcast %sub3A_1033 : f32 to vector<1x128xf32>
      %sub3A_1035 = arith.subf %sub3A_1034, %mul3A_1032 : vector<1x128xf32>
      %mul3A_1036 = arith.mulf %mul3A_1015, %sub3A_1035 : vector<1x128xf32>
      %mul3A_1037 = arith.constant 8 : i32
      %mul3A_1038 = arith.muli %scan3A_881, %mul3A_1037 : i32
      %add3A_1039 = arith.constant 7 : i32
      %add3A_1040 = arith.addi %mul3A_1038, %add3A_1039 : i32
      %eq3A_1041 = vector.broadcast %add3A_1040 : i32 to vector<1x128xi32>
      %eq3A_1042 = arith.cmpi eq, %iota3A_533, %eq3A_1041 : vector<1x128xi32>
      %jit3A_1043 = arith.constant 0.000000e+00 : f32
      %broadcast_in_dim3A_1044 = vector.broadcast %jit3A_1043 : f32 to vector<1x128xf32>
      %select_n3A_1045 = arith.select %eq3A_1042, %mul3A_1036, %broadcast_in_dim3A_1044 : vector<1x128xi1>, vector<1x128xf32>
      %reduce_max3A_1046 = vector.shape_cast %select_n3A_1045 : vector<1x128xf32> to vector<1x1x128xf32>
      %reduce_max3A_1047 = arith.constant dense<0xFF800000> : vector<1xf32>
      %reduce_max3A_1048 = vector.multi_reduction <maximumf>, %reduce_max3A_1046, %reduce_max3A_1047 [1, 2] : vector<1x1x128xf32> to vector<1xf32>
      %reduce_max3A_1049 = vector.shape_cast %reduce_max3A_1048 : vector<1xf32> to vector<1x1x1xf32>
      %reduce_max3A_1050 = vector.extract %reduce_max3A_1049[0, 0, 0] : f32 from vector<1x1x1xf32>
      %slice3A_1051 = vector.extract_strided_slice %get3A_889 {offsets = [7, 0], sizes = [1, 128], strides = [1, 1]} : vector<8x128xf32> to vector<1x128xf32>
      %mul3A_1052 = vector.broadcast %reduce_max3A_1050 : f32 to vector<1x128xf32>
      %mul3A_1053 = arith.mulf %slice3A_1051, %mul3A_1052 : vector<1x128xf32>
      %sub3A_1054 = arith.constant 1.000000e+00 : f32
      %sub3A_1055 = vector.broadcast %sub3A_1054 : f32 to vector<1x128xf32>
      %sub3A_1056 = arith.subf %sub3A_1055, %mul3A_1053 : vector<1x128xf32>
      %mul3A_1057 = arith.mulf %mul3A_1036, %sub3A_1056 : vector<1x128xf32>
      scf.yield %mul3A_1057 : vector<1x128xf32>
    }
    %scan3A_689 = arith.constant 16 : i32
    %broadcast_in_dim3A_690 = vector.shape_cast %scan3A_688 : vector<1x128xf32> to vector<1x128xf32>
    %broadcast_in_dim3A_691 = vector.broadcast %broadcast_in_dim3A_690 : vector<1x128xf32> to vector<8x128xf32>
    %get3A_692 = arith.constant 768 : index
    %get3A_693 = arith.constant 896 : index
    %get3A_694 = vector.load %arg3[%get3A_692, %get3A_693] : memref<1024x1024xf32, #tpu.memory_space<vmem>>, vector<128x128xf32>
    %dot_general3A_695 = arith.constant dense<0.000000e+00> : vector<8x128xf32>
    %dot_general3A_696 = tpu.matmul %broadcast_in_dim3A_691, %get3A_694, %dot_general3A_695 {dimension_numbers = #tpu.dot_dimension_numbers<[1], [0], [0], [1], [0, 0, 1, 1], [], []>, precision = #tpu.contract_precision<fp32>, transpose_lhs_hint = false} : vector<8x128xf32>, vector<128x128xf32>, vector<8x128xf32> -> vector<8x128xf32>
    %slice3A_697 = vector.extract_strided_slice %dot_general3A_696 {offsets = [0, 0], sizes = [1, 128], strides = [1, 1]} : vector<8x128xf32> to vector<1x128xf32>
    %slice3A_698 = vector.extract_strided_slice %mul3A_682 {offsets = [0, 128], sizes = [1, 128], strides = [1, 1]} : vector<1x256xf32> to vector<1x128xf32>
    %gt3A_699 = arith.constant 0.000000e+00 : f32
    %gt3A_700 = vector.broadcast %gt3A_699 : f32 to vector<1x128xf32>
    %gt3A_701 = arith.cmpf ogt, %slice3A_697, %gt3A_700 : vector<1x128xf32>
    %jit3A_702 = arith.constant 0.000000e+00 : f32
    %jit3A_703 = arith.constant 1.000000e+00 : f32
    %broadcast_in_dim3A_704 = vector.broadcast %jit3A_702 : f32 to vector<1x128xf32>
    %broadcast_in_dim3A_705 = vector.broadcast %jit3A_703 : f32 to vector<1x128xf32>
    %select_n3A_706 = arith.select %gt3A_701, %broadcast_in_dim3A_704, %broadcast_in_dim3A_705 : vector<1x128xi1>, vector<1x128xf32>
    %mul3A_707 = arith.mulf %slice3A_698, %select_n3A_706 : vector<1x128xf32>
    %scan3A_708 = arith.constant 0 : i32
    %scan3A_709 = arith.constant 16 : i32
    %scan3A_710 = arith.addi %scan3A_708, %scan3A_709 : i32
    %scan3A_711 = arith.constant 1 : i32
    %scan3A_712 = scf.for %scan3A_881 = %scan3A_708 to %scan3A_710 step %scan3A_711 iter_args(%scan3A_882 = %mul3A_707) -> (vector<1x128xf32>)  : i32 {
      %mul3A_883 = arith.constant 8 : i32
      %mul3A_884 = arith.muli %scan3A_881, %mul3A_883 : i32
      %add3A_885 = arith.constant 896 : i32
      %add3A_886 = arith.addi %add3A_885, %mul3A_884 : i32
      %get3A_887 = arith.index_cast %add3A_886 : i32 to index
      %get3A_888 = arith.constant 0 : index
      %get3A_889 = vector.load %arg4[%get3A_887, %get3A_888] : memref<1024x128xf32, #tpu.memory_space<vmem>>, vector<8x128xf32>
      %mul3A_890 = arith.constant 8 : i32
      %mul3A_891 = arith.muli %scan3A_881, %mul3A_890 : i32
      %add3A_892 = arith.constant 0 : i32
      %add3A_893 = arith.addi %mul3A_891, %add3A_892 : i32
      %eq3A_894 = vector.broadcast %add3A_893 : i32 to vector<1x128xi32>
      %eq3A_895 = arith.cmpi eq, %iota3A_533, %eq3A_894 : vector<1x128xi32>
      %jit3A_896 = arith.constant 0.000000e+00 : f32
      %broadcast_in_dim3A_897 = vector.broadcast %jit3A_896 : f32 to vector<1x128xf32>
      %select_n3A_898 = arith.select %eq3A_895, %scan3A_882, %broadcast_in_dim3A_897 : vector<1x128xi1>, vector<1x128xf32>
      %reduce_max3A_899 = vector.shape_cast %select_n3A_898 : vector<1x128xf32> to vector<1x1x128xf32>
      %reduce_max3A_900 = arith.constant dense<0xFF800000> : vector<1xf32>
      %reduce_max3A_901 = vector.multi_reduction <maximumf>, %reduce_max3A_899, %reduce_max3A_900 [1, 2] : vector<1x1x128xf32> to vector<1xf32>
      %reduce_max3A_902 = vector.shape_cast %reduce_max3A_901 : vector<1xf32> to vector<1x1x1xf32>
      %reduce_max3A_903 = vector.extract %reduce_max3A_902[0, 0, 0] : f32 from vector<1x1x1xf32>
      %slice3A_904 = vector.extract_strided_slice %get3A_889 {offsets = [0, 0], sizes = [1, 128], strides = [1, 1]} : vector<8x128xf32> to vector<1x128xf32>
      %mul3A_905 = vector.broadcast %reduce_max3A_903 : f32 to vector<1x128xf32>
      %mul3A_906 = arith.mulf %slice3A_904, %mul3A_905 : vector<1x128xf32>
      %sub3A_907 = arith.constant 1.000000e+00 : f32
      %sub3A_908 = vector.broadcast %sub3A_907 : f32 to vector<1x128xf32>
      %sub3A_909 = arith.subf %sub3A_908, %mul3A_906 : vector<1x128xf32>
      %mul3A_910 = arith.mulf %scan3A_882, %sub3A_909 : vector<1x128xf32>
      %mul3A_911 = arith.constant 8 : i32
      %mul3A_912 = arith.muli %scan3A_881, %mul3A_911 : i32
      %add3A_913 = arith.constant 1 : i32
      %add3A_914 = arith.addi %mul3A_912, %add3A_913 : i32
      %eq3A_915 = vector.broadcast %add3A_914 : i32 to vector<1x128xi32>
      %eq3A_916 = arith.cmpi eq, %iota3A_533, %eq3A_915 : vector<1x128xi32>
      %jit3A_917 = arith.constant 0.000000e+00 : f32
      %broadcast_in_dim3A_918 = vector.broadcast %jit3A_917 : f32 to vector<1x128xf32>
      %select_n3A_919 = arith.select %eq3A_916, %mul3A_910, %broadcast_in_dim3A_918 : vector<1x128xi1>, vector<1x128xf32>
      %reduce_max3A_920 = vector.shape_cast %select_n3A_919 : vector<1x128xf32> to vector<1x1x128xf32>
      %reduce_max3A_921 = arith.constant dense<0xFF800000> : vector<1xf32>
      %reduce_max3A_922 = vector.multi_reduction <maximumf>, %reduce_max3A_920, %reduce_max3A_921 [1, 2] : vector<1x1x128xf32> to vector<1xf32>
      %reduce_max3A_923 = vector.shape_cast %reduce_max3A_922 : vector<1xf32> to vector<1x1x1xf32>
      %reduce_max3A_924 = vector.extract %reduce_max3A_923[0, 0, 0] : f32 from vector<1x1x1xf32>
      %slice3A_925 = vector.extract_strided_slice %get3A_889 {offsets = [1, 0], sizes = [1, 128], strides = [1, 1]} : vector<8x128xf32> to vector<1x128xf32>
      %mul3A_926 = vector.broadcast %reduce_max3A_924 : f32 to vector<1x128xf32>
      %mul3A_927 = arith.mulf %slice3A_925, %mul3A_926 : vector<1x128xf32>
      %sub3A_928 = arith.constant 1.000000e+00 : f32
      %sub3A_929 = vector.broadcast %sub3A_928 : f32 to vector<1x128xf32>
      %sub3A_930 = arith.subf %sub3A_929, %mul3A_927 : vector<1x128xf32>
      %mul3A_931 = arith.mulf %mul3A_910, %sub3A_930 : vector<1x128xf32>
      %mul3A_932 = arith.constant 8 : i32
      %mul3A_933 = arith.muli %scan3A_881, %mul3A_932 : i32
      %add3A_934 = arith.constant 2 : i32
      %add3A_935 = arith.addi %mul3A_933, %add3A_934 : i32
      %eq3A_936 = vector.broadcast %add3A_935 : i32 to vector<1x128xi32>
      %eq3A_937 = arith.cmpi eq, %iota3A_533, %eq3A_936 : vector<1x128xi32>
      %jit3A_938 = arith.constant 0.000000e+00 : f32
      %broadcast_in_dim3A_939 = vector.broadcast %jit3A_938 : f32 to vector<1x128xf32>
      %select_n3A_940 = arith.select %eq3A_937, %mul3A_931, %broadcast_in_dim3A_939 : vector<1x128xi1>, vector<1x128xf32>
      %reduce_max3A_941 = vector.shape_cast %select_n3A_940 : vector<1x128xf32> to vector<1x1x128xf32>
      %reduce_max3A_942 = arith.constant dense<0xFF800000> : vector<1xf32>
      %reduce_max3A_943 = vector.multi_reduction <maximumf>, %reduce_max3A_941, %reduce_max3A_942 [1, 2] : vector<1x1x128xf32> to vector<1xf32>
      %reduce_max3A_944 = vector.shape_cast %reduce_max3A_943 : vector<1xf32> to vector<1x1x1xf32>
      %reduce_max3A_945 = vector.extract %reduce_max3A_944[0, 0, 0] : f32 from vector<1x1x1xf32>
      %slice3A_946 = vector.extract_strided_slice %get3A_889 {offsets = [2, 0], sizes = [1, 128], strides = [1, 1]} : vector<8x128xf32> to vector<1x128xf32>
      %mul3A_947 = vector.broadcast %reduce_max3A_945 : f32 to vector<1x128xf32>
      %mul3A_948 = arith.mulf %slice3A_946, %mul3A_947 : vector<1x128xf32>
      %sub3A_949 = arith.constant 1.000000e+00 : f32
      %sub3A_950 = vector.broadcast %sub3A_949 : f32 to vector<1x128xf32>
      %sub3A_951 = arith.subf %sub3A_950, %mul3A_948 : vector<1x128xf32>
      %mul3A_952 = arith.mulf %mul3A_931, %sub3A_951 : vector<1x128xf32>
      %mul3A_953 = arith.constant 8 : i32
      %mul3A_954 = arith.muli %scan3A_881, %mul3A_953 : i32
      %add3A_955 = arith.constant 3 : i32
      %add3A_956 = arith.addi %mul3A_954, %add3A_955 : i32
      %eq3A_957 = vector.broadcast %add3A_956 : i32 to vector<1x128xi32>
      %eq3A_958 = arith.cmpi eq, %iota3A_533, %eq3A_957 : vector<1x128xi32>
      %jit3A_959 = arith.constant 0.000000e+00 : f32
      %broadcast_in_dim3A_960 = vector.broadcast %jit3A_959 : f32 to vector<1x128xf32>
      %select_n3A_961 = arith.select %eq3A_958, %mul3A_952, %broadcast_in_dim3A_960 : vector<1x128xi1>, vector<1x128xf32>
      %reduce_max3A_962 = vector.shape_cast %select_n3A_961 : vector<1x128xf32> to vector<1x1x128xf32>
      %reduce_max3A_963 = arith.constant dense<0xFF800000> : vector<1xf32>
      %reduce_max3A_964 = vector.multi_reduction <maximumf>, %reduce_max3A_962, %reduce_max3A_963 [1, 2] : vector<1x1x128xf32> to vector<1xf32>
      %reduce_max3A_965 = vector.shape_cast %reduce_max3A_964 : vector<1xf32> to vector<1x1x1xf32>
      %reduce_max3A_966 = vector.extract %reduce_max3A_965[0, 0, 0] : f32 from vector<1x1x1xf32>
      %slice3A_967 = vector.extract_strided_slice %get3A_889 {offsets = [3, 0], sizes = [1, 128], strides = [1, 1]} : vector<8x128xf32> to vector<1x128xf32>
      %mul3A_968 = vector.broadcast %reduce_max3A_966 : f32 to vector<1x128xf32>
      %mul3A_969 = arith.mulf %slice3A_967, %mul3A_968 : vector<1x128xf32>
      %sub3A_970 = arith.constant 1.000000e+00 : f32
      %sub3A_971 = vector.broadcast %sub3A_970 : f32 to vector<1x128xf32>
      %sub3A_972 = arith.subf %sub3A_971, %mul3A_969 : vector<1x128xf32>
      %mul3A_973 = arith.mulf %mul3A_952, %sub3A_972 : vector<1x128xf32>
      %mul3A_974 = arith.constant 8 : i32
      %mul3A_975 = arith.muli %scan3A_881, %mul3A_974 : i32
      %add3A_976 = arith.constant 4 : i32
      %add3A_977 = arith.addi %mul3A_975, %add3A_976 : i32
      %eq3A_978 = vector.broadcast %add3A_977 : i32 to vector<1x128xi32>
      %eq3A_979 = arith.cmpi eq, %iota3A_533, %eq3A_978 : vector<1x128xi32>
      %jit3A_980 = arith.constant 0.000000e+00 : f32
      %broadcast_in_dim3A_981 = vector.broadcast %jit3A_980 : f32 to vector<1x128xf32>
      %select_n3A_982 = arith.select %eq3A_979, %mul3A_973, %broadcast_in_dim3A_981 : vector<1x128xi1>, vector<1x128xf32>
      %reduce_max3A_983 = vector.shape_cast %select_n3A_982 : vector<1x128xf32> to vector<1x1x128xf32>
      %reduce_max3A_984 = arith.constant dense<0xFF800000> : vector<1xf32>
      %reduce_max3A_985 = vector.multi_reduction <maximumf>, %reduce_max3A_983, %reduce_max3A_984 [1, 2] : vector<1x1x128xf32> to vector<1xf32>
      %reduce_max3A_986 = vector.shape_cast %reduce_max3A_985 : vector<1xf32> to vector<1x1x1xf32>
      %reduce_max3A_987 = vector.extract %reduce_max3A_986[0, 0, 0] : f32 from vector<1x1x1xf32>
      %slice3A_988 = vector.extract_strided_slice %get3A_889 {offsets = [4, 0], sizes = [1, 128], strides = [1, 1]} : vector<8x128xf32> to vector<1x128xf32>
      %mul3A_989 = vector.broadcast %reduce_max3A_987 : f32 to vector<1x128xf32>
      %mul3A_990 = arith.mulf %slice3A_988, %mul3A_989 : vector<1x128xf32>
      %sub3A_991 = arith.constant 1.000000e+00 : f32
      %sub3A_992 = vector.broadcast %sub3A_991 : f32 to vector<1x128xf32>
      %sub3A_993 = arith.subf %sub3A_992, %mul3A_990 : vector<1x128xf32>
      %mul3A_994 = arith.mulf %mul3A_973, %sub3A_993 : vector<1x128xf32>
      %mul3A_995 = arith.constant 8 : i32
      %mul3A_996 = arith.muli %scan3A_881, %mul3A_995 : i32
      %add3A_997 = arith.constant 5 : i32
      %add3A_998 = arith.addi %mul3A_996, %add3A_997 : i32
      %eq3A_999 = vector.broadcast %add3A_998 : i32 to vector<1x128xi32>
      %eq3A_1000 = arith.cmpi eq, %iota3A_533, %eq3A_999 : vector<1x128xi32>
      %jit3A_1001 = arith.constant 0.000000e+00 : f32
      %broadcast_in_dim3A_1002 = vector.broadcast %jit3A_1001 : f32 to vector<1x128xf32>
      %select_n3A_1003 = arith.select %eq3A_1000, %mul3A_994, %broadcast_in_dim3A_1002 : vector<1x128xi1>, vector<1x128xf32>
      %reduce_max3A_1004 = vector.shape_cast %select_n3A_1003 : vector<1x128xf32> to vector<1x1x128xf32>
      %reduce_max3A_1005 = arith.constant dense<0xFF800000> : vector<1xf32>
      %reduce_max3A_1006 = vector.multi_reduction <maximumf>, %reduce_max3A_1004, %reduce_max3A_1005 [1, 2] : vector<1x1x128xf32> to vector<1xf32>
      %reduce_max3A_1007 = vector.shape_cast %reduce_max3A_1006 : vector<1xf32> to vector<1x1x1xf32>
      %reduce_max3A_1008 = vector.extract %reduce_max3A_1007[0, 0, 0] : f32 from vector<1x1x1xf32>
      %slice3A_1009 = vector.extract_strided_slice %get3A_889 {offsets = [5, 0], sizes = [1, 128], strides = [1, 1]} : vector<8x128xf32> to vector<1x128xf32>
      %mul3A_1010 = vector.broadcast %reduce_max3A_1008 : f32 to vector<1x128xf32>
      %mul3A_1011 = arith.mulf %slice3A_1009, %mul3A_1010 : vector<1x128xf32>
      %sub3A_1012 = arith.constant 1.000000e+00 : f32
      %sub3A_1013 = vector.broadcast %sub3A_1012 : f32 to vector<1x128xf32>
      %sub3A_1014 = arith.subf %sub3A_1013, %mul3A_1011 : vector<1x128xf32>
      %mul3A_1015 = arith.mulf %mul3A_994, %sub3A_1014 : vector<1x128xf32>
      %mul3A_1016 = arith.constant 8 : i32
      %mul3A_1017 = arith.muli %scan3A_881, %mul3A_1016 : i32
      %add3A_1018 = arith.constant 6 : i32
      %add3A_1019 = arith.addi %mul3A_1017, %add3A_1018 : i32
      %eq3A_1020 = vector.broadcast %add3A_1019 : i32 to vector<1x128xi32>
      %eq3A_1021 = arith.cmpi eq, %iota3A_533, %eq3A_1020 : vector<1x128xi32>
      %jit3A_1022 = arith.constant 0.000000e+00 : f32
      %broadcast_in_dim3A_1023 = vector.broadcast %jit3A_1022 : f32 to vector<1x128xf32>
      %select_n3A_1024 = arith.select %eq3A_1021, %mul3A_1015, %broadcast_in_dim3A_1023 : vector<1x128xi1>, vector<1x128xf32>
      %reduce_max3A_1025 = vector.shape_cast %select_n3A_1024 : vector<1x128xf32> to vector<1x1x128xf32>
      %reduce_max3A_1026 = arith.constant dense<0xFF800000> : vector<1xf32>
      %reduce_max3A_1027 = vector.multi_reduction <maximumf>, %reduce_max3A_1025, %reduce_max3A_1026 [1, 2] : vector<1x1x128xf32> to vector<1xf32>
      %reduce_max3A_1028 = vector.shape_cast %reduce_max3A_1027 : vector<1xf32> to vector<1x1x1xf32>
      %reduce_max3A_1029 = vector.extract %reduce_max3A_1028[0, 0, 0] : f32 from vector<1x1x1xf32>
      %slice3A_1030 = vector.extract_strided_slice %get3A_889 {offsets = [6, 0], sizes = [1, 128], strides = [1, 1]} : vector<8x128xf32> to vector<1x128xf32>
      %mul3A_1031 = vector.broadcast %reduce_max3A_1029 : f32 to vector<1x128xf32>
      %mul3A_1032 = arith.mulf %slice3A_1030, %mul3A_1031 : vector<1x128xf32>
      %sub3A_1033 = arith.constant 1.000000e+00 : f32
      %sub3A_1034 = vector.broadcast %sub3A_1033 : f32 to vector<1x128xf32>
      %sub3A_1035 = arith.subf %sub3A_1034, %mul3A_1032 : vector<1x128xf32>
      %mul3A_1036 = arith.mulf %mul3A_1015, %sub3A_1035 : vector<1x128xf32>
      %mul3A_1037 = arith.constant 8 : i32
      %mul3A_1038 = arith.muli %scan3A_881, %mul3A_1037 : i32
      %add3A_1039 = arith.constant 7 : i32
      %add3A_1040 = arith.addi %mul3A_1038, %add3A_1039 : i32
      %eq3A_1041 = vector.broadcast %add3A_1040 : i32 to vector<1x128xi32>
      %eq3A_1042 = arith.cmpi eq, %iota3A_533, %eq3A_1041 : vector<1x128xi32>
      %jit3A_1043 = arith.constant 0.000000e+00 : f32
      %broadcast_in_dim3A_1044 = vector.broadcast %jit3A_1043 : f32 to vector<1x128xf32>
      %select_n3A_1045 = arith.select %eq3A_1042, %mul3A_1036, %broadcast_in_dim3A_1044 : vector<1x128xi1>, vector<1x128xf32>
      %reduce_max3A_1046 = vector.shape_cast %select_n3A_1045 : vector<1x128xf32> to vector<1x1x128xf32>
      %reduce_max3A_1047 = arith.constant dense<0xFF800000> : vector<1xf32>
      %reduce_max3A_1048 = vector.multi_reduction <maximumf>, %reduce_max3A_1046, %reduce_max3A_1047 [1, 2] : vector<1x1x128xf32> to vector<1xf32>
      %reduce_max3A_1049 = vector.shape_cast %reduce_max3A_1048 : vector<1xf32> to vector<1x1x1xf32>
      %reduce_max3A_1050 = vector.extract %reduce_max3A_1049[0, 0, 0] : f32 from vector<1x1x1xf32>
      %slice3A_1051 = vector.extract_strided_slice %get3A_889 {offsets = [7, 0], sizes = [1, 128], strides = [1, 1]} : vector<8x128xf32> to vector<1x128xf32>
      %mul3A_1052 = vector.broadcast %reduce_max3A_1050 : f32 to vector<1x128xf32>
      %mul3A_1053 = arith.mulf %slice3A_1051, %mul3A_1052 : vector<1x128xf32>
      %sub3A_1054 = arith.constant 1.000000e+00 : f32
      %sub3A_1055 = vector.broadcast %sub3A_1054 : f32 to vector<1x128xf32>
      %sub3A_1056 = arith.subf %sub3A_1055, %mul3A_1053 : vector<1x128xf32>
      %mul3A_1057 = arith.mulf %mul3A_1036, %sub3A_1056 : vector<1x128xf32>
      scf.yield %mul3A_1057 : vector<1x128xf32>
    }
    %scan3A_713 = arith.constant 16 : i32
    %concatenate3A_714 = tpu.concatenate %scan3A_538, %scan3A_563, %scan3A_588, %scan3A_613, %scan3A_638, %scan3A_663, %scan3A_688, %scan3A_712 in 1 : vector<1x128xf32>, vector<1x128xf32>, vector<1x128xf32>, vector<1x128xf32>, vector<1x128xf32>, vector<1x128xf32>, vector<1x128xf32>, vector<1x128xf32> -> vector<1x1024xf32>
    %iota3A_715 = tpu.iota {dimensions = array<i32: 0>} : vector<128x1024xi32>
    %add3A_716 = arith.constant 0 : i32
    %add3A_717 = vector.broadcast %add3A_716 : i32 to vector<128x1024xi32>
    %add3A_718 = arith.addi %iota3A_715, %add3A_717 : vector<128x1024xi32>
    %iota3A_719 = tpu.iota {dimensions = array<i32: 1>} : vector<128x1024xi32>
    %le3A = arith.cmpi sle, %add3A_718, %iota3A_719 : vector<128x1024xi32>
    %jit3A_720 = arith.constant 1.000000e+00 : f32
    %jit3A_721 = arith.constant 0.000000e+00 : f32
    %broadcast_in_dim3A_722 = vector.broadcast %jit3A_720 : f32 to vector<128x1024xf32>
    %broadcast_in_dim3A_723 = vector.broadcast %jit3A_721 : f32 to vector<128x1024xf32>
    %select_n3A_724 = arith.select %le3A, %broadcast_in_dim3A_722, %broadcast_in_dim3A_723 : vector<128x1024xi1>, vector<128x1024xf32>
    %swap3A_725 = arith.constant 0 : index
    %swap3A_726 = arith.constant 0 : index
    %swap3A_727 = vector.load %arg3[%swap3A_725, %swap3A_726] : memref<1024x1024xf32, #tpu.memory_space<vmem>>, vector<128x1024xf32>
    tpu.vector_store %arg3[%swap3A_725, %swap3A_726], %select_n3A_724 {strides = array<i32>} : memref<1024x1024xf32, #tpu.memory_space<vmem>>, vector<128x1024xf32>,
    %iota3A_728 = tpu.iota {dimensions = array<i32: 0>} : vector<128x1024xi32>
    %add3A_729 = arith.constant 128 : i32
    %add3A_730 = vector.broadcast %add3A_729 : i32 to vector<128x1024xi32>
    %add3A_731 = arith.addi %iota3A_728, %add3A_730 : vector<128x1024xi32>
    %iota3A_732 = tpu.iota {dimensions = array<i32: 1>} : vector<128x1024xi32>
    %le3A_733 = arith.cmpi sle, %add3A_731, %iota3A_732 : vector<128x1024xi32>
    %jit3A_734 = arith.constant 1.000000e+00 : f32
    %jit3A_735 = arith.constant 0.000000e+00 : f32
    %broadcast_in_dim3A_736 = vector.broadcast %jit3A_734 : f32 to vector<128x1024xf32>
    %broadcast_in_dim3A_737 = vector.broadcast %jit3A_735 : f32 to vector<128x1024xf32>
    %select_n3A_738 = arith.select %le3A_733, %broadcast_in_dim3A_736, %broadcast_in_dim3A_737 : vector<128x1024xi1>, vector<128x1024xf32>
    %swap3A_739 = arith.constant 128 : index
    %swap3A_740 = arith.constant 0 : index
    %swap3A_741 = vector.load %arg3[%swap3A_739, %swap3A_740] : memref<1024x1024xf32, #tpu.memory_space<vmem>>, vector<128x1024xf32>
    tpu.vector_store %arg3[%swap3A_739, %swap3A_740], %select_n3A_738 {strides = array<i32>} : memref<1024x1024xf32, #tpu.memory_space<vmem>>, vector<128x1024xf32>,
    %iota3A_742 = tpu.iota {dimensions = array<i32: 0>} : vector<128x1024xi32>
    %add3A_743 = arith.constant 256 : i32
    %add3A_744 = vector.broadcast %add3A_743 : i32 to vector<128x1024xi32>
    %add3A_745 = arith.addi %iota3A_742, %add3A_744 : vector<128x1024xi32>
    %iota3A_746 = tpu.iota {dimensions = array<i32: 1>} : vector<128x1024xi32>
    %le3A_747 = arith.cmpi sle, %add3A_745, %iota3A_746 : vector<128x1024xi32>
    %jit3A_748 = arith.constant 1.000000e+00 : f32
    %jit3A_749 = arith.constant 0.000000e+00 : f32
    %broadcast_in_dim3A_750 = vector.broadcast %jit3A_748 : f32 to vector<128x1024xf32>
    %broadcast_in_dim3A_751 = vector.broadcast %jit3A_749 : f32 to vector<128x1024xf32>
    %select_n3A_752 = arith.select %le3A_747, %broadcast_in_dim3A_750, %broadcast_in_dim3A_751 : vector<128x1024xi1>, vector<128x1024xf32>
    %swap3A_753 = arith.constant 256 : index
    %swap3A_754 = arith.constant 0 : index
    %swap3A_755 = vector.load %arg3[%swap3A_753, %swap3A_754] : memref<1024x1024xf32, #tpu.memory_space<vmem>>, vector<128x1024xf32>
    tpu.vector_store %arg3[%swap3A_753, %swap3A_754], %select_n3A_752 {strides = array<i32>} : memref<1024x1024xf32, #tpu.memory_space<vmem>>, vector<128x1024xf32>,
    %iota3A_756 = tpu.iota {dimensions = array<i32: 0>} : vector<128x1024xi32>
    %add3A_757 = arith.constant 384 : i32
    %add3A_758 = vector.broadcast %add3A_757 : i32 to vector<128x1024xi32>
    %add3A_759 = arith.addi %iota3A_756, %add3A_758 : vector<128x1024xi32>
    %iota3A_760 = tpu.iota {dimensions = array<i32: 1>} : vector<128x1024xi32>
    %le3A_761 = arith.cmpi sle, %add3A_759, %iota3A_760 : vector<128x1024xi32>
    %jit3A_762 = arith.constant 1.000000e+00 : f32
    %jit3A_763 = arith.constant 0.000000e+00 : f32
    %broadcast_in_dim3A_764 = vector.broadcast %jit3A_762 : f32 to vector<128x1024xf32>
    %broadcast_in_dim3A_765 = vector.broadcast %jit3A_763 : f32 to vector<128x1024xf32>
    %select_n3A_766 = arith.select %le3A_761, %broadcast_in_dim3A_764, %broadcast_in_dim3A_765 : vector<128x1024xi1>, vector<128x1024xf32>
    %swap3A_767 = arith.constant 384 : index
    %swap3A_768 = arith.constant 0 : index
    %swap3A_769 = vector.load %arg3[%swap3A_767, %swap3A_768] : memref<1024x1024xf32, #tpu.memory_space<vmem>>, vector<128x1024xf32>
    tpu.vector_store %arg3[%swap3A_767, %swap3A_768], %select_n3A_766 {strides = array<i32>} : memref<1024x1024xf32, #tpu.memory_space<vmem>>, vector<128x1024xf32>,
    %iota3A_770 = tpu.iota {dimensions = array<i32: 0>} : vector<128x1024xi32>
    %add3A_771 = arith.constant 512 : i32
    %add3A_772 = vector.broadcast %add3A_771 : i32 to vector<128x1024xi32>
    %add3A_773 = arith.addi %iota3A_770, %add3A_772 : vector<128x1024xi32>
    %iota3A_774 = tpu.iota {dimensions = array<i32: 1>} : vector<128x1024xi32>
    %le3A_775 = arith.cmpi sle, %add3A_773, %iota3A_774 : vector<128x1024xi32>
    %jit3A_776 = arith.constant 1.000000e+00 : f32
    %jit3A_777 = arith.constant 0.000000e+00 : f32
    %broadcast_in_dim3A_778 = vector.broadcast %jit3A_776 : f32 to vector<128x1024xf32>
    %broadcast_in_dim3A_779 = vector.broadcast %jit3A_777 : f32 to vector<128x1024xf32>
    %select_n3A_780 = arith.select %le3A_775, %broadcast_in_dim3A_778, %broadcast_in_dim3A_779 : vector<128x1024xi1>, vector<128x1024xf32>
    %swap3A_781 = arith.constant 512 : index
    %swap3A_782 = arith.constant 0 : index
    %swap3A_783 = vector.load %arg3[%swap3A_781, %swap3A_782] : memref<1024x1024xf32, #tpu.memory_space<vmem>>, vector<128x1024xf32>
    tpu.vector_store %arg3[%swap3A_781, %swap3A_782], %select_n3A_780 {strides = array<i32>} : memref<1024x1024xf32, #tpu.memory_space<vmem>>, vector<128x1024xf32>,
    %iota3A_784 = tpu.iota {dimensions = array<i32: 0>} : vector<128x1024xi32>
    %add3A_785 = arith.constant 640 : i32
    %add3A_786 = vector.broadcast %add3A_785 : i32 to vector<128x1024xi32>
    %add3A_787 = arith.addi %iota3A_784, %add3A_786 : vector<128x1024xi32>
    %iota3A_788 = tpu.iota {dimensions = array<i32: 1>} : vector<128x1024xi32>
    %le3A_789 = arith.cmpi sle, %add3A_787, %iota3A_788 : vector<128x1024xi32>
    %jit3A_790 = arith.constant 1.000000e+00 : f32
    %jit3A_791 = arith.constant 0.000000e+00 : f32
    %broadcast_in_dim3A_792 = vector.broadcast %jit3A_790 : f32 to vector<128x1024xf32>
    %broadcast_in_dim3A_793 = vector.broadcast %jit3A_791 : f32 to vector<128x1024xf32>
    %select_n3A_794 = arith.select %le3A_789, %broadcast_in_dim3A_792, %broadcast_in_dim3A_793 : vector<128x1024xi1>, vector<128x1024xf32>
    %swap3A_795 = arith.constant 640 : index
    %swap3A_796 = arith.constant 0 : index
    %swap3A_797 = vector.load %arg3[%swap3A_795, %swap3A_796] : memref<1024x1024xf32, #tpu.memory_space<vmem>>, vector<128x1024xf32>
    tpu.vector_store %arg3[%swap3A_795, %swap3A_796], %select_n3A_794 {strides = array<i32>} : memref<1024x1024xf32, #tpu.memory_space<vmem>>, vector<128x1024xf32>,
    %iota3A_798 = tpu.iota {dimensions = array<i32: 0>} : vector<128x1024xi32>
    %add3A_799 = arith.constant 768 : i32
    %add3A_800 = vector.broadcast %add3A_799 : i32 to vector<128x1024xi32>
    %add3A_801 = arith.addi %iota3A_798, %add3A_800 : vector<128x1024xi32>
    %iota3A_802 = tpu.iota {dimensions = array<i32: 1>} : vector<128x1024xi32>
    %le3A_803 = arith.cmpi sle, %add3A_801, %iota3A_802 : vector<128x1024xi32>
    %jit3A_804 = arith.constant 1.000000e+00 : f32
    %jit3A_805 = arith.constant 0.000000e+00 : f32
    %broadcast_in_dim3A_806 = vector.broadcast %jit3A_804 : f32 to vector<128x1024xf32>
    %broadcast_in_dim3A_807 = vector.broadcast %jit3A_805 : f32 to vector<128x1024xf32>
    %select_n3A_808 = arith.select %le3A_803, %broadcast_in_dim3A_806, %broadcast_in_dim3A_807 : vector<128x1024xi1>, vector<128x1024xf32>
    %swap3A_809 = arith.constant 768 : index
    %swap3A_810 = arith.constant 0 : index
    %swap3A_811 = vector.load %arg3[%swap3A_809, %swap3A_810] : memref<1024x1024xf32, #tpu.memory_space<vmem>>, vector<128x1024xf32>
    tpu.vector_store %arg3[%swap3A_809, %swap3A_810], %select_n3A_808 {strides = array<i32>} : memref<1024x1024xf32, #tpu.memory_space<vmem>>, vector<128x1024xf32>,
    %iota3A_812 = tpu.iota {dimensions = array<i32: 0>} : vector<128x1024xi32>
    %add3A_813 = arith.constant 896 : i32
    %add3A_814 = vector.broadcast %add3A_813 : i32 to vector<128x1024xi32>
    %add3A_815 = arith.addi %iota3A_812, %add3A_814 : vector<128x1024xi32>
    %iota3A_816 = tpu.iota {dimensions = array<i32: 1>} : vector<128x1024xi32>
    %le3A_817 = arith.cmpi sle, %add3A_815, %iota3A_816 : vector<128x1024xi32>
    %jit3A_818 = arith.constant 1.000000e+00 : f32
    %jit3A_819 = arith.constant 0.000000e+00 : f32
    %broadcast_in_dim3A_820 = vector.broadcast %jit3A_818 : f32 to vector<128x1024xf32>
    %broadcast_in_dim3A_821 = vector.broadcast %jit3A_819 : f32 to vector<128x1024xf32>
    %select_n3A_822 = arith.select %le3A_817, %broadcast_in_dim3A_820, %broadcast_in_dim3A_821 : vector<128x1024xi1>, vector<128x1024xf32>
    %swap3A_823 = arith.constant 896 : index
    %swap3A_824 = arith.constant 0 : index
    %swap3A_825 = vector.load %arg3[%swap3A_823, %swap3A_824] : memref<1024x1024xf32, #tpu.memory_space<vmem>>, vector<128x1024xf32>
    tpu.vector_store %arg3[%swap3A_823, %swap3A_824], %select_n3A_822 {strides = array<i32>} : memref<1024x1024xf32, #tpu.memory_space<vmem>>, vector<128x1024xf32>,
    %broadcast_in_dim3A_826 = vector.shape_cast %concatenate3A_714 : vector<1x1024xf32> to vector<1x1024xf32>
    %broadcast_in_dim3A_827 = vector.broadcast %broadcast_in_dim3A_826 : vector<1x1024xf32> to vector<8x1024xf32>
    %get3A_828 = arith.constant 0 : index
    %get3A_829 = arith.constant 0 : index
    %get3A_830 = vector.load %arg3[%get3A_828, %get3A_829] : memref<1024x1024xf32, #tpu.memory_space<vmem>>, vector<1024x1024xf32>
    %dot_general3A_831 = arith.constant dense<0.000000e+00> : vector<8x1024xf32>
    %dot_general3A_832 = tpu.matmul %broadcast_in_dim3A_827, %get3A_830, %dot_general3A_831 {dimension_numbers = #tpu.dot_dimension_numbers<[1], [0], [0], [1], [0, 0, 1, 1], [], []>, precision = #tpu.contract_precision<fp32>, transpose_lhs_hint = false} : vector<8x1024xf32>, vector<1024x1024xf32>, vector<8x1024xf32> -> vector<8x1024xf32>
    %slice3A_833 = vector.extract_strided_slice %dot_general3A_832 {offsets = [0, 0], sizes = [1, 1024], strides = [1, 1]} : vector<8x1024xf32> to vector<1x1024xf32>
    %swap3A_834 = arith.constant 0 : index
    %swap3A_835 = arith.constant 0 : index
    %swap3A_836 = vector.load %arg5[%swap3A_834, %swap3A_835] : memref<1024x8xf32, #tpu.memory_space<vmem>>, vector<1024x2xf32>
    tpu.vector_store %arg5[%swap3A_834, %swap3A_835], %sub3A {strides = array<i32>} : memref<1024x8xf32, #tpu.memory_space<vmem>>, vector<1024x2xf32>,
    %swap3A_837 = arith.constant 0 : index
    %swap3A_838 = arith.constant 2 : index
    %swap3A_839 = vector.load %arg5[%swap3A_837, %swap3A_838] : memref<1024x8xf32, #tpu.memory_space<vmem>>, vector<1024x2xf32>
    tpu.vector_store %arg5[%swap3A_837, %swap3A_838], %add3A {strides = array<i32>} : memref<1024x8xf32, #tpu.memory_space<vmem>>, vector<1024x2xf32>,
    %swap3A_840 = arith.constant 0 : index
    %swap3A_841 = arith.constant 4 : index
    %swap3A_842 = vector.load %arg5[%swap3A_840, %swap3A_841] : memref<1024x8xf32, #tpu.memory_space<vmem>>, vector<1024x1xf32>
    tpu.vector_store %arg5[%swap3A_840, %swap3A_841], %broadcast_in_dim3A {strides = array<i32>} : memref<1024x8xf32, #tpu.memory_space<vmem>>, vector<1024x1xf32>,
    %swap3A_843 = arith.constant 0 : index
    %swap3A_844 = arith.constant 5 : index
    %swap3A_845 = vector.load %arg5[%swap3A_843, %swap3A_844] : memref<1024x8xf32, #tpu.memory_space<vmem>>, vector<1024x1xf32>
    tpu.vector_store %arg5[%swap3A_843, %swap3A_844], %convert_element_type3A {strides = array<i32>} : memref<1024x8xf32, #tpu.memory_space<vmem>>, vector<1024x1xf32>,
    %broadcast_in_dim3A_846 = arith.constant 0.000000e+00 : f32
    %broadcast_in_dim3A_847 = vector.broadcast %broadcast_in_dim3A_846 : f32 to vector<1024x2xf32>
    %swap3A_848 = arith.constant 0 : index
    %swap3A_849 = arith.constant 6 : index
    %swap3A_850 = vector.load %arg5[%swap3A_848, %swap3A_849] : memref<1024x8xf32, #tpu.memory_space<vmem>>, vector<1024x2xf32>
    tpu.vector_store %arg5[%swap3A_848, %swap3A_849], %broadcast_in_dim3A_847 {strides = array<i32>} : memref<1024x8xf32, #tpu.memory_space<vmem>>, vector<1024x2xf32>,
    %iota3A_851 = tpu.iota {dimensions = array<i32: 0>} : vector<304x1024xi32>
    %add3A_852 = arith.constant 1 : i32
    %add3A_853 = vector.broadcast %add3A_852 : i32 to vector<304x1024xi32>
    %add3A_854 = arith.addi %iota3A_851, %add3A_853 : vector<304x1024xi32>
    %convert_element_type3A_855 = arith.sitofp %add3A_854 : vector<304x1024xi32> to vector<304x1024xf32>
    %broadcast_in_dim3A_856 = vector.shape_cast %slice3A_833 : vector<1x1024xf32> to vector<1x1024xf32>
    %broadcast_in_dim3A_857 = vector.broadcast %broadcast_in_dim3A_856 : vector<1x1024xf32> to vector<304x1024xf32>
    %eq3A_858 = arith.cmpf oeq, %broadcast_in_dim3A_857, %convert_element_type3A_855 : vector<304x1024xf32>
    %broadcast_in_dim3A_859 = vector.shape_cast %concatenate3A_714 : vector<1x1024xf32> to vector<1x1024xf32>
    %broadcast_in_dim3A_860 = vector.broadcast %broadcast_in_dim3A_859 : vector<1x1024xf32> to vector<304x1024xf32>
    %gt3A_861 = arith.constant 0.000000e+00 : f32
    %gt3A_862 = vector.broadcast %gt3A_861 : f32 to vector<304x1024xf32>
    %gt3A_863 = arith.cmpf ogt, %broadcast_in_dim3A_860, %gt3A_862 : vector<304x1024xf32>
    %and3A_864 = arith.andi %eq3A_858, %gt3A_863 : vector<304x1024xi1>
    %jit3A_865 = arith.constant 1.000000e+00 : f32
    %jit3A_866 = arith.constant 0.000000e+00 : f32
    %broadcast_in_dim3A_867 = vector.broadcast %jit3A_865 : f32 to vector<304x1024xf32>
    %broadcast_in_dim3A_868 = vector.broadcast %jit3A_866 : f32 to vector<304x1024xf32>
    %select_n3A_869 = arith.select %and3A_864, %broadcast_in_dim3A_867, %broadcast_in_dim3A_868 : vector<304x1024xi1>, vector<304x1024xf32>
    %get3A_870 = arith.constant 0 : index
    %get3A_871 = arith.constant 0 : index
    %get3A_872 = vector.load %arg5[%get3A_870, %get3A_871] : memref<1024x8xf32, #tpu.memory_space<vmem>>, vector<1024x8xf32>
    %dot_general3A_873 = arith.constant dense<0.000000e+00> : vector<304x8xf32>
    %dot_general3A_874 = tpu.matmul %select_n3A_869, %get3A_872, %dot_general3A_873 {dimension_numbers = #tpu.dot_dimension_numbers<[1], [0], [0], [1], [0, 0, 1, 1], [], []>, precision = #tpu.contract_precision<fp32>, transpose_lhs_hint = false} : vector<304x1024xf32>, vector<1024x8xf32>, vector<304x8xf32> -> vector<304x8xf32>
    %swap3A_875 = arith.constant 0 : index
    %swap3A_876 = arith.constant 0 : index
    %swap3A_877 = arith.constant 0 : index
    %swap3A_878 = vector.load %arg2[%swap3A_875, %swap3A_876, %swap3A_877] : memref<1x304x8xf32, #tpu.memory_space<vmem>>, vector<1x304x8xf32>
    %swap3A_879 = vector.shape_cast %swap3A_878 : vector<1x304x8xf32> to vector<304x8xf32>
    %swap3A_880 = vector.shape_cast %dot_general3A_874 : vector<304x8xf32> to vector<1x304x8xf32>
    tpu.vector_store %arg2[%swap3A_875, %swap3A_876, %swap3A_877], %swap3A_880 {strides = array<i32>} : memref<1x304x8xf32, #tpu.memory_space<vmem>>, vector<1x304x8xf32>,
    return
  }
  func.func @transform_0(%arg0: i32) -> (i32, i32, i32) {
    %c0_i32 = arith.constant 0 : i32
    %c0_i32_0 = arith.constant 0 : i32
    %c0_i32_1 = arith.constant 0 : i32
    return %arg0, %c0_i32, %c0_i32_0 : i32, i32, i32
  }
  func.func @transform_1(%arg0: i32) -> (i32, i32, i32) {
    %c0_i32 = arith.constant 0 : i32
    %c0_i32_0 = arith.constant 0 : i32
    %c0_i32_1 = arith.constant 0 : i32
    return %arg0, %c0_i32, %c0_i32_0 : i32, i32, i32
  }
}

</mosaic_0001>

<sc_bundles>
// kernel: gather_offload_async_start
scs
__scs_entry_jumppad:
0x0: {  	(pc) =	sbr.rel $0x88, $3  }
0x1: {  	(tag) =	ssettag $0x0;
	lr =	simm.s32 $0x1  }
0x2: {  	[smem:$0x3FA0] =	sst lr;
	_ =	strace $0xD0000000  }
0x3: {  	_ = 	snop  }
0x4: {  	_ = 	snop  }
0x5: {  	_ = 	snop  }
0x6: {  	_ = 	snop  }
0x7: {  	_ = 	snop  }
__scs_overlays_trampoline_lowered:
0x8: {  	[smem:$0x3FAF] =	sst s0  }
0x9: {  	[smem:$0x3FB0] =	sst s1  }
0xa: {  	[smem:$0x3FB1] =	sst s2  }
0xb: {  	[smem:$0x3FB2] =	sst s3  }
0xc: {  	[smem:$0x3FB3] =	sst s4  }
0xd: {  	[smem:$0x3FB4] =	sst s5  }
0xe: {  	[smem:$0x3FB5] =	sst s6  }
0xf: {  	[smem:$0x3FB6] =	sst s7  }
0x10: {  	[smem:$0x3FB7] =	sst s8  }
0x11: {  	[smem:$0x3FB8] =	sst s9;
	s0 =	simm.s32 @!p0 $0x0  }
0x12: {  	s1 =	sld [smem:$0x3F9E];
	s0 =	simm.s32 @p0 $0x1  }
0x13: {  	[smem:$0x3FB9] =	sst s0;
	s0 =	simm.s32 @!p1 $0x0  }
0x14: {  	s2 =	sld [smem:$0x3F9D];
	s0 =	simm.s32 @p1 $0x1  }
0x15: {  	[smem:$0x3FBA] =	sst s0;
	s0 =	simm.s32 @!p2 $0x0  }
0x16: {  	s3 =	sld [smem:$0x3FDB];
	s0 =	simm.s32 @p2 $0x1  }
0x17: {  	s4 =	simm.s32 $0x1BF5;
	[smem:$0x3FBC] =	sst s0  }
0x18: {  	s0 =	sld [smem:$0x3F9F];
	_ =	swait.ge [sflag:s4], $0x0  }
0x19: {  	s7 =	sld [smem:$0x3FA0]  }
0x1a: {  	s8 =	sadd.s32 $0xFFFFE003, lr  }
0x1b: {  	s9 =	sadd.s32 $0xFFFFFEF7, lr;
	s5 =	simm.s32 $0xFFFFFFFF;
	p2 =	slt.u32 s8, $0xFFFFF086  }
0x1c: {  	p1 =	slt.u32 s9, $0xF7A;
	s5 =	simm.s32 @!p2 $0x0  }
0x1d: {  	s5 =	simm.s32 @p1 $0x1;
	p0 =	seq.s32 s7, s2  }
0x1e: {  	s7 =	smul.u32 @!p0 $0xF7A, s2;
	p2 =	seq.s32 @!p0 s5, $0x0  }
0x1f: {  	s9 =	smul.u32 $0xF7A, s1;
	s8 =	simm.s32 @!p0 $0x1BF5;
	p2 =	por !p2, p0  }
0x20: {  	[sflag:s8] =	ssyncset.s32 @!p0 $0xFFFFF086;
	s6 =	sadd.s32 @!p0 s3, s7;
	s7 =	simm.s32 @!p0 $0x108  }
0x21: {  	s3 =	sadd.s32 s3, s9;
	s6 =	sadd.s32 @!p0 $0x88, s6;
	s7 =	simm.s32 @p2 $0x1082  }
0x22: {  	[simem:s7], [sflag:s8] =	dma.local @!p0 [hbm:s6], $0xF7A  }
0x23: {  	s9 =	sor.u32 $0xD0000000, s2;
	s6 =	simm.s32 $0x108;
	_ =	swait.ge @!p0 [sflag:s8], $0x0  }
0x24: {  	s3 =	sadd.s32 $0x88, s3;
	s6 =	simm.s32 @!p1 $0x1082;
	[sflag:s4] =	ssyncset.s32 $0xFFFFF086  }
0x25: {  	[simem:s6], [sflag:s4] =	dma.local [hbm:s3], $0xF7A  }
0x26: {  	[smem:$0x3FA0] =	sst s1;
	(tag) =	ssettag s2;
	_ =	strace s9  }
0x27: {  	s1 =	sld [smem:$0x3FB0]  }
0x28: {  	s2 =	sld [smem:$0x3FB1]  }
0x29: {  	s4 =	sld [smem:$0x3FB3]  }
0x2a: {  	p0 =	seq.s32 s5, $0x0;
	s5 =	sld [smem:$0x3FB4]  }
0x2b: {  	s6 =	sld [smem:$0x3FB5]  }
0x2c: {  	s7 =	sld [smem:$0x3FB6]  }
0x2d: {  	s3 =	simm.s32 $0x108;
	s8 =	sld [smem:$0x3FB7]  }
0x2e: {  	s3 =	simm.s32 @!p0 $0x1082;
	s9 =	sld [smem:$0x3FB8]  }
0x2f: {  	lr =	sadd.s32 s0, s3;
	s0 =	sld [smem:$0x3FAF]  }
0x30: {  	s3 =	sld [smem:$0x3FB2]  }
0x31: {  	[smem:$0x3FBB] =	sst s10  }
0x32: {  	s10 =	sld [smem:$0x3FB9];
	_ =	sdelay $0x3  }
0x33: {  	p0 =	seq.s32 s10, $0x1;
	s10 =	sld [smem:$0x3FBB];
	_ =	sdelay $0x3  }
0x34: {  	[smem:$0x3FBB] =	sst s10  }
0x35: {  	s10 =	sld [smem:$0x3FBA];
	_ =	sdelay $0x3  }
0x36: {  	p1 =	seq.s32 s10, $0x1;
	s10 =	sld [smem:$0x3FBB];
	_ =	sdelay $0x3  }
0x37: {  	[smem:$0x3FBB] =	sst s10  }
0x38: {  	s10 =	sld [smem:$0x3FBC]  }
0x39: {  	_ = 	snop;
	(pc) =	sbr.ind lr, $3  }
0x3a: {  	_ = 	snop  }
0x3b: {  	_ = 	snop  }
0x3c: {  	p2 =	seq.s32 s10, $0x1;
	s10 =	sld [smem:$0x3FBB]  }
0x3d: {  	_ =	shalt  }
0x3e: {  	_ =	shalt  }
0x3f: {  	_ =	shalt  }
0x40: {  	_ =	shalt  }
0x41: {  	_ =	shalt  }
0x42: {  	_ =	shalt  }
0x43: {  	_ =	shalt  }
0x44: {  	_ =	shalt  }
0x45: {  	_ =	shalt  }
0x46: {  	_ =	shalt  }
0x47: {  	_ =	shalt  }
0x48: {  	_ =	shalt  }
0x49: {  	_ =	shalt  }
0x4a: {  	_ =	shalt  }
0x4b: {  	_ =	shalt  }
0x4c: {  	_ =	shalt  }
0x4d: {  	_ =	shalt  }
0x4e: {  	_ =	shalt  }
0x4f: {  	_ =	shalt  }
0x50: {  	_ =	shalt  }
0x51: {  	_ =	shalt  }
0x52: {  	_ =	shalt  }
0x53: {  	_ =	shalt  }
0x54: {  	_ =	shalt  }
0x55: {  	_ =	shalt  }
0x56: {  	_ =	shalt  }
0x57: {  	_ =	shalt  }
0x58: {  	_ =	shalt  }
0x59: {  	_ =	shalt  }
0x5a: {  	_ =	shalt  }
0x5b: {  	_ =	shalt  }
0x5c: {  	_ =	shalt  }
0x5d: {  	_ =	shalt  }
0x5e: {  	_ =	shalt  }
0x5f: {  	_ =	shalt  }
0x60: {  	_ =	shalt  }
0x61: {  	_ =	shalt  }
0x62: {  	_ =	shalt  }
0x63: {  	_ =	shalt  }
0x64: {  	_ =	shalt  }
0x65: {  	_ =	shalt  }
0x66: {  	_ =	shalt  }
0x67: {  	_ =	shalt  }
0x68: {  	_ =	shalt  }
0x69: {  	_ =	shalt  }
0x6a: {  	_ =	shalt  }
0x6b: {  	_ =	shalt  }
0x6c: {  	_ =	shalt  }
0x6d: {  	_ =	shalt  }
0x6e: {  	_ =	shalt  }
0x6f: {  	_ =	shalt  }
0x70: {  	_ =	shalt  }
0x71: {  	_ =	shalt  }
0x72: {  	_ =	shalt  }
0x73: {  	_ =	shalt  }
0x74: {  	_ =	shalt  }
0x75: {  	_ =	shalt  }
0x76: {  	_ =	shalt  }
0x77: {  	_ =	shalt  }
0x78: {  	_ =	shalt  }
0x79: {  	_ =	shalt  }
0x7a: {  	_ =	shalt  }
0x7b: {  	_ =	shalt  }
0x7c: {  	_ =	shalt  }
0x7d: {  	_ =	shalt  }
0x7e: {  	_ =	shalt  }
0x7f: {  	_ =	shalt  }
0x80: {  	_ =	shalt  }
0x81: {  	_ =	shalt  }
0x82: {  	_ =	shalt  }
0x83: {  	_ =	shalt  }
0x84: {  	_ =	shalt  }
0x85: {  	_ =	shalt  }
0x86: {  	_ =	shalt  }
0x87: {  	_ =	shalt  }
.Lfunc_end0:
.L_simem_size_0:
called_computation_lowered:
.L_overlay_start_0:
0x88: {  	s2 =	sld [smem:$0x3FD9]  }
0x89: {  	s3 =	sld [smem:$0x3FFE];
	_ =	sdelay $0x1  }
0x8a: {  	s1 =	srdreg.scid  }
0x8b: {  	s0 =	sand.u32 $0x1, s1  }
0x8c: {  	s17 =	sshll.u32 s0, $0xA;
	s2 =	sadd.s32 s3, s2  }
0x8d: {  	s2 =	sadd.s32 s2, s17  }
0x8e: {  	[smem:$0x3FC7] =	sst s2  }
0x8f: {  	_ = 	snop  }
0x90: {  	s2 =	sld [smem:$0x3FD0];
	(tm) =	ssettm $0x1  }
0x91: {  	s18 =	sld [smem:$0x3FFB];
	_ =	sdelay $0x3  }
0x92: {  	_ =	strace s18  }
0x93: {  	s3 =	sld [smem:$0x3FFC];
	_ =	sdelay $0x3  }
0x94: {  	_ =	strace s3  }
0x95: {  	s3 =	sld [smem:$0x3FFD];
	_ =	sdelay $0x3  }
0x96: {  	_ =	strace s3  }
0x97: {  	_ =	strace $0x8FFFFFFF  }
0x98: {  	s19 =	sld [smem:$0x3FDB];
	_ =	sdelay $0x1  }
0x99: {  	s4 =	simm.s32 $_scs_section_size  }
0x9a: {  	s5 =	simm.s32 $_size__tile_overlayer_lowered;
	s6 =	simm.s32 $_tile_overlayer_lowered  }
0x9b: {  	s22 =	simm.s32 $0x1BFF;
	s21 =	sshll.u32 s6, $0x1;
	s3 =	sadd.s32 s4, s19  }
0x9c: {  	s7 =	simm.s32 $0x0;
	s20 =	sshll.u32 s5, $0x1;
	s5 =	sadd.s32 s21, s3  }
0x9d: {  	[timem:s7], [sflag:s22] =	dma.local [hbm:s5], s20  }
0x9e: {  	_ =	swait.ge [sflag:s22], s20  }
0x9f: {  	s4 =	ssub.s32 $0x0, s20;
	[sflag:s22] =	ssyncset.done $0x0  }
0xa0: {  	[sflag:s22] =	ssyncadd.s32 s4;
	_ =	sdelay $0x1  }
0xa1: {  	s23 =	simm.s32 $0x1B8B  }
0xa2: {  	_ =	swait.ge [sflag:s23], $0x1  }
0xa3: {  	[sflag:s23] =	ssyncset.done $0x0  }
0xa4: {  	s25 =	simm.s32 $0x1B8E;
	s24 =	sld [smem:$0x3FFE];
	[sflag:s23] =	ssyncadd.s32 $0xFFFFFFFF  }
0xa5: {  	s26 =	simm.s32 $execute0_lowered;
	[smem:$0x3FD2] =	sst s25  }
0xa6: {  	s5 =	sshll.u32 s26, $0x1;
	_ =	strace $0x80000046;
	[dreg:$0x1] =	wrdreg $0xFFFFFFFF  }
0xa7: {  	s28 =	simm.s32 $_size_execute0_lowered;
	s3 =	sadd.s32 s3, s5;
	[dreg:$0x0] =	wrdreg $0x0  }
0xa8: {  	s5 =	sshll.u32 s28, $0x1;
	[dreg:$0x2] =	wrdreg s3  }
0xa9: {  	[dreg:$0x3] =	wrdreg s5  }
0xaa: {  	[dreg:$0x4] =	wrdreg $0xC0  }
0xab: {  	_ =	task [dreg:s7], $0x5FFFF  }
0xac: {  	[dreg:$0x1] =	wrdreg $0xFFFFFFFF  }
0xad: {  	[dreg:$0x0] =	wrdreg $0x60  }
0xae: {  	[dreg:$0x2] =	wrdreg s24  }
0xaf: {  	[dreg:$0x3] =	wrdreg s2  }
0xb0: {  	[dreg:$0x4] =	wrdreg $0x9  }
0xb1: {  	_ =	task.clear_ibuf [dreg:s7], $0x5FFFF;
	_ =	strace $0x90000046  }
0xb2: {  	s29 =	simm.s32 $0x9;
	_ =	strace $0x80000048  }
0xb3: {  	_ =	swait.ge [sflag:s29], $0x1  }
0xb4: {  	[sflag:s29] =	ssyncadd.s32 $0xFFFFFFFF  }
0xb5: {  	_ =	strace $0x90000048  }
0xb6: {  	_ =	sfence  }
0xb7: {  	s30 =	sld [smem:$0x0];
	_ =	sdelay $0x2  }
0xb8: {  	s31 =	sshll.u32 s1, $0xD;
	s1 =	sshrl.u32 s1, $0x2  }
0xb9: {  	s3 =	sand.u32 $0x4000, s31;
	s1 =	sadd.s32 s1, s30  }
0xba: {  	s0 =	sor.u32 s3, s0;
	s1 =	sshll.u32 s1, $0x11  }
0xbb: {  	s0 =	sor.u32 s1, s0  }
0xbc: {  	s0 =	sadd.s32 $0x8F2B, s0  }
0xbd: {  	[sflag:s0] =	ssyncadd.remote.s32 $0x1  }
0xbe: {  	_ =	sfence.sel $0xFFFF  }
0xbf: {  	[dreg:$0x0] =	wrdreg $0xFFFFFFFF;
	(pc) =	sbr.abs _section_cstart, $3  }
0xc0: {  	[dreg:$0x1] =	wrdreg $0xFFFFFFFF  }
0xc1: {  	_ =	task.clear_ibuf [dreg:s7], $0x2FFFF;
	_ =	strace $0x9FFFFFFF  }
0xc2: {  	(tm) =	ssettm $0x7FFFFFFF  }
0xc3: {  	_ =	shalt  }
tec
execute0_lowered:
.L_overlay_start_1:
0x0: {  	(tag) =	ssettag $0x1  }
0x1: {  	s2 =	rddreg [dreg:$0x0]  }
0x2: {  	s3 =	rddreg [dreg:$0x1]  }
0x3: {  	s0 =	rddreg [dreg:$0x2];
	s1 =	srdreg.scid;
	_ =	strace $0x80000047  }
0x4: {  	s4 =	simm.s32 $0x1;
	s9 =	simm.s32 $0x3;
	s5 =	sshll.u32 s1, $0x4  }
.Ltmp0:
0x5: {  	s1 =	stileid.u32;
	s5 =	sand.u32 $0x10, s5;
	(pc) =	sbr.rel .LBB2_1-.Ltmp0, $4  }
0x6: {  	s12 =	simm.s32 $0x0;
	s10 =	simm.s32 $0x0;
	s6 =	sor.u32 s1, s5  }
0x7: {  	[sflag:s4] =	ssyncpa.u1 $0x0;
	s5 =	simm.s32 $0x2;
	s6 =	sshll.u32 s6, $0x7  }
0x8: {  	s7 =	sadd.s32 $0x138800, s2;
	[sflag:s5] =	ssyncpa.u1 $0x0;
	s8 =	sadd.s32 $0x80, s6  }
0x9: {  	vm0 =	vmmov $0xff;
	vm1 =	vcmask $0x3F20;
	[sflag:s9] =	ssyncpa.u1 $0x0;
	s9 =	simm.s32 $0x80;
	s11 =	smov.u32 s6  }
.LBB2_9:
0xa: {  	p0 =	seq.s32 s10, $0x2  }
.Ltmp1:
0xb: {  	_ = 	snop;
	(pc) =	sbr.rel @p0 .LBB2_11-.Ltmp1, $1  }
0xc: {  	_ =	sdelay $0x3  }
.LBB2_10:
0xd: {  	s12 =	sadd.s32 $0x80, s11  }
0xe: {  	s13 =	smov.u32 s6;
	p0 =	slt.s32 s12, s8  }
0xf: {  	s13 =	smov.u32 @p0 s12  }
0x10: {  	s10 =	sadd.s32 $0x1, s10;
	s12 =	smov.u32 s11;
	s11 =	smov.u32 s13  }
.LBB2_1:
0x11: {  	p0 =	sne.s32 s10, $0x0  }
.Ltmp2:
0x12: {  	_ = 	snop;
	(pc) =	sbr.rel @!p0 .LBB2_2-.Ltmp2, $1  }
0x13: {  	_ =	sdelay $0x3  }
0x14: {  	s13 =	sand.u32 $0x1, s10  }
0x15: {  	p0 =	seq.s32 s13, $0x0  }
.Ltmp3:
0x16: {  	_ = 	snop;
	(pc) =	sbr.rel @p0 .LBB2_9-.Ltmp3, $1  }
0x17: {  	_ =	sdelay $0x3  }
0x18: {  	_ =	swait.ge [sflag:s5], $0x80  }
0x19: {  	[sflag:s5] =	ssyncset.done $0x0  }
0x1a: {  	s13 =	simm.s32 $0x0;
	[sflag:s5] =	ssyncadd.s32 $0xFFFFFF80  }
0x1b: {  	v0 =	vld.msk [tilespmem:s13+$0x80 ss:$0x1], $0xffff;
	_ =	sdelay $0x4  }
0x1c: {  	v1 =	vand.u32 $0x3, v0;
	v2 =	vshll.u32 v0, $0x5  }
0x1d: {  	vm2 =	veq.s32 v0, $0x80000000;
	v0 =	vmul.u32 $0x271000, v1;
	v1 =	vand.u32 $0x3FFF80, v2  }
0x1e: {  	v1 =	vsel vm2, $0xFFFFFF80, v1  }
0x1f: {  	v0 =	vsel vm2, $0xFFD8F000, v0;
	v2 =	vand.u32 $0xFFFFFC00, v1  }
0x20: {  	v1 =	vand.u32 $0x380, v1;
	v0 =	vadd.s32 v0, v2  }
0x21: {  	v0 =	vor.u32 v1, v0  }
0x22: {  	v0 =	vshrl.u32 v0, $0x3;
	_ =	sdelay $0x3  }
0x23: {  	s13 =	simm.s32 $0x4100  }
0x24: {  	[tilespmem:s13], [sflag:$0x1] =	stream.indirect_vreg.gather [hbm:s2], $0x80, v0, vm0, $0x38;
	[tilespmem:$0x8100] =	vst v63  }
0x25: {  	s14 =	simm.s32 $0x4500;
	s31 =	simm.s32 $0x10  }
0x26: {  	[tilespmem:s14], [sflag:$0x1] =	stream.indirect_vreg.gather [hbm:s2], $0x80, v0, vm1, $0x38;
	[tilespmem:$0x8100] =	vst v63  }
0x27: {  	s14 =	simm.s32 $0x80;
	v0 =	vld.msk [tilespmem:s31+$0x80 ss:$0x1], $0xffff  }
.LBB2_5:
0x28: {  	p0 =	sne.s32 s14, $0x1C0;
	_ =	sdelay $0x4  }
0x29: {  	v1 =	vand.u32 $0x3, v0;
	v2 =	vshll.u32 v0, $0x5  }
0x2a: {  	vm2 =	veq.s32 v0, $0x80000000;
	v0 =	vmul.u32 $0x271000, v1;
	v1 =	vand.u32 $0x3FFF80, v2  }
0x2b: {  	v1 =	vsel vm2, $0xFFFFFF80, v1  }
0x2c: {  	v0 =	vsel vm2, $0xFFD8F000, v0;
	v2 =	vand.u32 $0xFFFFFC00, v1  }
0x2d: {  	v1 =	vand.u32 $0x380, v1;
	v0 =	vadd.s32 v0, v2  }
0x2e: {  	v0 =	vor.u32 v1, v0  }
0x2f: {  	v0 =	vshrl.u32 v0, $0x3;
	_ =	sdelay $0x3  }
.Ltmp4:
0x30: {  	s13 =	sadd.s32 $0x800, s13;
	(pc) =	sbr.rel @p0 .LBB2_5-.Ltmp4, $4  }
0x31: {  	[tilespmem:s13], [sflag:$0x1] =	stream.indirect_vreg.gather [hbm:s2], $0x80, v0, vm0, $0x38;
	[tilespmem:$0x8100] =	vst v63  }
0x32: {  	s15 =	sshra.s32 s14, $0x2;
	s16 =	sadd.s32 $0x400, s13  }
0x33: {  	[tilespmem:s16], [sflag:$0x1] =	stream.indirect_vreg.gather [hbm:s2], $0x80, v0, vm1, $0x38;
	[tilespmem:$0x8100] =	vst v63  }
0x34: {  	s14 =	sadd.s32 $0x40, s14;
	v0 =	vld.msk [tilespmem:s15+$0x80 ss:$0x1], $0xffff  }
0x35: {  	_ =	sdelay $0x3  }
0x36: {  	v1 =	vand.u32 $0x3, v0;
	v2 =	vshll.u32 v0, $0x5  }
0x37: {  	vm2 =	veq.s32 v0, $0x80000000;
	v61 =	vmul.u32 $0x271000, v1;
	v62 =	vand.u32 $0x3FFF80, v2  }
0x38: {  	v1 =	vsel vm2, $0xFFFFFF80, v62  }
0x39: {  	v0 =	vsel vm2, $0xFFD8F000, v61;
	v63 =	vand.u32 $0xFFFFFC00, v1  }
0x3a: {  	v1 =	vand.u32 $0x380, v1;
	v0 =	vadd.s32 v0, v63  }
0x3b: {  	v0 =	vor.u32 v1, v0  }
0x3c: {  	v0 =	vshrl.u32 v0, $0x3;
	_ =	sdelay $0x3  }
0x3d: {  	s13 =	sadd.s32 $0x800, s13  }
0x3e: {  	[tilespmem:s13], [sflag:$0x1] =	stream.indirect_vreg.gather [hbm:s2], $0x80, v0, vm0, $0x38;
	[tilespmem:$0x8100] =	vst v63  }
0x3f: {  	s13 =	sadd.s32 $0x400, s13  }
0x40: {  	[tilespmem:s13], [sflag:$0x1] =	stream.indirect_vreg.gather [hbm:s2], $0x80, v0, vm1, $0x38;
	[tilespmem:$0x8100] =	vst v63  }
0x41: {  	s12 =	sshll.u32 s12, $0x4;
	s14 =	simm.s32 $0x80;
	_ =	swait.ge [sflag:s4], $0x4000  }
0x42: {  	s15 =	simm.s32 $0x4500;
	s12 =	sadd.s32 s12, s7;
	[sflag:s4] =	ssyncset.done $0x0  }
0x43: {  	s16 =	sadd.s32 $0x0, s12;
	s13 =	simm.s32 $0x4100;
	[sflag:s4] =	ssyncadd.s32 $0xFFFFC000  }
.LBB2_7:
0x44: {  	[hbm:s16] =	stream.linear.scatter [tilespmem:s13], [sflag:$0x3], $0x400, $0x38;
	[tilespmem:$0x8100] =	vst v63  }
0x45: {  	s16 =	smov.u32 s14;
	s13 =	smov.u32 s15;
	p0 =	sne.s32 s14, $0x780  }
.Ltmp5:
0x46: {  	s14 =	sadd.s32 $0x80, s14;
	(pc) =	sbr.rel @p0 .LBB2_7-.Ltmp5, $2  }
0x47: {  	_ =	sdelay $0x2  }
0x48: {  	s15 =	sadd.s32 $0x400, s15;
	s16 =	sadd.s32 s16, s12  }
.Ltmp6:
0x49: {  	(pc) =	sbr.rel .LBB2_9-.Ltmp6, $2  }
0x4a: {  	_ =	sdelay $0x2  }
0x4b: {  	[hbm:s16] =	stream.linear.scatter [tilespmem:s13], [sflag:$0x3], $0x400, $0x38;
	[tilespmem:$0x8100] =	vst v63  }
.LBB2_2:
.Ltmp7:
0x4c: {  	(pc) =	sbr.rel .LBB2_10-.Ltmp7, $4  }
0x4d: {  	_ = 	snop  }
0x4e: {  	s12 =	sshrl.u32 s11, $0x3  }
0x4f: {  	s13 =	sand.u32 $0x7, s11;
	s12 =	sadd.s32 s3, s12  }
0x50: {  	[tilespmem:s9], [sflag:$0x2] =	stream.linear.gather [hbm4b:s12+s13], $0x80, $0x38;
	[tilespmem:$0x8100] =	vst v63  }
.LBB2_11:
0x51: {  	s2 =	simm.s32 $0x3  }
0x52: {  	_ =	swait.ge [sflag:s2], $0x4000  }
0x53: {  	[sflag:s2] =	ssyncset.done $0x0  }
0x54: {  	[sflag:s2] =	ssyncadd.s32 $0xFFFFC000  }
0x55: {  	_ =	sfence.sel $0x180000  }
0x56: {  	s3 =	simm.s32 $0x2;
	[bflag:$0x0] =	sbarrier.arrive $0xFFFF  }
0x57: {  	[sflag:s3] =	ssyncpa.u1 $0x1  }
0x58: {  	s31 =	simm.s32 $0x1;
	[sflag:s2] =	ssyncpa.u1 $0x1  }
0x59: {  	[sflag:s31] =	ssyncpa.u1 $0x1  }
0x5a: {  	p0 =	sne.s32 s1, $0x0;
	_ =	strace $0x90000047  }
0x5b: {  	s0 =	sadd.s32 @!p0 $0x100000, s0;
	[bflag:$0x2] =	sbarrier.arrive $0xFFFF  }
0x5c: {  	[sflag:s0] =	ssyncadd.tile.s32 @!p0 $0x1;
	_ =	shalt  }
.Lfunc_end2:
_tile_overlayer_lowered:
.L_overlay_start_2:
0x5d: {  	(tag) =	ssettag $0x2  }
0x5e: {  	s0 =	rddreg [dreg:$0x0];
	s2 =	stileid.u32  }
0x5f: {  	s1 =	rddreg [dreg:$0x1];
	p0 =	sne.s32 s2, $0x0  }
0x60: {  	s3 =	rddreg [dreg:$0x2];
	[bflag:$0x3] =	sbarrier.arrive $0xFFFF;
	s2 =	simm.s32 @!p0 $0x1C01  }
0x61: {  	[timem:s3], [sflag:s2] =	dma.local @!p0 [hbm:s0], s1  }
0x62: {  	s0 =	simm.s32 @!p0 $0x1  }
0x63: {  	_ =	swait.ge @!p0 [sflag:s0], s1  }
0x64: {  	s1 =	ssub.s32 @!p0 $0x0, s1;
	[sflag:s0] =	ssyncset.done @!p0 $0x0  }
0x65: {  	[sflag:s0] =	ssyncadd.s32 @!p0 s1  }
0x66: {  	[bflag:$0x3] =	sbarrier.arrive $0xFFFF  }
0x67: {  	_ =	shalt  }

</sc_bundles>
